<compile_context>
chip_gen: v7x
topology: tpu7x:2x2x1
jax: 0.10.2.dev20260603
libtpu: 0.0.44.dev20260713+nightly
codegen_flags: <defaults>
</compile_context>

<pallas_src>
import functools

import jax
import jax.numpy as jnp
from jax import lax
from jax.experimental import pallas as pl
from jax.experimental.pallas import tpu as pltpu
from jax.experimental.pallas import tpu_sc as plsc

N = 10000
E = 160000
D = 256
HALF = 128

TILES = 16
CHUNK = 120
NCHUNK = 84
EP = TILES * NCHUNK * CHUNK
NP = 10112
RPT = NP // TILES



def _sc_agg_body(h2, src2, dstr, zrow,
                 agg_out,
                 accf,
                 src_stage,
                 idA0, idA1, idB0, idB1,
                 rows0, rows1,
                 i0, i1, i2, i3,
                 gsem0, gsem1):
    c = lax.axis_index("c")
    s = lax.axis_index("s")

    pltpu.sync_copy(src2.at[c, s], src_stage)

    pltpu.sync_copy(zrow, rows0)
    for t in range(RPT // CHUNK):
        pltpu.sync_copy(rows0, accf.at[pl.ds(s * RPT + t * CHUNK, CHUNK)])
    pltpu.sync_copy(rows0.at[pl.ds(0, RPT % CHUNK)],
                    accf.at[pl.ds(s * RPT + RPT - RPT % CHUNK, RPT % CHUNK)])
    plsc.subcore_barrier()

    g0p = pltpu.async_copy(h2.at[src_stage.at[0]], rows0, gsem0)
    g1p = pltpu.async_copy(h2.at[src_stage.at[1]], rows1, gsem1)

    def _body(j, carry):
        q0 = j * 4
        q1 = q0 + 1
        q2 = q0 + 2
        q3 = q0 + 3
        qn = lax.min(q0 + 4, NCHUNK - 2)
        cD0 = pltpu.async_copy(dstr.at[s, q0], idA0, i0)
        cD1 = pltpu.async_copy(dstr.at[s, q1], idA1, i1)
        cD2 = pltpu.async_copy(dstr.at[s, q2], idB0, i2)
        cD3 = pltpu.async_copy(dstr.at[s, q3], idB1, i3)
        pltpu.make_async_copy(h2.at[src_stage.at[q0]], rows0, gsem0).wait()
        cD0.wait()
        pltpu.sync_copy(rows0, accf.at[idA0], add=True)
        g2 = pltpu.async_copy(h2.at[src_stage.at[q2]], rows0, gsem0)
        pltpu.make_async_copy(h2.at[src_stage.at[q1]], rows1, gsem1).wait()
        cD1.wait()
        pltpu.sync_copy(rows1, accf.at[idA1], add=True)
        g3 = pltpu.async_copy(h2.at[src_stage.at[q3]], rows1, gsem1)
        g2.wait()
        cD2.wait()
        pltpu.sync_copy(rows0, accf.at[idB0], add=True)
        pltpu.async_copy(h2.at[src_stage.at[qn]], rows0, gsem0)
        g3.wait()
        cD3.wait()
        pltpu.sync_copy(rows1, accf.at[idB1], add=True)
        pltpu.async_copy(h2.at[src_stage.at[qn + 1]], rows1, gsem1)
        return carry

    lax.fori_loop(0, NCHUNK // 4, _body, 0)

    pltpu.make_async_copy(h2.at[src_stage.at[NCHUNK - 2]], rows0, gsem0).wait()
    pltpu.make_async_copy(h2.at[src_stage.at[NCHUNK - 1]], rows1, gsem1).wait()
    plsc.subcore_barrier()

    pltpu.sync_copy(accf.at[pl.ds(s * RPT, RPT)],
                    agg_out.at[c, pl.ds(s * RPT, RPT)])


@functools.cache
def _make_sc_agg():
    return pl.kernel(
        _sc_agg_body,
        mesh=plsc.VectorSubcoreMesh(core_axis_name="c", subcore_axis_name="s"),
        out_type=jax.ShapeDtypeStruct((2, NP, HALF), jnp.float32),
        scratch_types=(
            [pltpu.VMEM_SHARED((NP, HALF), jnp.float32)]
            + [pltpu.VMEM((NCHUNK, CHUNK), jnp.int32)]
            + [pltpu.VMEM((CHUNK,), jnp.int32) for _ in range(4)]
            + [pltpu.VMEM((CHUNK, HALF), jnp.float32) for _ in range(2)]
            + [pltpu.SemaphoreType.DMA for _ in range(6)]
        ),
    )



def _sc_cnt_body(dstr, zcnt, ones_h,
                 cnt_out,
                 accc,
                 idA, idB, ones_b,
                 c0, c1):
    c = lax.axis_index("c")
    s = lax.axis_index("s")
    half = NCHUNK // 2
    base = c * half

    pltpu.async_copy(dstr.at[s, base], idA, c0)
    pltpu.async_copy(dstr.at[s, base + 1], idB, c1)
    pltpu.sync_copy(ones_h, ones_b)
    pltpu.sync_copy(zcnt, accc.at[pl.ds(s * RPT, RPT)])
    plsc.subcore_barrier()

    def _body(j, carry):
        q = base + j * 2
        qn = lax.min(q + 2, base + half - 2)
        pltpu.make_async_copy(dstr.at[s, q], idA, c0).wait()
        pltpu.sync_copy(ones_b, accc.at[idA], add=True)
        pltpu.async_copy(dstr.at[s, qn], idA, c0)
        pltpu.make_async_copy(dstr.at[s, q + 1], idB, c1).wait()
        pltpu.sync_copy(ones_b, accc.at[idB], add=True)
        pltpu.async_copy(dstr.at[s, qn + 1], idB, c1)
        return carry

    lax.fori_loop(0, NCHUNK // 2 // 2, _body, 0)
    pltpu.make_async_copy(dstr.at[s, base + half - 2], idA, c0).wait()
    pltpu.make_async_copy(dstr.at[s, base + half - 1], idB, c1).wait()
    plsc.subcore_barrier()

    pltpu.sync_copy(accc.at[pl.ds(s * RPT, RPT)],
                    cnt_out.at[c, pl.ds(s * RPT, RPT)])


@functools.cache
def _make_sc_cnt():
    return pl.kernel(
        _sc_cnt_body,
        mesh=plsc.VectorSubcoreMesh(core_axis_name="c", subcore_axis_name="s"),
        out_type=jax.ShapeDtypeStruct((2, NP, HALF), jnp.float32),
        scratch_types=[
            pltpu.VMEM_SHARED((NP, HALF), jnp.float32),
            pltpu.VMEM((CHUNK,), jnp.int32),
            pltpu.VMEM((CHUNK,), jnp.int32),
            pltpu.VMEM((CHUNK, HALF), jnp.float32),
            pltpu.SemaphoreType.DMA,
            pltpu.SemaphoreType.DMA,
        ],
    )



BLK = 2000


def _layer_body(h, a0, a1, cnt, wl0, wl1, wr, bl, o):
    inv = 1.0 / jnp.maximum(cnt[...], 1.0)
    acc = jnp.dot(a0[...] * inv, wl0[...], preferred_element_type=jnp.float32)
    acc += jnp.dot(a1[...] * inv, wl1[...], preferred_element_type=jnp.float32)
    acc += jnp.dot(h[...], wr[...], preferred_element_type=jnp.float32)
    o[...] = jnp.maximum(acc + bl[...], 0.0)


def _final_body(h, a0, a1, cnt, wl0, wl1, wr, bl, w1, b1, w2, b2, o):
    inv = 1.0 / jnp.maximum(cnt[...], 1.0)
    acc = jnp.dot(a0[...] * inv, wl0[...], preferred_element_type=jnp.float32)
    acc += jnp.dot(a1[...] * inv, wl1[...], preferred_element_type=jnp.float32)
    acc += jnp.dot(h[...], wr[...], preferred_element_type=jnp.float32)
    t = jnp.maximum(acc + bl[...], 0.0)
    u = jnp.dot(t, w1[...], preferred_element_type=jnp.float32) + b1[...]
    v = jnp.dot(u, w2[...], preferred_element_type=jnp.float32) + b2[...]
    m = jnp.max(v, axis=1, keepdims=True)
    lse = jnp.log(jnp.sum(jnp.exp(v - m), axis=1, keepdims=True)) + m
    o[...] = v - lse


def _row_spec(w):
    return pl.BlockSpec((BLK, w), lambda i: (i, 0))


def _full_spec(r, c):
    return pl.BlockSpec((r, c), lambda i: (0, 0))


_layer_call = pl.pallas_call(
    _layer_body,
    grid=(N // BLK,),
    in_specs=[
        _row_spec(D), _row_spec(HALF), _row_spec(HALF), _row_spec(1),
        _full_spec(HALF, D), _full_spec(HALF, D), _full_spec(D, D),
        _full_spec(1, D),
    ],
    out_specs=_row_spec(D),
    out_shape=jax.ShapeDtypeStruct((N, D), jnp.float32),
)

_final_call = pl.pallas_call(
    _final_body,
    grid=(N // BLK,),
    in_specs=[
        _row_spec(D), _row_spec(HALF), _row_spec(HALF), _row_spec(1),
        _full_spec(HALF, D), _full_spec(HALF, D), _full_spec(D, D),
        _full_spec(1, D),
        _full_spec(D, D), _full_spec(1, D),
        _full_spec(D, D), _full_spec(1, D),
    ],
    out_specs=_row_spec(D),
    out_shape=jax.ShapeDtypeStruct((N, D), jnp.float32),
)



def kernel(x, edge_index, batch,
           l0_Wl, l0_bl, l0_Wr,
           l1_Wl, l1_bl, l1_Wr,
           l2_Wl, l2_bl, l2_Wr,
           mp_W1, mp_b1, mp_W2, mp_b2):
    src = edge_index[0]
    dst = edge_index[1]
    pad = EP - E
    src_p = jnp.concatenate([src, jnp.zeros((pad,), jnp.int32)])
    dst_p = jnp.concatenate([dst, jnp.full((pad,), N, jnp.int32)])
    dstr = dst_p.reshape(TILES, NCHUNK, CHUNK)
    src2 = jnp.stack([(src_p * 2).reshape(TILES, NCHUNK, CHUNK),
                      (src_p * 2 + 1).reshape(TILES, NCHUNK, CHUNK)])
    zrow = jnp.zeros((CHUNK, HALF), jnp.float32)
    zcnt = jnp.zeros((RPT, HALF), jnp.float32)

    ones_h = jnp.zeros((CHUNK, HALF), jnp.float32).at[:, 0].set(1.0)
    cnt16 = _make_sc_cnt()(dstr, zcnt, ones_h)
    cnt = cnt16[0, :N, 0:1] + cnt16[1, :N, 0:1]

    layers = [
        (l0_Wl[:, :HALF].T, l0_Wl[:, HALF:].T, l0_bl[None, :], l0_Wr.T),
        (l1_Wl[:, :HALF].T, l1_Wl[:, HALF:].T, l1_bl[None, :], l1_Wr.T),
        (l2_Wl[:, :HALF].T, l2_Wl[:, HALF:].T, l2_bl[None, :], l2_Wr.T),
    ]

    h = x
    for i, (wl0, wl1, bl, wr) in enumerate(layers):
        h2 = h.reshape(2 * N, HALF)
        agg = _make_sc_agg()(h2, src2, dstr, zrow)
        a0 = agg[0, :N]
        a1 = agg[1, :N]
        if i < 2:
            h = _layer_call(h, a0, a1, cnt, wl0, wl1, wr, bl)
        else:
            out = _final_call(h, a0, a1, cnt, wl0, wl1, wr, bl,
                              mp_W1.T, mp_b1[None, :], mp_W2.T, mp_b2[None, :])
    return out

# --- scband reference (transcript-rebuilt; emitter-appended) ---
"""Pipeline reference for scband-gnnstack-10110353015275 (READ-ONLY COPY).

The authoritative reference and input builder live on the scoring server;
editing this copy changes nothing except your own understanding.
"""

import jax, jax.numpy as jnp
import numpy as np

N = 10000
E = 160000
D = 256
H = 256
O = 256


def setup_inputs(seed: int = 0) -> dict:
    key = jax.random.key(seed)
    ks = jax.random.split(key, 20)
    inp = {}
    inp["x"] = jax.random.normal(ks[0], (N, D), dtype=jnp.float32)
    inp["edge_index"] = jax.random.randint(ks[1], (2, E), 0, N, dtype=jnp.int32)
    inp["batch"] = jnp.zeros((N,), dtype=jnp.int32)
    # SAGEConv params per layer: lin_l (weight Wl [out,in] + bias bl) applied to aggregated
    # neighbor mean, lin_r (weight Wr [out,in], no bias) applied to root features.
    dims = [(D, H), (H, H), (H, H)]
    kidx = 2
    for i, (di, do) in enumerate(dims):
        inp[f"l{i}_Wl"] = jax.random.normal(ks[kidx], (do, di), dtype=jnp.float32) * 0.05; kidx += 1
        inp[f"l{i}_bl"] = jnp.zeros((do,), dtype=jnp.float32)
        inp[f"l{i}_Wr"] = jax.random.normal(ks[kidx], (do, di), dtype=jnp.float32) * 0.05; kidx += 1
    # post_mp: Linear(H,H) -> Dropout -> Linear(H,O)
    inp["mp_W1"] = jax.random.normal(ks[kidx], (H, H), dtype=jnp.float32) * 0.05; kidx += 1
    inp["mp_b1"] = jnp.zeros((H,), dtype=jnp.float32)
    inp["mp_W2"] = jax.random.normal(ks[kidx], (O, H), dtype=jnp.float32) * 0.05; kidx += 1
    inp["mp_b2"] = jnp.zeros((O,), dtype=jnp.float32)
    return inp


def reference(x, edge_index, batch,
              l0_Wl, l0_bl, l0_Wr,
              l1_Wl, l1_bl, l1_Wr,
              l2_Wl, l2_bl, l2_Wr,
              mp_W1, mp_b1, mp_W2, mp_b2):
    src = edge_index[0]
    dst = edge_index[1]

    def sage_conv(h, Wl, bl, Wr):
        # mean aggregation of source-node messages onto destination nodes
        agg = jax.ops.segment_sum(h[src], dst, num_segments=N)
        cnt = jax.ops.segment_sum(jnp.ones((E,), dtype=h.dtype), dst, num_segments=N)
        mean = agg / jnp.clip(cnt, 1.0)[:, None]
        return mean @ Wl.T + bl + h @ Wr.T

    h = x
    for (Wl, bl, Wr) in [(l0_Wl, l0_bl, l0_Wr), (l1_Wl, l1_bl, l1_Wr), (l2_Wl, l2_bl, l2_Wr)]:
        h = sage_conv(h, Wl, bl, Wr)
        h = jax.nn.relu(h)
        # dropout is identity in eval / reference mode
    h = h @ mp_W1.T + mp_b1
    h = h @ mp_W2.T + mp_b2
    return jax.nn.log_softmax(h, axis=1)

if __name__ == "__main__":
    import jax
    _d = setup_inputs()
    print(jax.jit(kernel)(*tuple(_d.values())))

</pallas_src>

<mosaic_0001>
#map = affine_map<(d0, d1) -> (0, 0)>
#map1 = affine_map<(d0, d1) -> (0, 0, 0, 0)>
#map2 = affine_map<(d0, d1) -> (0, 0, 0)>
module attributes {stable_mosaic.version = 14 : i64} {
  func.func @_sc_agg_body(%arg0: i32, %arg1: i32, %arg2: memref<20000x128xf32, #tpu.memory_space<hbm>>, %arg3: memref<2x16x84x120xi32, #tpu.memory_space<hbm>>, %arg4: memref<16x84x120xi32, #tpu.memory_space<hbm>>, %arg5: memref<120x128xf32, #tpu.memory_space<hbm>>, %arg6: memref<2x10112x128xf32, #tpu.memory_space<hbm>>, %arg7: memref<10112x128xf32, #tpu.memory_space<vmem_shared>>, %arg8: memref<84x120xi32, #tpu.memory_space<vmem>>, %arg9: memref<120xi32, #tpu.memory_space<vmem>>, %arg10: memref<120xi32, #tpu.memory_space<vmem>>, %arg11: memref<120xi32, #tpu.memory_space<vmem>>, %arg12: memref<120xi32, #tpu.memory_space<vmem>>, %arg13: memref<120x128xf32, #tpu.memory_space<vmem>>, %arg14: memref<120x128xf32, #tpu.memory_space<vmem>>, %arg15: memref<!tpu.dma_semaphore, #tpu.memory_space<semaphore_mem>>, %arg16: memref<!tpu.dma_semaphore, #tpu.memory_space<semaphore_mem>>, %arg17: memref<!tpu.dma_semaphore, #tpu.memory_space<semaphore_mem>>, %arg18: memref<!tpu.dma_semaphore, #tpu.memory_space<semaphore_mem>>, %arg19: memref<!tpu.dma_semaphore, #tpu.memory_space<semaphore_mem>>, %arg20: memref<!tpu.dma_semaphore, #tpu.memory_space<semaphore_mem>>) attributes {dimension_semantics = [#tpu.dimension_semantics<core_parallel>, #tpu.dimension_semantics<subcore_parallel>], iteration_bounds = array<i64: 2, 16>, scalar_prefetch = 0 : i64, scratch_operands = 14 : i64, tpu.core_type = #tpu.core_type<sc_vector_subcore>, window_params = [{transform_indices = #map}, {transform_indices = #map1}, {transform_indices = #map2}, {transform_indices = #map}, {transform_indices = #map2}]} {
    "tpu.region"() ({
      %run_scoped3A = tpu.sem_alloc : memref<!tpu.dma_semaphore, #tpu.memory_space<semaphore_mem>>
      %dma_start3A_59 = arith.constant 0 : i32
      %dma_start3A_60 = arith.constant 0 : i32
      %dma_start3A_61 = tpu.memref_slice %arg3[%arg0, %arg1, %dma_start3A_59, %dma_start3A_60] : memref<2x16x84x120xi32, #tpu.memory_space<hbm>> -> memref<1x1x84x120xi32, #tpu.memory_space<hbm>>
      %dma_start3A_62 = tpu.memref_squeeze %dma_start3A_61 : memref<1x1x84x120xi32, #tpu.memory_space<hbm>> -> memref<84x120xi32, #tpu.memory_space<hbm>>
      %dma_start3A_63 = arith.constant 0 : i32
      %dma_start3A_64 = arith.constant 0 : i32
      %dma_start3A_65 = tpu.memref_slice %arg3[%arg0, %arg1, %dma_start3A_63, %dma_start3A_64] : memref<2x16x84x120xi32, #tpu.memory_space<hbm>> -> memref<1x1x84x120xi32, #tpu.memory_space<hbm>>
      %dma_start3A_66 = tpu.memref_squeeze %dma_start3A_65 : memref<1x1x84x120xi32, #tpu.memory_space<hbm>> -> memref<84x120xi32, #tpu.memory_space<hbm>>
      tpu.enqueue_dma source(%dma_start3A_66 : memref<84x120xi32, #tpu.memory_space<hbm>>) target(%arg8 : memref<84x120xi32, #tpu.memory_space<vmem>>) target_semaphore(%run_scoped3A : memref<!tpu.dma_semaphore, #tpu.memory_space<semaphore_mem>>)
      %dma_wait3A_67 = arith.constant 0 : i32
      %dma_wait3A_68 = arith.constant 0 : i32
      %dma_wait3A_69 = tpu.memref_slice %arg3[%arg0, %arg1, %dma_wait3A_67, %dma_wait3A_68] : memref<2x16x84x120xi32, #tpu.memory_space<hbm>> -> memref<1x1x84x120xi32, #tpu.memory_space<hbm>>
      %dma_wait3A_70 = tpu.memref_squeeze %dma_wait3A_69 : memref<1x1x84x120xi32, #tpu.memory_space<hbm>> -> memref<84x120xi32, #tpu.memory_space<hbm>>
      %dma_wait3A_71 = arith.constant 0 : i32
      %dma_wait3A_72 = arith.constant 0 : i32
      %dma_wait3A_73 = tpu.memref_slice %arg3[%arg0, %arg1, %dma_wait3A_71, %dma_wait3A_72] : memref<2x16x84x120xi32, #tpu.memory_space<hbm>> -> memref<1x1x84x120xi32, #tpu.memory_space<hbm>>
      %dma_wait3A_74 = tpu.memref_squeeze %dma_wait3A_73 : memref<1x1x84x120xi32, #tpu.memory_space<hbm>> -> memref<84x120xi32, #tpu.memory_space<hbm>>
      tpu.wait_dma2 semaphore(%run_scoped3A : memref<!tpu.dma_semaphore, #tpu.memory_space<semaphore_mem>>) src(%dma_wait3A_74 : memref<84x120xi32, #tpu.memory_space<hbm>>) dst(%arg8 : memref<84x120xi32, #tpu.memory_space<vmem>>)
      tpu.yield
    }) : () -> ()
    "tpu.region"() ({
      %run_scoped3A = tpu.sem_alloc : memref<!tpu.dma_semaphore, #tpu.memory_space<semaphore_mem>>
      tpu.enqueue_dma source(%arg5 : memref<120x128xf32, #tpu.memory_space<hbm>>) target(%arg13 : memref<120x128xf32, #tpu.memory_space<vmem>>) target_semaphore(%run_scoped3A : memref<!tpu.dma_semaphore, #tpu.memory_space<semaphore_mem>>)
      tpu.wait_dma2 semaphore(%run_scoped3A : memref<!tpu.dma_semaphore, #tpu.memory_space<semaphore_mem>>) src(%arg5 : memref<120x128xf32, #tpu.memory_space<hbm>>) dst(%arg13 : memref<120x128xf32, #tpu.memory_space<vmem>>)
      tpu.yield
    }) : () -> ()
    %mul3A = arith.constant 632 : i32
    %mul3A_0 = arith.muli %arg1, %mul3A : i32
    %add3A = arith.constant 0 : i32
    %add3A_1 = arith.addi %mul3A_0, %add3A : i32
    "tpu.region"() ({
      %run_scoped3A = tpu.sem_alloc : memref<!tpu.dma_semaphore, #tpu.memory_space<semaphore_mem>>
      %dma_start3A_59 = arith.constant 0 : i32
      %dma_start3A_60 = tpu.memref_slice %arg7[%add3A_1, %dma_start3A_59] : memref<10112x128xf32, #tpu.memory_space<vmem_shared>> -> memref<120x128xf32, #tpu.memory_space<vmem_shared>>
      %dma_start3A_61 = arith.constant 0 : i32
      %dma_start3A_62 = tpu.memref_slice %arg7[%add3A_1, %dma_start3A_61] : memref<10112x128xf32, #tpu.memory_space<vmem_shared>> -> memref<120x128xf32, #tpu.memory_space<vmem_shared>>
      tpu.enqueue_dma source(%arg13 : memref<120x128xf32, #tpu.memory_space<vmem>>) target(%dma_start3A_62 : memref<120x128xf32, #tpu.memory_space<vmem_shared>>) target_semaphore(%run_scoped3A : memref<!tpu.dma_semaphore, #tpu.memory_space<semaphore_mem>>)
      %dma_wait3A_63 = arith.constant 0 : i32
      %dma_wait3A_64 = tpu.memref_slice %arg7[%add3A_1, %dma_wait3A_63] : memref<10112x128xf32, #tpu.memory_space<vmem_shared>> -> memref<120x128xf32, #tpu.memory_space<vmem_shared>>
      %dma_wait3A_65 = arith.constant 0 : i32
      %dma_wait3A_66 = tpu.memref_slice %arg7[%add3A_1, %dma_wait3A_65] : memref<10112x128xf32, #tpu.memory_space<vmem_shared>> -> memref<120x128xf32, #tpu.memory_space<vmem_shared>>
      tpu.wait_dma2 semaphore(%run_scoped3A : memref<!tpu.dma_semaphore, #tpu.memory_space<semaphore_mem>>) src(%arg13 : memref<120x128xf32, #tpu.memory_space<vmem>>) dst(%dma_wait3A_66 : memref<120x128xf32, #tpu.memory_space<vmem_shared>>)
      tpu.yield
    }) : () -> ()
    %mul3A_2 = arith.constant 632 : i32
    %mul3A_3 = arith.muli %arg1, %mul3A_2 : i32
    %add3A_4 = arith.constant 120 : i32
    %add3A_5 = arith.addi %mul3A_3, %add3A_4 : i32
    "tpu.region"() ({
      %run_scoped3A = tpu.sem_alloc : memref<!tpu.dma_semaphore, #tpu.memory_space<semaphore_mem>>
      %dma_start3A_59 = arith.constant 0 : i32
      %dma_start3A_60 = tpu.memref_slice %arg7[%add3A_5, %dma_start3A_59] : memref<10112x128xf32, #tpu.memory_space<vmem_shared>> -> memref<120x128xf32, #tpu.memory_space<vmem_shared>>
      %dma_start3A_61 = arith.constant 0 : i32
      %dma_start3A_62 = tpu.memref_slice %arg7[%add3A_5, %dma_start3A_61] : memref<10112x128xf32, #tpu.memory_space<vmem_shared>> -> memref<120x128xf32, #tpu.memory_space<vmem_shared>>
      tpu.enqueue_dma source(%arg13 : memref<120x128xf32, #tpu.memory_space<vmem>>) target(%dma_start3A_62 : memref<120x128xf32, #tpu.memory_space<vmem_shared>>) target_semaphore(%run_scoped3A : memref<!tpu.dma_semaphore, #tpu.memory_space<semaphore_mem>>)
      %dma_wait3A_63 = arith.constant 0 : i32
      %dma_wait3A_64 = tpu.memref_slice %arg7[%add3A_5, %dma_wait3A_63] : memref<10112x128xf32, #tpu.memory_space<vmem_shared>> -> memref<120x128xf32, #tpu.memory_space<vmem_shared>>
      %dma_wait3A_65 = arith.constant 0 : i32
      %dma_wait3A_66 = tpu.memref_slice %arg7[%add3A_5, %dma_wait3A_65] : memref<10112x128xf32, #tpu.memory_space<vmem_shared>> -> memref<120x128xf32, #tpu.memory_space<vmem_shared>>
      tpu.wait_dma2 semaphore(%run_scoped3A : memref<!tpu.dma_semaphore, #tpu.memory_space<semaphore_mem>>) src(%arg13 : memref<120x128xf32, #tpu.memory_space<vmem>>) dst(%dma_wait3A_66 : memref<120x128xf32, #tpu.memory_space<vmem_shared>>)
      tpu.yield
    }) : () -> ()
    %mul3A_6 = arith.constant 632 : i32
    %mul3A_7 = arith.muli %arg1, %mul3A_6 : i32
    %add3A_8 = arith.constant 240 : i32
    %add3A_9 = arith.addi %mul3A_7, %add3A_8 : i32
    "tpu.region"() ({
      %run_scoped3A = tpu.sem_alloc : memref<!tpu.dma_semaphore, #tpu.memory_space<semaphore_mem>>
      %dma_start3A_59 = arith.constant 0 : i32
      %dma_start3A_60 = tpu.memref_slice %arg7[%add3A_9, %dma_start3A_59] : memref<10112x128xf32, #tpu.memory_space<vmem_shared>> -> memref<120x128xf32, #tpu.memory_space<vmem_shared>>
      %dma_start3A_61 = arith.constant 0 : i32
      %dma_start3A_62 = tpu.memref_slice %arg7[%add3A_9, %dma_start3A_61] : memref<10112x128xf32, #tpu.memory_space<vmem_shared>> -> memref<120x128xf32, #tpu.memory_space<vmem_shared>>
      tpu.enqueue_dma source(%arg13 : memref<120x128xf32, #tpu.memory_space<vmem>>) target(%dma_start3A_62 : memref<120x128xf32, #tpu.memory_space<vmem_shared>>) target_semaphore(%run_scoped3A : memref<!tpu.dma_semaphore, #tpu.memory_space<semaphore_mem>>)
      %dma_wait3A_63 = arith.constant 0 : i32
      %dma_wait3A_64 = tpu.memref_slice %arg7[%add3A_9, %dma_wait3A_63] : memref<10112x128xf32, #tpu.memory_space<vmem_shared>> -> memref<120x128xf32, #tpu.memory_space<vmem_shared>>
      %dma_wait3A_65 = arith.constant 0 : i32
      %dma_wait3A_66 = tpu.memref_slice %arg7[%add3A_9, %dma_wait3A_65] : memref<10112x128xf32, #tpu.memory_space<vmem_shared>> -> memref<120x128xf32, #tpu.memory_space<vmem_shared>>
      tpu.wait_dma2 semaphore(%run_scoped3A : memref<!tpu.dma_semaphore, #tpu.memory_space<semaphore_mem>>) src(%arg13 : memref<120x128xf32, #tpu.memory_space<vmem>>) dst(%dma_wait3A_66 : memref<120x128xf32, #tpu.memory_space<vmem_shared>>)
      tpu.yield
    }) : () -> ()
    %mul3A_10 = arith.constant 632 : i32
    %mul3A_11 = arith.muli %arg1, %mul3A_10 : i32
    %add3A_12 = arith.constant 360 : i32
    %add3A_13 = arith.addi %mul3A_11, %add3A_12 : i32
    "tpu.region"() ({
      %run_scoped3A = tpu.sem_alloc : memref<!tpu.dma_semaphore, #tpu.memory_space<semaphore_mem>>
      %dma_start3A_59 = arith.constant 0 : i32
      %dma_start3A_60 = tpu.memref_slice %arg7[%add3A_13, %dma_start3A_59] : memref<10112x128xf32, #tpu.memory_space<vmem_shared>> -> memref<120x128xf32, #tpu.memory_space<vmem_shared>>
      %dma_start3A_61 = arith.constant 0 : i32
      %dma_start3A_62 = tpu.memref_slice %arg7[%add3A_13, %dma_start3A_61] : memref<10112x128xf32, #tpu.memory_space<vmem_shared>> -> memref<120x128xf32, #tpu.memory_space<vmem_shared>>
      tpu.enqueue_dma source(%arg13 : memref<120x128xf32, #tpu.memory_space<vmem>>) target(%dma_start3A_62 : memref<120x128xf32, #tpu.memory_space<vmem_shared>>) target_semaphore(%run_scoped3A : memref<!tpu.dma_semaphore, #tpu.memory_space<semaphore_mem>>)
      %dma_wait3A_63 = arith.constant 0 : i32
      %dma_wait3A_64 = tpu.memref_slice %arg7[%add3A_13, %dma_wait3A_63] : memref<10112x128xf32, #tpu.memory_space<vmem_shared>> -> memref<120x128xf32, #tpu.memory_space<vmem_shared>>
      %dma_wait3A_65 = arith.constant 0 : i32
      %dma_wait3A_66 = tpu.memref_slice %arg7[%add3A_13, %dma_wait3A_65] : memref<10112x128xf32, #tpu.memory_space<vmem_shared>> -> memref<120x128xf32, #tpu.memory_space<vmem_shared>>
      tpu.wait_dma2 semaphore(%run_scoped3A : memref<!tpu.dma_semaphore, #tpu.memory_space<semaphore_mem>>) src(%arg13 : memref<120x128xf32, #tpu.memory_space<vmem>>) dst(%dma_wait3A_66 : memref<120x128xf32, #tpu.memory_space<vmem_shared>>)
      tpu.yield
    }) : () -> ()
    %mul3A_14 = arith.constant 632 : i32
    %mul3A_15 = arith.muli %arg1, %mul3A_14 : i32
    %add3A_16 = arith.constant 480 : i32
    %add3A_17 = arith.addi %mul3A_15, %add3A_16 : i32
    "tpu.region"() ({
      %run_scoped3A = tpu.sem_alloc : memref<!tpu.dma_semaphore, #tpu.memory_space<semaphore_mem>>
      %dma_start3A_59 = arith.constant 0 : i32
      %dma_start3A_60 = tpu.memref_slice %arg7[%add3A_17, %dma_start3A_59] : memref<10112x128xf32, #tpu.memory_space<vmem_shared>> -> memref<120x128xf32, #tpu.memory_space<vmem_shared>>
      %dma_start3A_61 = arith.constant 0 : i32
      %dma_start3A_62 = tpu.memref_slice %arg7[%add3A_17, %dma_start3A_61] : memref<10112x128xf32, #tpu.memory_space<vmem_shared>> -> memref<120x128xf32, #tpu.memory_space<vmem_shared>>
      tpu.enqueue_dma source(%arg13 : memref<120x128xf32, #tpu.memory_space<vmem>>) target(%dma_start3A_62 : memref<120x128xf32, #tpu.memory_space<vmem_shared>>) target_semaphore(%run_scoped3A : memref<!tpu.dma_semaphore, #tpu.memory_space<semaphore_mem>>)
      %dma_wait3A_63 = arith.constant 0 : i32
      %dma_wait3A_64 = tpu.memref_slice %arg7[%add3A_17, %dma_wait3A_63] : memref<10112x128xf32, #tpu.memory_space<vmem_shared>> -> memref<120x128xf32, #tpu.memory_space<vmem_shared>>
      %dma_wait3A_65 = arith.constant 0 : i32
      %dma_wait3A_66 = tpu.memref_slice %arg7[%add3A_17, %dma_wait3A_65] : memref<10112x128xf32, #tpu.memory_space<vmem_shared>> -> memref<120x128xf32, #tpu.memory_space<vmem_shared>>
      tpu.wait_dma2 semaphore(%run_scoped3A : memref<!tpu.dma_semaphore, #tpu.memory_space<semaphore_mem>>) src(%arg13 : memref<120x128xf32, #tpu.memory_space<vmem>>) dst(%dma_wait3A_66 : memref<120x128xf32, #tpu.memory_space<vmem_shared>>)
      tpu.yield
    }) : () -> ()
    %mul3A_18 = arith.constant 632 : i32
    %mul3A_19 = arith.muli %arg1, %mul3A_18 : i32
    %add3A_20 = arith.constant 632 : i32
    %add3A_21 = arith.addi %mul3A_19, %add3A_20 : i32
    %sub3A = arith.constant 32 : i32
    %sub3A_22 = arith.subi %add3A_21, %sub3A : i32
    "tpu.region"() ({
      %run_scoped3A = tpu.sem_alloc : memref<!tpu.dma_semaphore, #tpu.memory_space<semaphore_mem>>
      %dma_start3A_59 = arith.constant 0 : i32
      %dma_start3A_60 = arith.constant 0 : i32
      %dma_start3A_61 = tpu.memref_slice %arg13[%dma_start3A_59, %dma_start3A_60] : memref<120x128xf32, #tpu.memory_space<vmem>> -> memref<32x128xf32, #tpu.memory_space<vmem>>
      %dma_start3A_62 = arith.constant 0 : i32
      %dma_start3A_63 = tpu.memref_slice %arg7[%sub3A_22, %dma_start3A_62] : memref<10112x128xf32, #tpu.memory_space<vmem_shared>> -> memref<32x128xf32, #tpu.memory_space<vmem_shared>>
      %dma_start3A_64 = arith.constant 0 : i32
      %dma_start3A_65 = tpu.memref_slice %arg7[%sub3A_22, %dma_start3A_64] : memref<10112x128xf32, #tpu.memory_space<vmem_shared>> -> memref<32x128xf32, #tpu.memory_space<vmem_shared>>
      %dma_start3A_66 = arith.constant 0 : i32
      %dma_start3A_67 = arith.constant 0 : i32
      %dma_start3A_68 = tpu.memref_slice %arg13[%dma_start3A_66, %dma_start3A_67] : memref<120x128xf32, #tpu.memory_space<vmem>> -> memref<32x128xf32, #tpu.memory_space<vmem>>
      tpu.enqueue_dma source(%dma_start3A_68 : memref<32x128xf32, #tpu.memory_space<vmem>>) target(%dma_start3A_65 : memref<32x128xf32, #tpu.memory_space<vmem_shared>>) target_semaphore(%run_scoped3A : memref<!tpu.dma_semaphore, #tpu.memory_space<semaphore_mem>>)
      %dma_wait3A_69 = arith.constant 0 : i32
      %dma_wait3A_70 = arith.constant 0 : i32
      %dma_wait3A_71 = tpu.memref_slice %arg13[%dma_wait3A_69, %dma_wait3A_70] : memref<120x128xf32, #tpu.memory_space<vmem>> -> memref<32x128xf32, #tpu.memory_space<vmem>>
      %dma_wait3A_72 = arith.constant 0 : i32
      %dma_wait3A_73 = tpu.memref_slice %arg7[%sub3A_22, %dma_wait3A_72] : memref<10112x128xf32, #tpu.memory_space<vmem_shared>> -> memref<32x128xf32, #tpu.memory_space<vmem_shared>>
      %dma_wait3A_74 = arith.constant 0 : i32
      %dma_wait3A_75 = tpu.memref_slice %arg7[%sub3A_22, %dma_wait3A_74] : memref<10112x128xf32, #tpu.memory_space<vmem_shared>> -> memref<32x128xf32, #tpu.memory_space<vmem_shared>>
      %dma_wait3A_76 = arith.constant 0 : i32
      %dma_wait3A_77 = arith.constant 0 : i32
      %dma_wait3A_78 = tpu.memref_slice %arg13[%dma_wait3A_76, %dma_wait3A_77] : memref<120x128xf32, #tpu.memory_space<vmem>> -> memref<32x128xf32, #tpu.memory_space<vmem>>
      tpu.wait_dma2 semaphore(%run_scoped3A : memref<!tpu.dma_semaphore, #tpu.memory_space<semaphore_mem>>) src(%dma_wait3A_78 : memref<32x128xf32, #tpu.memory_space<vmem>>) dst(%dma_wait3A_75 : memref<32x128xf32, #tpu.memory_space<vmem_shared>>)
      tpu.yield
    }) : () -> ()
    %barrier3A = arith.constant 0 : index
    tpu.barrier barrier_id(%barrier3A)
    %dma_start3A = arith.constant 0 : i32
    %dma_start3A_23 = arith.constant 0 : i32
    %dma_start3A_24 = tpu.memref_slice %arg8[%dma_start3A, %dma_start3A_23] : memref<84x120xi32, #tpu.memory_space<vmem>> -> memref<1x120xi32, #tpu.memory_space<vmem>>
    %dma_start3A_25 = tpu.memref_squeeze %dma_start3A_24 : memref<1x120xi32, #tpu.memory_space<vmem>> -> memref<120xi32, #tpu.memory_space<vmem>>
    %dma_start3A_26 = arith.constant 0 : i32
    %dma_start3A_27 = arith.constant 0 : i32
    %dma_start3A_28 = tpu.memref_slice %arg2[%dma_start3A_26, %dma_start3A_27] : memref<20000x128xf32, #tpu.memory_space<hbm>> -> memref<20000x128xf32, #tpu.memory_space<hbm>>
    tpu.enqueue_indirect_dma source(%dma_start3A_28 : memref<20000x128xf32, #tpu.memory_space<hbm>>) target(%arg13 : memref<120x128xf32, #tpu.memory_space<vmem>>) offsets(%dma_start3A_25 : memref<120xi32, #tpu.memory_space<vmem>>) semaphore(%arg19 : memref<!tpu.dma_semaphore, #tpu.memory_space<semaphore_mem>>)
    %dma_start3A_29 = arith.constant 1 : i32
    %dma_start3A_30 = arith.constant 0 : i32
    %dma_start3A_31 = tpu.memref_slice %arg8[%dma_start3A_29, %dma_start3A_30] : memref<84x120xi32, #tpu.memory_space<vmem>> -> memref<1x120xi32, #tpu.memory_space<vmem>>
    %dma_start3A_32 = tpu.memref_squeeze %dma_start3A_31 : memref<1x120xi32, #tpu.memory_space<vmem>> -> memref<120xi32, #tpu.memory_space<vmem>>
    %dma_start3A_33 = arith.constant 0 : i32
    %dma_start3A_34 = arith.constant 0 : i32
    %dma_start3A_35 = tpu.memref_slice %arg2[%dma_start3A_33, %dma_start3A_34] : memref<20000x128xf32, #tpu.memory_space<hbm>> -> memref<20000x128xf32, #tpu.memory_space<hbm>>
    tpu.enqueue_indirect_dma source(%dma_start3A_35 : memref<20000x128xf32, #tpu.memory_space<hbm>>) target(%arg14 : memref<120x128xf32, #tpu.memory_space<vmem>>) offsets(%dma_start3A_32 : memref<120xi32, #tpu.memory_space<vmem>>) semaphore(%arg20 : memref<!tpu.dma_semaphore, #tpu.memory_space<semaphore_mem>>)
    %scan3A = arith.constant 0 : i32
    %scan3A_36 = arith.constant 0 : i32
    %scan3A_37 = arith.constant 21 : i32
    %scan3A_38 = arith.addi %scan3A_36, %scan3A_37 : i32
    %scan3A_39 = arith.constant 1 : i32
    scf.for %scan3A_59 = %scan3A_36 to %scan3A_38 step %scan3A_39  : i32 {
      %mul3A_60 = arith.constant 4 : i32
      %mul3A_61 = arith.muli %scan3A_59, %mul3A_60 : i32
      %add3A_62 = arith.constant 1 : i32
      %add3A_63 = arith.addi %mul3A_61, %add3A_62 : i32
      %add3A_64 = arith.constant 2 : i32
      %add3A_65 = arith.addi %mul3A_61, %add3A_64 : i32
      %add3A_66 = arith.constant 3 : i32
      %add3A_67 = arith.addi %mul3A_61, %add3A_66 : i32
      %add3A_68 = arith.constant 4 : i32
      %add3A_69 = arith.addi %mul3A_61, %add3A_68 : i32
      %min3A = arith.constant 82 : i32
      %min3A_70 = arith.minsi %add3A_69, %min3A : i32
      %dma_start3A_71 = arith.constant 0 : i32
      %dma_start3A_72 = tpu.memref_slice %arg4[%arg1, %mul3A_61, %dma_start3A_71] : memref<16x84x120xi32, #tpu.memory_space<hbm>> -> memref<1x1x120xi32, #tpu.memory_space<hbm>>
      %dma_start3A_73 = tpu.memref_squeeze %dma_start3A_72 : memref<1x1x120xi32, #tpu.memory_space<hbm>> -> memref<120xi32, #tpu.memory_space<hbm>>
      %dma_start3A_74 = arith.constant 0 : i32
      %dma_start3A_75 = tpu.memref_slice %arg4[%arg1, %mul3A_61, %dma_start3A_74] : memref<16x84x120xi32, #tpu.memory_space<hbm>> -> memref<1x1x120xi32, #tpu.memory_space<hbm>>
      %dma_start3A_76 = tpu.memref_squeeze %dma_start3A_75 : memref<1x1x120xi32, #tpu.memory_space<hbm>> -> memref<120xi32, #tpu.memory_space<hbm>>
      tpu.enqueue_dma source(%dma_start3A_76 : memref<120xi32, #tpu.memory_space<hbm>>) target(%arg9 : memref<120xi32, #tpu.memory_space<vmem>>) target_semaphore(%arg15 : memref<!tpu.dma_semaphore, #tpu.memory_space<semaphore_mem>>)
      %dma_start3A_77 = arith.constant 0 : i32
      %dma_start3A_78 = tpu.memref_slice %arg4[%arg1, %add3A_63, %dma_start3A_77] : memref<16x84x120xi32, #tpu.memory_space<hbm>> -> memref<1x1x120xi32, #tpu.memory_space<hbm>>
      %dma_start3A_79 = tpu.memref_squeeze %dma_start3A_78 : memref<1x1x120xi32, #tpu.memory_space<hbm>> -> memref<120xi32, #tpu.memory_space<hbm>>
      %dma_start3A_80 = arith.constant 0 : i32
      %dma_start3A_81 = tpu.memref_slice %arg4[%arg1, %add3A_63, %dma_start3A_80] : memref<16x84x120xi32, #tpu.memory_space<hbm>> -> memref<1x1x120xi32, #tpu.memory_space<hbm>>
      %dma_start3A_82 = tpu.memref_squeeze %dma_start3A_81 : memref<1x1x120xi32, #tpu.memory_space<hbm>> -> memref<120xi32, #tpu.memory_space<hbm>>
      tpu.enqueue_dma source(%dma_start3A_82 : memref<120xi32, #tpu.memory_space<hbm>>) target(%arg10 : memref<120xi32, #tpu.memory_space<vmem>>) target_semaphore(%arg16 : memref<!tpu.dma_semaphore, #tpu.memory_space<semaphore_mem>>)
      %dma_start3A_83 = arith.constant 0 : i32
      %dma_start3A_84 = tpu.memref_slice %arg4[%arg1, %add3A_65, %dma_start3A_83] : memref<16x84x120xi32, #tpu.memory_space<hbm>> -> memref<1x1x120xi32, #tpu.memory_space<hbm>>
      %dma_start3A_85 = tpu.memref_squeeze %dma_start3A_84 : memref<1x1x120xi32, #tpu.memory_space<hbm>> -> memref<120xi32, #tpu.memory_space<hbm>>
      %dma_start3A_86 = arith.constant 0 : i32
      %dma_start3A_87 = tpu.memref_slice %arg4[%arg1, %add3A_65, %dma_start3A_86] : memref<16x84x120xi32, #tpu.memory_space<hbm>> -> memref<1x1x120xi32, #tpu.memory_space<hbm>>
      %dma_start3A_88 = tpu.memref_squeeze %dma_start3A_87 : memref<1x1x120xi32, #tpu.memory_space<hbm>> -> memref<120xi32, #tpu.memory_space<hbm>>
      tpu.enqueue_dma source(%dma_start3A_88 : memref<120xi32, #tpu.memory_space<hbm>>) target(%arg11 : memref<120xi32, #tpu.memory_space<vmem>>) target_semaphore(%arg17 : memref<!tpu.dma_semaphore, #tpu.memory_space<semaphore_mem>>)
      %dma_start3A_89 = arith.constant 0 : i32
      %dma_start3A_90 = tpu.memref_slice %arg4[%arg1, %add3A_67, %dma_start3A_89] : memref<16x84x120xi32, #tpu.memory_space<hbm>> -> memref<1x1x120xi32, #tpu.memory_space<hbm>>
      %dma_start3A_91 = tpu.memref_squeeze %dma_start3A_90 : memref<1x1x120xi32, #tpu.memory_space<hbm>> -> memref<120xi32, #tpu.memory_space<hbm>>
      %dma_start3A_92 = arith.constant 0 : i32
      %dma_start3A_93 = tpu.memref_slice %arg4[%arg1, %add3A_67, %dma_start3A_92] : memref<16x84x120xi32, #tpu.memory_space<hbm>> -> memref<1x1x120xi32, #tpu.memory_space<hbm>>
      %dma_start3A_94 = tpu.memref_squeeze %dma_start3A_93 : memref<1x1x120xi32, #tpu.memory_space<hbm>> -> memref<120xi32, #tpu.memory_space<hbm>>
      tpu.enqueue_dma source(%dma_start3A_94 : memref<120xi32, #tpu.memory_space<hbm>>) target(%arg12 : memref<120xi32, #tpu.memory_space<vmem>>) target_semaphore(%arg18 : memref<!tpu.dma_semaphore, #tpu.memory_space<semaphore_mem>>)
      %dma_wait3A_95 = arith.constant 0 : i32
      %dma_wait3A_96 = tpu.memref_slice %arg8[%mul3A_61, %dma_wait3A_95] : memref<84x120xi32, #tpu.memory_space<vmem>> -> memref<1x120xi32, #tpu.memory_space<vmem>>
      %dma_wait3A_97 = tpu.memref_squeeze %dma_wait3A_96 : memref<1x120xi32, #tpu.memory_space<vmem>> -> memref<120xi32, #tpu.memory_space<vmem>>
      %dma_wait3A_98 = arith.constant 0 : i32
      %dma_wait3A_99 = arith.constant 0 : i32
      %dma_wait3A_100 = tpu.memref_slice %arg2[%dma_wait3A_98, %dma_wait3A_99] : memref<20000x128xf32, #tpu.memory_space<hbm>> -> memref<20000x128xf32, #tpu.memory_space<hbm>>
      tpu.wait_indirect_dma semaphore(%arg19 : memref<!tpu.dma_semaphore, #tpu.memory_space<semaphore_mem>>) src(%dma_wait3A_100 : memref<20000x128xf32, #tpu.memory_space<hbm>>) dst(%arg13 : memref<120x128xf32, #tpu.memory_space<vmem>>)
      %dma_wait3A_101 = arith.constant 0 : i32
      %dma_wait3A_102 = tpu.memref_slice %arg4[%arg1, %mul3A_61, %dma_wait3A_101] : memref<16x84x120xi32, #tpu.memory_space<hbm>> -> memref<1x1x120xi32, #tpu.memory_space<hbm>>
      %dma_wait3A_103 = tpu.memref_squeeze %dma_wait3A_102 : memref<1x1x120xi32, #tpu.memory_space<hbm>> -> memref<120xi32, #tpu.memory_space<hbm>>
      %dma_wait3A_104 = arith.constant 0 : i32
      %dma_wait3A_105 = tpu.memref_slice %arg4[%arg1, %mul3A_61, %dma_wait3A_104] : memref<16x84x120xi32, #tpu.memory_space<hbm>> -> memref<1x1x120xi32, #tpu.memory_space<hbm>>
      %dma_wait3A_106 = tpu.memref_squeeze %dma_wait3A_105 : memref<1x1x120xi32, #tpu.memory_space<hbm>> -> memref<120xi32, #tpu.memory_space<hbm>>
      tpu.wait_dma2 semaphore(%arg15 : memref<!tpu.dma_semaphore, #tpu.memory_space<semaphore_mem>>) src(%dma_wait3A_106 : memref<120xi32, #tpu.memory_space<hbm>>) dst(%arg9 : memref<120xi32, #tpu.memory_space<vmem>>)
      "tpu.region"() ({
        %run_scoped3A = tpu.sem_alloc : memref<!tpu.dma_semaphore, #tpu.memory_space<semaphore_mem>>
        %dma_start3A_169 = arith.constant 0 : i32
        %dma_start3A_170 = arith.constant 0 : i32
        %dma_start3A_171 = tpu.memref_slice %arg7[%dma_start3A_169, %dma_start3A_170] : memref<10112x128xf32, #tpu.memory_space<vmem_shared>> -> memref<10112x128xf32, #tpu.memory_space<vmem_shared>>
        tpu.enqueue_indirect_dma source(%arg13 : memref<120x128xf32, #tpu.memory_space<vmem>>) target(%dma_start3A_171 : memref<10112x128xf32, #tpu.memory_space<vmem_shared>>) offsets(%arg9 : memref<120xi32, #tpu.memory_space<vmem>>) semaphore(%run_scoped3A : memref<!tpu.dma_semaphore, #tpu.memory_space<semaphore_mem>>) {add = true}
        %dma_wait3A_172 = arith.constant 0 : i32
        %dma_wait3A_173 = arith.constant 0 : i32
        %dma_wait3A_174 = tpu.memref_slice %arg7[%dma_wait3A_172, %dma_wait3A_173] : memref<10112x128xf32, #tpu.memory_space<vmem_shared>> -> memref<10112x128xf32, #tpu.memory_space<vmem_shared>>
        tpu.wait_indirect_dma semaphore(%run_scoped3A : memref<!tpu.dma_semaphore, #tpu.memory_space<semaphore_mem>>) src(%arg13 : memref<120x128xf32, #tpu.memory_space<vmem>>) dst(%dma_wait3A_174 : memref<10112x128xf32, #tpu.memory_space<vmem_shared>>)
        tpu.yield
      }) : () -> ()
      %dma_start3A_107 = arith.constant 0 : i32
      %dma_start3A_108 = tpu.memref_slice %arg8[%add3A_65, %dma_start3A_107] : memref<84x120xi32, #tpu.memory_space<vmem>> -> memref<1x120xi32, #tpu.memory_space<vmem>>
      %dma_start3A_109 = tpu.memref_squeeze %dma_start3A_108 : memref<1x120xi32, #tpu.memory_space<vmem>> -> memref<120xi32, #tpu.memory_space<vmem>>
      %dma_start3A_110 = arith.constant 0 : i32
      %dma_start3A_111 = arith.constant 0 : i32
      %dma_start3A_112 = tpu.memref_slice %arg2[%dma_start3A_110, %dma_start3A_111] : memref<20000x128xf32, #tpu.memory_space<hbm>> -> memref<20000x128xf32, #tpu.memory_space<hbm>>
      tpu.enqueue_indirect_dma source(%dma_start3A_112 : memref<20000x128xf32, #tpu.memory_space<hbm>>) target(%arg13 : memref<120x128xf32, #tpu.memory_space<vmem>>) offsets(%dma_start3A_109 : memref<120xi32, #tpu.memory_space<vmem>>) semaphore(%arg19 : memref<!tpu.dma_semaphore, #tpu.memory_space<semaphore_mem>>)
      %dma_wait3A_113 = arith.constant 0 : i32
      %dma_wait3A_114 = tpu.memref_slice %arg8[%add3A_63, %dma_wait3A_113] : memref<84x120xi32, #tpu.memory_space<vmem>> -> memref<1x120xi32, #tpu.memory_space<vmem>>
      %dma_wait3A_115 = tpu.memref_squeeze %dma_wait3A_114 : memref<1x120xi32, #tpu.memory_space<vmem>> -> memref<120xi32, #tpu.memory_space<vmem>>
      %dma_wait3A_116 = arith.constant 0 : i32
      %dma_wait3A_117 = arith.constant 0 : i32
      %dma_wait3A_118 = tpu.memref_slice %arg2[%dma_wait3A_116, %dma_wait3A_117] : memref<20000x128xf32, #tpu.memory_space<hbm>> -> memref<20000x128xf32, #tpu.memory_space<hbm>>
      tpu.wait_indirect_dma semaphore(%arg20 : memref<!tpu.dma_semaphore, #tpu.memory_space<semaphore_mem>>) src(%dma_wait3A_118 : memref<20000x128xf32, #tpu.memory_space<hbm>>) dst(%arg14 : memref<120x128xf32, #tpu.memory_space<vmem>>)
      %dma_wait3A_119 = arith.constant 0 : i32
      %dma_wait3A_120 = tpu.memref_slice %arg4[%arg1, %add3A_63, %dma_wait3A_119] : memref<16x84x120xi32, #tpu.memory_space<hbm>> -> memref<1x1x120xi32, #tpu.memory_space<hbm>>
      %dma_wait3A_121 = tpu.memref_squeeze %dma_wait3A_120 : memref<1x1x120xi32, #tpu.memory_space<hbm>> -> memref<120xi32, #tpu.memory_space<hbm>>
      %dma_wait3A_122 = arith.constant 0 : i32
      %dma_wait3A_123 = tpu.memref_slice %arg4[%arg1, %add3A_63, %dma_wait3A_122] : memref<16x84x120xi32, #tpu.memory_space<hbm>> -> memref<1x1x120xi32, #tpu.memory_space<hbm>>
      %dma_wait3A_124 = tpu.memref_squeeze %dma_wait3A_123 : memref<1x1x120xi32, #tpu.memory_space<hbm>> -> memref<120xi32, #tpu.memory_space<hbm>>
      tpu.wait_dma2 semaphore(%arg16 : memref<!tpu.dma_semaphore, #tpu.memory_space<semaphore_mem>>) src(%dma_wait3A_124 : memref<120xi32, #tpu.memory_space<hbm>>) dst(%arg10 : memref<120xi32, #tpu.memory_space<vmem>>)
      "tpu.region"() ({
        %run_scoped3A = tpu.sem_alloc : memref<!tpu.dma_semaphore, #tpu.memory_space<semaphore_mem>>
        %dma_start3A_169 = arith.constant 0 : i32
        %dma_start3A_170 = arith.constant 0 : i32
        %dma_start3A_171 = tpu.memref_slice %arg7[%dma_start3A_169, %dma_start3A_170] : memref<10112x128xf32, #tpu.memory_space<vmem_shared>> -> memref<10112x128xf32, #tpu.memory_space<vmem_shared>>
        tpu.enqueue_indirect_dma source(%arg14 : memref<120x128xf32, #tpu.memory_space<vmem>>) target(%dma_start3A_171 : memref<10112x128xf32, #tpu.memory_space<vmem_shared>>) offsets(%arg10 : memref<120xi32, #tpu.memory_space<vmem>>) semaphore(%run_scoped3A : memref<!tpu.dma_semaphore, #tpu.memory_space<semaphore_mem>>) {add = true}
        %dma_wait3A_172 = arith.constant 0 : i32
        %dma_wait3A_173 = arith.constant 0 : i32
        %dma_wait3A_174 = tpu.memref_slice %arg7[%dma_wait3A_172, %dma_wait3A_173] : memref<10112x128xf32, #tpu.memory_space<vmem_shared>> -> memref<10112x128xf32, #tpu.memory_space<vmem_shared>>
        tpu.wait_indirect_dma semaphore(%run_scoped3A : memref<!tpu.dma_semaphore, #tpu.memory_space<semaphore_mem>>) src(%arg14 : memref<120x128xf32, #tpu.memory_space<vmem>>) dst(%dma_wait3A_174 : memref<10112x128xf32, #tpu.memory_space<vmem_shared>>)
        tpu.yield
      }) : () -> ()
      %dma_start3A_125 = arith.constant 0 : i32
      %dma_start3A_126 = tpu.memref_slice %arg8[%add3A_67, %dma_start3A_125] : memref<84x120xi32, #tpu.memory_space<vmem>> -> memref<1x120xi32, #tpu.memory_space<vmem>>
      %dma_start3A_127 = tpu.memref_squeeze %dma_start3A_126 : memref<1x120xi32, #tpu.memory_space<vmem>> -> memref<120xi32, #tpu.memory_space<vmem>>
      %dma_start3A_128 = arith.constant 0 : i32
      %dma_start3A_129 = arith.constant 0 : i32
      %dma_start3A_130 = tpu.memref_slice %arg2[%dma_start3A_128, %dma_start3A_129] : memref<20000x128xf32, #tpu.memory_space<hbm>> -> memref<20000x128xf32, #tpu.memory_space<hbm>>
      tpu.enqueue_indirect_dma source(%dma_start3A_130 : memref<20000x128xf32, #tpu.memory_space<hbm>>) target(%arg14 : memref<120x128xf32, #tpu.memory_space<vmem>>) offsets(%dma_start3A_127 : memref<120xi32, #tpu.memory_space<vmem>>) semaphore(%arg20 : memref<!tpu.dma_semaphore, #tpu.memory_space<semaphore_mem>>)
      %dma_wait3A_131 = arith.constant 0 : i32
      %dma_wait3A_132 = tpu.memref_slice %arg8[%add3A_65, %dma_wait3A_131] : memref<84x120xi32, #tpu.memory_space<vmem>> -> memref<1x120xi32, #tpu.memory_space<vmem>>
      %dma_wait3A_133 = tpu.memref_squeeze %dma_wait3A_132 : memref<1x120xi32, #tpu.memory_space<vmem>> -> memref<120xi32, #tpu.memory_space<vmem>>
      %dma_wait3A_134 = arith.constant 0 : i32
      %dma_wait3A_135 = arith.constant 0 : i32
      %dma_wait3A_136 = tpu.memref_slice %arg2[%dma_wait3A_134, %dma_wait3A_135] : memref<20000x128xf32, #tpu.memory_space<hbm>> -> memref<20000x128xf32, #tpu.memory_space<hbm>>
      tpu.wait_indirect_dma semaphore(%arg19 : memref<!tpu.dma_semaphore, #tpu.memory_space<semaphore_mem>>) src(%dma_wait3A_136 : memref<20000x128xf32, #tpu.memory_space<hbm>>) dst(%arg13 : memref<120x128xf32, #tpu.memory_space<vmem>>)
      %dma_wait3A_137 = arith.constant 0 : i32
      %dma_wait3A_138 = tpu.memref_slice %arg4[%arg1, %add3A_65, %dma_wait3A_137] : memref<16x84x120xi32, #tpu.memory_space<hbm>> -> memref<1x1x120xi32, #tpu.memory_space<hbm>>
      %dma_wait3A_139 = tpu.memref_squeeze %dma_wait3A_138 : memref<1x1x120xi32, #tpu.memory_space<hbm>> -> memref<120xi32, #tpu.memory_space<hbm>>
      %dma_wait3A_140 = arith.constant 0 : i32
      %dma_wait3A_141 = tpu.memref_slice %arg4[%arg1, %add3A_65, %dma_wait3A_140] : memref<16x84x120xi32, #tpu.memory_space<hbm>> -> memref<1x1x120xi32, #tpu.memory_space<hbm>>
      %dma_wait3A_142 = tpu.memref_squeeze %dma_wait3A_141 : memref<1x1x120xi32, #tpu.memory_space<hbm>> -> memref<120xi32, #tpu.memory_space<hbm>>
      tpu.wait_dma2 semaphore(%arg17 : memref<!tpu.dma_semaphore, #tpu.memory_space<semaphore_mem>>) src(%dma_wait3A_142 : memref<120xi32, #tpu.memory_space<hbm>>) dst(%arg11 : memref<120xi32, #tpu.memory_space<vmem>>)
      "tpu.region"() ({
        %run_scoped3A = tpu.sem_alloc : memref<!tpu.dma_semaphore, #tpu.memory_space<semaphore_mem>>
        %dma_start3A_169 = arith.constant 0 : i32
        %dma_start3A_170 = arith.constant 0 : i32
        %dma_start3A_171 = tpu.memref_slice %arg7[%dma_start3A_169, %dma_start3A_170] : memref<10112x128xf32, #tpu.memory_space<vmem_shared>> -> memref<10112x128xf32, #tpu.memory_space<vmem_shared>>
        tpu.enqueue_indirect_dma source(%arg13 : memref<120x128xf32, #tpu.memory_space<vmem>>) target(%dma_start3A_171 : memref<10112x128xf32, #tpu.memory_space<vmem_shared>>) offsets(%arg11 : memref<120xi32, #tpu.memory_space<vmem>>) semaphore(%run_scoped3A : memref<!tpu.dma_semaphore, #tpu.memory_space<semaphore_mem>>) {add = true}
        %dma_wait3A_172 = arith.constant 0 : i32
        %dma_wait3A_173 = arith.constant 0 : i32
        %dma_wait3A_174 = tpu.memref_slice %arg7[%dma_wait3A_172, %dma_wait3A_173] : memref<10112x128xf32, #tpu.memory_space<vmem_shared>> -> memref<10112x128xf32, #tpu.memory_space<vmem_shared>>
        tpu.wait_indirect_dma semaphore(%run_scoped3A : memref<!tpu.dma_semaphore, #tpu.memory_space<semaphore_mem>>) src(%arg13 : memref<120x128xf32, #tpu.memory_space<vmem>>) dst(%dma_wait3A_174 : memref<10112x128xf32, #tpu.memory_space<vmem_shared>>)
        tpu.yield
      }) : () -> ()
      %dma_start3A_143 = arith.constant 0 : i32
      %dma_start3A_144 = tpu.memref_slice %arg8[%min3A_70, %dma_start3A_143] : memref<84x120xi32, #tpu.memory_space<vmem>> -> memref<1x120xi32, #tpu.memory_space<vmem>>
      %dma_start3A_145 = tpu.memref_squeeze %dma_start3A_144 : memref<1x120xi32, #tpu.memory_space<vmem>> -> memref<120xi32, #tpu.memory_space<vmem>>
      %dma_start3A_146 = arith.constant 0 : i32
      %dma_start3A_147 = arith.constant 0 : i32
      %dma_start3A_148 = tpu.memref_slice %arg2[%dma_start3A_146, %dma_start3A_147] : memref<20000x128xf32, #tpu.memory_space<hbm>> -> memref<20000x128xf32, #tpu.memory_space<hbm>>
      tpu.enqueue_indirect_dma source(%dma_start3A_148 : memref<20000x128xf32, #tpu.memory_space<hbm>>) target(%arg13 : memref<120x128xf32, #tpu.memory_space<vmem>>) offsets(%dma_start3A_145 : memref<120xi32, #tpu.memory_space<vmem>>) semaphore(%arg19 : memref<!tpu.dma_semaphore, #tpu.memory_space<semaphore_mem>>)
      %dma_wait3A_149 = arith.constant 0 : i32
      %dma_wait3A_150 = tpu.memref_slice %arg8[%add3A_67, %dma_wait3A_149] : memref<84x120xi32, #tpu.memory_space<vmem>> -> memref<1x120xi32, #tpu.memory_space<vmem>>
      %dma_wait3A_151 = tpu.memref_squeeze %dma_wait3A_150 : memref<1x120xi32, #tpu.memory_space<vmem>> -> memref<120xi32, #tpu.memory_space<vmem>>
      %dma_wait3A_152 = arith.constant 0 : i32
      %dma_wait3A_153 = arith.constant 0 : i32
      %dma_wait3A_154 = tpu.memref_slice %arg2[%dma_wait3A_152, %dma_wait3A_153] : memref<20000x128xf32, #tpu.memory_space<hbm>> -> memref<20000x128xf32, #tpu.memory_space<hbm>>
      tpu.wait_indirect_dma semaphore(%arg20 : memref<!tpu.dma_semaphore, #tpu.memory_space<semaphore_mem>>) src(%dma_wait3A_154 : memref<20000x128xf32, #tpu.memory_space<hbm>>) dst(%arg14 : memref<120x128xf32, #tpu.memory_space<vmem>>)
      %dma_wait3A_155 = arith.constant 0 : i32
      %dma_wait3A_156 = tpu.memref_slice %arg4[%arg1, %add3A_67, %dma_wait3A_155] : memref<16x84x120xi32, #tpu.memory_space<hbm>> -> memref<1x1x120xi32, #tpu.memory_space<hbm>>
      %dma_wait3A_157 = tpu.memref_squeeze %dma_wait3A_156 : memref<1x1x120xi32, #tpu.memory_space<hbm>> -> memref<120xi32, #tpu.memory_space<hbm>>
      %dma_wait3A_158 = arith.constant 0 : i32
      %dma_wait3A_159 = tpu.memref_slice %arg4[%arg1, %add3A_67, %dma_wait3A_158] : memref<16x84x120xi32, #tpu.memory_space<hbm>> -> memref<1x1x120xi32, #tpu.memory_space<hbm>>
      %dma_wait3A_160 = tpu.memref_squeeze %dma_wait3A_159 : memref<1x1x120xi32, #tpu.memory_space<hbm>> -> memref<120xi32, #tpu.memory_space<hbm>>
      tpu.wait_dma2 semaphore(%arg18 : memref<!tpu.dma_semaphore, #tpu.memory_space<semaphore_mem>>) src(%dma_wait3A_160 : memref<120xi32, #tpu.memory_space<hbm>>) dst(%arg12 : memref<120xi32, #tpu.memory_space<vmem>>)
      "tpu.region"() ({
        %run_scoped3A = tpu.sem_alloc : memref<!tpu.dma_semaphore, #tpu.memory_space<semaphore_mem>>
        %dma_start3A_169 = arith.constant 0 : i32
        %dma_start3A_170 = arith.constant 0 : i32
        %dma_start3A_171 = tpu.memref_slice %arg7[%dma_start3A_169, %dma_start3A_170] : memref<10112x128xf32, #tpu.memory_space<vmem_shared>> -> memref<10112x128xf32, #tpu.memory_space<vmem_shared>>
        tpu.enqueue_indirect_dma source(%arg14 : memref<120x128xf32, #tpu.memory_space<vmem>>) target(%dma_start3A_171 : memref<10112x128xf32, #tpu.memory_space<vmem_shared>>) offsets(%arg12 : memref<120xi32, #tpu.memory_space<vmem>>) semaphore(%run_scoped3A : memref<!tpu.dma_semaphore, #tpu.memory_space<semaphore_mem>>) {add = true}
        %dma_wait3A_172 = arith.constant 0 : i32
        %dma_wait3A_173 = arith.constant 0 : i32
        %dma_wait3A_174 = tpu.memref_slice %arg7[%dma_wait3A_172, %dma_wait3A_173] : memref<10112x128xf32, #tpu.memory_space<vmem_shared>> -> memref<10112x128xf32, #tpu.memory_space<vmem_shared>>
        tpu.wait_indirect_dma semaphore(%run_scoped3A : memref<!tpu.dma_semaphore, #tpu.memory_space<semaphore_mem>>) src(%arg14 : memref<120x128xf32, #tpu.memory_space<vmem>>) dst(%dma_wait3A_174 : memref<10112x128xf32, #tpu.memory_space<vmem_shared>>)
        tpu.yield
      }) : () -> ()
      %add3A_161 = arith.constant 1 : i32
      %add3A_162 = arith.addi %min3A_70, %add3A_161 : i32
      %dma_start3A_163 = arith.constant 0 : i32
      %dma_start3A_164 = tpu.memref_slice %arg8[%add3A_162, %dma_start3A_163] : memref<84x120xi32, #tpu.memory_space<vmem>> -> memref<1x120xi32, #tpu.memory_space<vmem>>
      %dma_start3A_165 = tpu.memref_squeeze %dma_start3A_164 : memref<1x120xi32, #tpu.memory_space<vmem>> -> memref<120xi32, #tpu.memory_space<vmem>>
      %dma_start3A_166 = arith.constant 0 : i32
      %dma_start3A_167 = arith.constant 0 : i32
      %dma_start3A_168 = tpu.memref_slice %arg2[%dma_start3A_166, %dma_start3A_167] : memref<20000x128xf32, #tpu.memory_space<hbm>> -> memref<20000x128xf32, #tpu.memory_space<hbm>>
      tpu.enqueue_indirect_dma source(%dma_start3A_168 : memref<20000x128xf32, #tpu.memory_space<hbm>>) target(%arg14 : memref<120x128xf32, #tpu.memory_space<vmem>>) offsets(%dma_start3A_165 : memref<120xi32, #tpu.memory_space<vmem>>) semaphore(%arg20 : memref<!tpu.dma_semaphore, #tpu.memory_space<semaphore_mem>>)
    }
    %scan3A_40 = arith.constant 21 : i32
    %dma_wait3A = arith.constant 82 : i32
    %dma_wait3A_41 = arith.constant 0 : i32
    %dma_wait3A_42 = tpu.memref_slice %arg8[%dma_wait3A, %dma_wait3A_41] : memref<84x120xi32, #tpu.memory_space<vmem>> -> memref<1x120xi32, #tpu.memory_space<vmem>>
    %dma_wait3A_43 = tpu.memref_squeeze %dma_wait3A_42 : memref<1x120xi32, #tpu.memory_space<vmem>> -> memref<120xi32, #tpu.memory_space<vmem>>
    %dma_wait3A_44 = arith.constant 0 : i32
    %dma_wait3A_45 = arith.constant 0 : i32
    %dma_wait3A_46 = tpu.memref_slice %arg2[%dma_wait3A_44, %dma_wait3A_45] : memref<20000x128xf32, #tpu.memory_space<hbm>> -> memref<20000x128xf32, #tpu.memory_space<hbm>>
    tpu.wait_indirect_dma semaphore(%arg19 : memref<!tpu.dma_semaphore, #tpu.memory_space<semaphore_mem>>) src(%dma_wait3A_46 : memref<20000x128xf32, #tpu.memory_space<hbm>>) dst(%arg13 : memref<120x128xf32, #tpu.memory_space<vmem>>)
    %dma_wait3A_47 = arith.constant 83 : i32
    %dma_wait3A_48 = arith.constant 0 : i32
    %dma_wait3A_49 = tpu.memref_slice %arg8[%dma_wait3A_47, %dma_wait3A_48] : memref<84x120xi32, #tpu.memory_space<vmem>> -> memref<1x120xi32, #tpu.memory_space<vmem>>
    %dma_wait3A_50 = tpu.memref_squeeze %dma_wait3A_49 : memref<1x120xi32, #tpu.memory_space<vmem>> -> memref<120xi32, #tpu.memory_space<vmem>>
    %dma_wait3A_51 = arith.constant 0 : i32
    %dma_wait3A_52 = arith.constant 0 : i32
    %dma_wait3A_53 = tpu.memref_slice %arg2[%dma_wait3A_51, %dma_wait3A_52] : memref<20000x128xf32, #tpu.memory_space<hbm>> -> memref<20000x128xf32, #tpu.memory_space<hbm>>
    tpu.wait_indirect_dma semaphore(%arg20 : memref<!tpu.dma_semaphore, #tpu.memory_space<semaphore_mem>>) src(%dma_wait3A_53 : memref<20000x128xf32, #tpu.memory_space<hbm>>) dst(%arg14 : memref<120x128xf32, #tpu.memory_space<vmem>>)
    %barrier3A_54 = arith.constant 0 : index
    tpu.barrier barrier_id(%barrier3A_54)
    %mul3A_55 = arith.constant 632 : i32
    %mul3A_56 = arith.muli %arg1, %mul3A_55 : i32
    %mul3A_57 = arith.constant 632 : i32
    %mul3A_58 = arith.muli %arg1, %mul3A_57 : i32
    "tpu.region"() ({
      %run_scoped3A = tpu.sem_alloc : memref<!tpu.dma_semaphore, #tpu.memory_space<semaphore_mem>>
      %dma_start3A_59 = arith.constant 0 : i32
      %dma_start3A_60 = tpu.memref_slice %arg6[%arg0, %mul3A_58, %dma_start3A_59] : memref<2x10112x128xf32, #tpu.memory_space<hbm>> -> memref<1x632x128xf32, #tpu.memory_space<hbm>>
      %dma_start3A_61 = tpu.memref_squeeze %dma_start3A_60 : memref<1x632x128xf32, #tpu.memory_space<hbm>> -> memref<632x128xf32, #tpu.memory_space<hbm>>
      %dma_start3A_62 = arith.constant 0 : i32
      %dma_start3A_63 = tpu.memref_slice %arg7[%mul3A_56, %dma_start3A_62] : memref<10112x128xf32, #tpu.memory_space<vmem_shared>> -> memref<632x128xf32, #tpu.memory_space<vmem_shared>>
      tpu.enqueue_dma source(%dma_start3A_63 : memref<632x128xf32, #tpu.memory_space<vmem_shared>>) target(%dma_start3A_61 : memref<632x128xf32, #tpu.memory_space<hbm>>) target_semaphore(%run_scoped3A : memref<!tpu.dma_semaphore, #tpu.memory_space<semaphore_mem>>)
      %dma_wait3A_64 = arith.constant 0 : i32
      %dma_wait3A_65 = tpu.memref_slice %arg6[%arg0, %mul3A_58, %dma_wait3A_64] : memref<2x10112x128xf32, #tpu.memory_space<hbm>> -> memref<1x632x128xf32, #tpu.memory_space<hbm>>
      %dma_wait3A_66 = tpu.memref_squeeze %dma_wait3A_65 : memref<1x632x128xf32, #tpu.memory_space<hbm>> -> memref<632x128xf32, #tpu.memory_space<hbm>>
      %dma_wait3A_67 = arith.constant 0 : i32
      %dma_wait3A_68 = tpu.memref_slice %arg7[%mul3A_56, %dma_wait3A_67] : memref<10112x128xf32, #tpu.memory_space<vmem_shared>> -> memref<632x128xf32, #tpu.memory_space<vmem_shared>>
      tpu.wait_dma2 semaphore(%run_scoped3A : memref<!tpu.dma_semaphore, #tpu.memory_space<semaphore_mem>>) src(%dma_wait3A_68 : memref<632x128xf32, #tpu.memory_space<vmem_shared>>) dst(%dma_wait3A_66 : memref<632x128xf32, #tpu.memory_space<hbm>>)
      tpu.yield
    }) : () -> ()
    return
  }
}

#map = affine_map<(d0, d1) -> (0, 0, 0)>
#map1 = affine_map<(d0, d1) -> (0, 0)>
module attributes {stable_mosaic.version = 14 : i64} {
  func.func @_sc_cnt_body(%arg0: i32, %arg1: i32, %arg2: memref<16x84x120xi32, #tpu.memory_space<hbm>>, %arg3: memref<632x128xf32, #tpu.memory_space<hbm>>, %arg4: memref<120x128xf32, #tpu.memory_space<hbm>>, %arg5: memref<2x10112x128xf32, #tpu.memory_space<hbm>>, %arg6: memref<10112x128xf32, #tpu.memory_space<vmem_shared>>, %arg7: memref<120xi32, #tpu.memory_space<vmem>>, %arg8: memref<120xi32, #tpu.memory_space<vmem>>, %arg9: memref<120x128xf32, #tpu.memory_space<vmem>>, %arg10: memref<!tpu.dma_semaphore, #tpu.memory_space<semaphore_mem>>, %arg11: memref<!tpu.dma_semaphore, #tpu.memory_space<semaphore_mem>>) attributes {dimension_semantics = [#tpu.dimension_semantics<core_parallel>, #tpu.dimension_semantics<subcore_parallel>], iteration_bounds = array<i64: 2, 16>, scalar_prefetch = 0 : i64, scratch_operands = 6 : i64, tpu.core_type = #tpu.core_type<sc_vector_subcore>, window_params = [{transform_indices = #map}, {transform_indices = #map1}, {transform_indices = #map1}, {transform_indices = #map}]} {
    %mul3A = arith.constant 42 : i32
    %mul3A_0 = arith.muli %arg0, %mul3A : i32
    %dma_start3A = arith.constant 0 : i32
    %dma_start3A_1 = tpu.memref_slice %arg2[%arg1, %mul3A_0, %dma_start3A] : memref<16x84x120xi32, #tpu.memory_space<hbm>> -> memref<1x1x120xi32, #tpu.memory_space<hbm>>
    %dma_start3A_2 = tpu.memref_squeeze %dma_start3A_1 : memref<1x1x120xi32, #tpu.memory_space<hbm>> -> memref<120xi32, #tpu.memory_space<hbm>>
    %dma_start3A_3 = arith.constant 0 : i32
    %dma_start3A_4 = tpu.memref_slice %arg2[%arg1, %mul3A_0, %dma_start3A_3] : memref<16x84x120xi32, #tpu.memory_space<hbm>> -> memref<1x1x120xi32, #tpu.memory_space<hbm>>
    %dma_start3A_5 = tpu.memref_squeeze %dma_start3A_4 : memref<1x1x120xi32, #tpu.memory_space<hbm>> -> memref<120xi32, #tpu.memory_space<hbm>>
    tpu.enqueue_dma source(%dma_start3A_5 : memref<120xi32, #tpu.memory_space<hbm>>) target(%arg7 : memref<120xi32, #tpu.memory_space<vmem>>) target_semaphore(%arg10 : memref<!tpu.dma_semaphore, #tpu.memory_space<semaphore_mem>>)
    %add3A = arith.constant 1 : i32
    %add3A_6 = arith.addi %mul3A_0, %add3A : i32
    %dma_start3A_7 = arith.constant 0 : i32
    %dma_start3A_8 = tpu.memref_slice %arg2[%arg1, %add3A_6, %dma_start3A_7] : memref<16x84x120xi32, #tpu.memory_space<hbm>> -> memref<1x1x120xi32, #tpu.memory_space<hbm>>
    %dma_start3A_9 = tpu.memref_squeeze %dma_start3A_8 : memref<1x1x120xi32, #tpu.memory_space<hbm>> -> memref<120xi32, #tpu.memory_space<hbm>>
    %dma_start3A_10 = arith.constant 0 : i32
    %dma_start3A_11 = tpu.memref_slice %arg2[%arg1, %add3A_6, %dma_start3A_10] : memref<16x84x120xi32, #tpu.memory_space<hbm>> -> memref<1x1x120xi32, #tpu.memory_space<hbm>>
    %dma_start3A_12 = tpu.memref_squeeze %dma_start3A_11 : memref<1x1x120xi32, #tpu.memory_space<hbm>> -> memref<120xi32, #tpu.memory_space<hbm>>
    tpu.enqueue_dma source(%dma_start3A_12 : memref<120xi32, #tpu.memory_space<hbm>>) target(%arg8 : memref<120xi32, #tpu.memory_space<vmem>>) target_semaphore(%arg11 : memref<!tpu.dma_semaphore, #tpu.memory_space<semaphore_mem>>)
    "tpu.region"() ({
      %run_scoped3A = tpu.sem_alloc : memref<!tpu.dma_semaphore, #tpu.memory_space<semaphore_mem>>
      tpu.enqueue_dma source(%arg4 : memref<120x128xf32, #tpu.memory_space<hbm>>) target(%arg9 : memref<120x128xf32, #tpu.memory_space<vmem>>) target_semaphore(%run_scoped3A : memref<!tpu.dma_semaphore, #tpu.memory_space<semaphore_mem>>)
      tpu.wait_dma2 semaphore(%run_scoped3A : memref<!tpu.dma_semaphore, #tpu.memory_space<semaphore_mem>>) src(%arg4 : memref<120x128xf32, #tpu.memory_space<hbm>>) dst(%arg9 : memref<120x128xf32, #tpu.memory_space<vmem>>)
      tpu.yield
    }) : () -> ()
    %mul3A_13 = arith.constant 632 : i32
    %mul3A_14 = arith.muli %arg1, %mul3A_13 : i32
    "tpu.region"() ({
      %run_scoped3A = tpu.sem_alloc : memref<!tpu.dma_semaphore, #tpu.memory_space<semaphore_mem>>
      %dma_start3A_43 = arith.constant 0 : i32
      %dma_start3A_44 = tpu.memref_slice %arg6[%mul3A_14, %dma_start3A_43] : memref<10112x128xf32, #tpu.memory_space<vmem_shared>> -> memref<632x128xf32, #tpu.memory_space<vmem_shared>>
      tpu.enqueue_dma source(%arg3 : memref<632x128xf32, #tpu.memory_space<hbm>>) target(%dma_start3A_44 : memref<632x128xf32, #tpu.memory_space<vmem_shared>>) target_semaphore(%run_scoped3A : memref<!tpu.dma_semaphore, #tpu.memory_space<semaphore_mem>>)
      %dma_wait3A_45 = arith.constant 0 : i32
      %dma_wait3A_46 = tpu.memref_slice %arg6[%mul3A_14, %dma_wait3A_45] : memref<10112x128xf32, #tpu.memory_space<vmem_shared>> -> memref<632x128xf32, #tpu.memory_space<vmem_shared>>
      tpu.wait_dma2 semaphore(%run_scoped3A : memref<!tpu.dma_semaphore, #tpu.memory_space<semaphore_mem>>) src(%arg3 : memref<632x128xf32, #tpu.memory_space<hbm>>) dst(%dma_wait3A_46 : memref<632x128xf32, #tpu.memory_space<vmem_shared>>)
      tpu.yield
    }) : () -> ()
    %barrier3A = arith.constant 0 : index
    tpu.barrier barrier_id(%barrier3A)
    %scan3A = arith.constant 0 : i32
    %scan3A_15 = arith.constant 0 : i32
    %scan3A_16 = arith.constant 21 : i32
    %scan3A_17 = arith.addi %scan3A_15, %scan3A_16 : i32
    %scan3A_18 = arith.constant 1 : i32
    scf.for %scan3A_43 = %scan3A_15 to %scan3A_17 step %scan3A_18  : i32 {
      %mul3A_44 = arith.constant 2 : i32
      %mul3A_45 = arith.muli %scan3A_43, %mul3A_44 : i32
      %add3A_46 = arith.addi %mul3A_0, %mul3A_45 : i32
      %add3A_47 = arith.constant 2 : i32
      %add3A_48 = arith.addi %add3A_46, %add3A_47 : i32
      %add3A_49 = arith.constant 42 : i32
      %add3A_50 = arith.addi %mul3A_0, %add3A_49 : i32
      %sub3A_51 = arith.constant 2 : i32
      %sub3A_52 = arith.subi %add3A_50, %sub3A_51 : i32
      %min3A = arith.minsi %add3A_48, %sub3A_52 : i32
      %dma_wait3A_53 = arith.constant 0 : i32
      %dma_wait3A_54 = tpu.memref_slice %arg2[%arg1, %add3A_46, %dma_wait3A_53] : memref<16x84x120xi32, #tpu.memory_space<hbm>> -> memref<1x1x120xi32, #tpu.memory_space<hbm>>
      %dma_wait3A_55 = tpu.memref_squeeze %dma_wait3A_54 : memref<1x1x120xi32, #tpu.memory_space<hbm>> -> memref<120xi32, #tpu.memory_space<hbm>>
      %dma_wait3A_56 = arith.constant 0 : i32
      %dma_wait3A_57 = tpu.memref_slice %arg2[%arg1, %add3A_46, %dma_wait3A_56] : memref<16x84x120xi32, #tpu.memory_space<hbm>> -> memref<1x1x120xi32, #tpu.memory_space<hbm>>
      %dma_wait3A_58 = tpu.memref_squeeze %dma_wait3A_57 : memref<1x1x120xi32, #tpu.memory_space<hbm>> -> memref<120xi32, #tpu.memory_space<hbm>>
      tpu.wait_dma2 semaphore(%arg10 : memref<!tpu.dma_semaphore, #tpu.memory_space<semaphore_mem>>) src(%dma_wait3A_58 : memref<120xi32, #tpu.memory_space<hbm>>) dst(%arg7 : memref<120xi32, #tpu.memory_space<vmem>>)
      "tpu.region"() ({
        %run_scoped3A = tpu.sem_alloc : memref<!tpu.dma_semaphore, #tpu.memory_space<semaphore_mem>>
        %dma_start3A_81 = arith.constant 0 : i32
        %dma_start3A_82 = arith.constant 0 : i32
        %dma_start3A_83 = tpu.memref_slice %arg6[%dma_start3A_81, %dma_start3A_82] : memref<10112x128xf32, #tpu.memory_space<vmem_shared>> -> memref<10112x128xf32, #tpu.memory_space<vmem_shared>>
        tpu.enqueue_indirect_dma source(%arg9 : memref<120x128xf32, #tpu.memory_space<vmem>>) target(%dma_start3A_83 : memref<10112x128xf32, #tpu.memory_space<vmem_shared>>) offsets(%arg7 : memref<120xi32, #tpu.memory_space<vmem>>) semaphore(%run_scoped3A : memref<!tpu.dma_semaphore, #tpu.memory_space<semaphore_mem>>) {add = true}
        %dma_wait3A_84 = arith.constant 0 : i32
        %dma_wait3A_85 = arith.constant 0 : i32
        %dma_wait3A_86 = tpu.memref_slice %arg6[%dma_wait3A_84, %dma_wait3A_85] : memref<10112x128xf32, #tpu.memory_space<vmem_shared>> -> memref<10112x128xf32, #tpu.memory_space<vmem_shared>>
        tpu.wait_indirect_dma semaphore(%run_scoped3A : memref<!tpu.dma_semaphore, #tpu.memory_space<semaphore_mem>>) src(%arg9 : memref<120x128xf32, #tpu.memory_space<vmem>>) dst(%dma_wait3A_86 : memref<10112x128xf32, #tpu.memory_space<vmem_shared>>)
        tpu.yield
      }) : () -> ()
      %dma_start3A_59 = arith.constant 0 : i32
      %dma_start3A_60 = tpu.memref_slice %arg2[%arg1, %min3A, %dma_start3A_59] : memref<16x84x120xi32, #tpu.memory_space<hbm>> -> memref<1x1x120xi32, #tpu.memory_space<hbm>>
      %dma_start3A_61 = tpu.memref_squeeze %dma_start3A_60 : memref<1x1x120xi32, #tpu.memory_space<hbm>> -> memref<120xi32, #tpu.memory_space<hbm>>
      %dma_start3A_62 = arith.constant 0 : i32
      %dma_start3A_63 = tpu.memref_slice %arg2[%arg1, %min3A, %dma_start3A_62] : memref<16x84x120xi32, #tpu.memory_space<hbm>> -> memref<1x1x120xi32, #tpu.memory_space<hbm>>
      %dma_start3A_64 = tpu.memref_squeeze %dma_start3A_63 : memref<1x1x120xi32, #tpu.memory_space<hbm>> -> memref<120xi32, #tpu.memory_space<hbm>>
      tpu.enqueue_dma source(%dma_start3A_64 : memref<120xi32, #tpu.memory_space<hbm>>) target(%arg7 : memref<120xi32, #tpu.memory_space<vmem>>) target_semaphore(%arg10 : memref<!tpu.dma_semaphore, #tpu.memory_space<semaphore_mem>>)
      %add3A_65 = arith.constant 1 : i32
      %add3A_66 = arith.addi %add3A_46, %add3A_65 : i32
      %dma_wait3A_67 = arith.constant 0 : i32
      %dma_wait3A_68 = tpu.memref_slice %arg2[%arg1, %add3A_66, %dma_wait3A_67] : memref<16x84x120xi32, #tpu.memory_space<hbm>> -> memref<1x1x120xi32, #tpu.memory_space<hbm>>
      %dma_wait3A_69 = tpu.memref_squeeze %dma_wait3A_68 : memref<1x1x120xi32, #tpu.memory_space<hbm>> -> memref<120xi32, #tpu.memory_space<hbm>>
      %dma_wait3A_70 = arith.constant 0 : i32
      %dma_wait3A_71 = tpu.memref_slice %arg2[%arg1, %add3A_66, %dma_wait3A_70] : memref<16x84x120xi32, #tpu.memory_space<hbm>> -> memref<1x1x120xi32, #tpu.memory_space<hbm>>
      %dma_wait3A_72 = tpu.memref_squeeze %dma_wait3A_71 : memref<1x1x120xi32, #tpu.memory_space<hbm>> -> memref<120xi32, #tpu.memory_space<hbm>>
      tpu.wait_dma2 semaphore(%arg11 : memref<!tpu.dma_semaphore, #tpu.memory_space<semaphore_mem>>) src(%dma_wait3A_72 : memref<120xi32, #tpu.memory_space<hbm>>) dst(%arg8 : memref<120xi32, #tpu.memory_space<vmem>>)
      "tpu.region"() ({
        %run_scoped3A = tpu.sem_alloc : memref<!tpu.dma_semaphore, #tpu.memory_space<semaphore_mem>>
        %dma_start3A_81 = arith.constant 0 : i32
        %dma_start3A_82 = arith.constant 0 : i32
        %dma_start3A_83 = tpu.memref_slice %arg6[%dma_start3A_81, %dma_start3A_82] : memref<10112x128xf32, #tpu.memory_space<vmem_shared>> -> memref<10112x128xf32, #tpu.memory_space<vmem_shared>>
        tpu.enqueue_indirect_dma source(%arg9 : memref<120x128xf32, #tpu.memory_space<vmem>>) target(%dma_start3A_83 : memref<10112x128xf32, #tpu.memory_space<vmem_shared>>) offsets(%arg8 : memref<120xi32, #tpu.memory_space<vmem>>) semaphore(%run_scoped3A : memref<!tpu.dma_semaphore, #tpu.memory_space<semaphore_mem>>) {add = true}
        %dma_wait3A_84 = arith.constant 0 : i32
        %dma_wait3A_85 = arith.constant 0 : i32
        %dma_wait3A_86 = tpu.memref_slice %arg6[%dma_wait3A_84, %dma_wait3A_85] : memref<10112x128xf32, #tpu.memory_space<vmem_shared>> -> memref<10112x128xf32, #tpu.memory_space<vmem_shared>>
        tpu.wait_indirect_dma semaphore(%run_scoped3A : memref<!tpu.dma_semaphore, #tpu.memory_space<semaphore_mem>>) src(%arg9 : memref<120x128xf32, #tpu.memory_space<vmem>>) dst(%dma_wait3A_86 : memref<10112x128xf32, #tpu.memory_space<vmem_shared>>)
        tpu.yield
      }) : () -> ()
      %add3A_73 = arith.constant 1 : i32
      %add3A_74 = arith.addi %min3A, %add3A_73 : i32
      %dma_start3A_75 = arith.constant 0 : i32
      %dma_start3A_76 = tpu.memref_slice %arg2[%arg1, %add3A_74, %dma_start3A_75] : memref<16x84x120xi32, #tpu.memory_space<hbm>> -> memref<1x1x120xi32, #tpu.memory_space<hbm>>
      %dma_start3A_77 = tpu.memref_squeeze %dma_start3A_76 : memref<1x1x120xi32, #tpu.memory_space<hbm>> -> memref<120xi32, #tpu.memory_space<hbm>>
      %dma_start3A_78 = arith.constant 0 : i32
      %dma_start3A_79 = tpu.memref_slice %arg2[%arg1, %add3A_74, %dma_start3A_78] : memref<16x84x120xi32, #tpu.memory_space<hbm>> -> memref<1x1x120xi32, #tpu.memory_space<hbm>>
      %dma_start3A_80 = tpu.memref_squeeze %dma_start3A_79 : memref<1x1x120xi32, #tpu.memory_space<hbm>> -> memref<120xi32, #tpu.memory_space<hbm>>
      tpu.enqueue_dma source(%dma_start3A_80 : memref<120xi32, #tpu.memory_space<hbm>>) target(%arg8 : memref<120xi32, #tpu.memory_space<vmem>>) target_semaphore(%arg11 : memref<!tpu.dma_semaphore, #tpu.memory_space<semaphore_mem>>)
    }
    %scan3A_19 = arith.constant 21 : i32
    %add3A_20 = arith.constant 42 : i32
    %add3A_21 = arith.addi %mul3A_0, %add3A_20 : i32
    %sub3A = arith.constant 2 : i32
    %sub3A_22 = arith.subi %add3A_21, %sub3A : i32
    %dma_wait3A = arith.constant 0 : i32
    %dma_wait3A_23 = tpu.memref_slice %arg2[%arg1, %sub3A_22, %dma_wait3A] : memref<16x84x120xi32, #tpu.memory_space<hbm>> -> memref<1x1x120xi32, #tpu.memory_space<hbm>>
    %dma_wait3A_24 = tpu.memref_squeeze %dma_wait3A_23 : memref<1x1x120xi32, #tpu.memory_space<hbm>> -> memref<120xi32, #tpu.memory_space<hbm>>
    %dma_wait3A_25 = arith.constant 0 : i32
    %dma_wait3A_26 = tpu.memref_slice %arg2[%arg1, %sub3A_22, %dma_wait3A_25] : memref<16x84x120xi32, #tpu.memory_space<hbm>> -> memref<1x1x120xi32, #tpu.memory_space<hbm>>
    %dma_wait3A_27 = tpu.memref_squeeze %dma_wait3A_26 : memref<1x1x120xi32, #tpu.memory_space<hbm>> -> memref<120xi32, #tpu.memory_space<hbm>>
    tpu.wait_dma2 semaphore(%arg10 : memref<!tpu.dma_semaphore, #tpu.memory_space<semaphore_mem>>) src(%dma_wait3A_27 : memref<120xi32, #tpu.memory_space<hbm>>) dst(%arg7 : memref<120xi32, #tpu.memory_space<vmem>>)
    %add3A_28 = arith.constant 42 : i32
    %add3A_29 = arith.addi %mul3A_0, %add3A_28 : i32
    %sub3A_30 = arith.constant 1 : i32
    %sub3A_31 = arith.subi %add3A_29, %sub3A_30 : i32
    %dma_wait3A_32 = arith.constant 0 : i32
    %dma_wait3A_33 = tpu.memref_slice %arg2[%arg1, %sub3A_31, %dma_wait3A_32] : memref<16x84x120xi32, #tpu.memory_space<hbm>> -> memref<1x1x120xi32, #tpu.memory_space<hbm>>
    %dma_wait3A_34 = tpu.memref_squeeze %dma_wait3A_33 : memref<1x1x120xi32, #tpu.memory_space<hbm>> -> memref<120xi32, #tpu.memory_space<hbm>>
    %dma_wait3A_35 = arith.constant 0 : i32
    %dma_wait3A_36 = tpu.memref_slice %arg2[%arg1, %sub3A_31, %dma_wait3A_35] : memref<16x84x120xi32, #tpu.memory_space<hbm>> -> memref<1x1x120xi32, #tpu.memory_space<hbm>>
    %dma_wait3A_37 = tpu.memref_squeeze %dma_wait3A_36 : memref<1x1x120xi32, #tpu.memory_space<hbm>> -> memref<120xi32, #tpu.memory_space<hbm>>
    tpu.wait_dma2 semaphore(%arg11 : memref<!tpu.dma_semaphore, #tpu.memory_space<semaphore_mem>>) src(%dma_wait3A_37 : memref<120xi32, #tpu.memory_space<hbm>>) dst(%arg8 : memref<120xi32, #tpu.memory_space<vmem>>)
    %barrier3A_38 = arith.constant 0 : index
    tpu.barrier barrier_id(%barrier3A_38)
    %mul3A_39 = arith.constant 632 : i32
    %mul3A_40 = arith.muli %arg1, %mul3A_39 : i32
    %mul3A_41 = arith.constant 632 : i32
    %mul3A_42 = arith.muli %arg1, %mul3A_41 : i32
    "tpu.region"() ({
      %run_scoped3A = tpu.sem_alloc : memref<!tpu.dma_semaphore, #tpu.memory_space<semaphore_mem>>
      %dma_start3A_43 = arith.constant 0 : i32
      %dma_start3A_44 = tpu.memref_slice %arg5[%arg0, %mul3A_42, %dma_start3A_43] : memref<2x10112x128xf32, #tpu.memory_space<hbm>> -> memref<1x632x128xf32, #tpu.memory_space<hbm>>
      %dma_start3A_45 = tpu.memref_squeeze %dma_start3A_44 : memref<1x632x128xf32, #tpu.memory_space<hbm>> -> memref<632x128xf32, #tpu.memory_space<hbm>>
      %dma_start3A_46 = arith.constant 0 : i32
      %dma_start3A_47 = tpu.memref_slice %arg6[%mul3A_40, %dma_start3A_46] : memref<10112x128xf32, #tpu.memory_space<vmem_shared>> -> memref<632x128xf32, #tpu.memory_space<vmem_shared>>
      tpu.enqueue_dma source(%dma_start3A_47 : memref<632x128xf32, #tpu.memory_space<vmem_shared>>) target(%dma_start3A_45 : memref<632x128xf32, #tpu.memory_space<hbm>>) target_semaphore(%run_scoped3A : memref<!tpu.dma_semaphore, #tpu.memory_space<semaphore_mem>>)
      %dma_wait3A_48 = arith.constant 0 : i32
      %dma_wait3A_49 = tpu.memref_slice %arg5[%arg0, %mul3A_42, %dma_wait3A_48] : memref<2x10112x128xf32, #tpu.memory_space<hbm>> -> memref<1x632x128xf32, #tpu.memory_space<hbm>>
      %dma_wait3A_50 = tpu.memref_squeeze %dma_wait3A_49 : memref<1x632x128xf32, #tpu.memory_space<hbm>> -> memref<632x128xf32, #tpu.memory_space<hbm>>
      %dma_wait3A_51 = arith.constant 0 : i32
      %dma_wait3A_52 = tpu.memref_slice %arg6[%mul3A_40, %dma_wait3A_51] : memref<10112x128xf32, #tpu.memory_space<vmem_shared>> -> memref<632x128xf32, #tpu.memory_space<vmem_shared>>
      tpu.wait_dma2 semaphore(%run_scoped3A : memref<!tpu.dma_semaphore, #tpu.memory_space<semaphore_mem>>) src(%dma_wait3A_52 : memref<632x128xf32, #tpu.memory_space<vmem_shared>>) dst(%dma_wait3A_50 : memref<632x128xf32, #tpu.memory_space<hbm>>)
      tpu.yield
    }) : () -> ()
    return
  }
}

#map = affine_map<(d0, d1) -> (0, 0)>
#map1 = affine_map<(d0, d1) -> (0, 0, 0, 0)>
#map2 = affine_map<(d0, d1) -> (0, 0, 0)>
module attributes {stable_mosaic.version = 14 : i64} {
  func.func @_sc_agg_body(%arg0: i32, %arg1: i32, %arg2: memref<20000x128xf32, #tpu.memory_space<hbm>>, %arg3: memref<2x16x84x120xi32, #tpu.memory_space<hbm>>, %arg4: memref<16x84x120xi32, #tpu.memory_space<hbm>>, %arg5: memref<120x128xf32, #tpu.memory_space<hbm>>, %arg6: memref<2x10112x128xf32, #tpu.memory_space<hbm>>, %arg7: memref<10112x128xf32, #tpu.memory_space<vmem_shared>>, %arg8: memref<84x120xi32, #tpu.memory_space<vmem>>, %arg9: memref<120xi32, #tpu.memory_space<vmem>>, %arg10: memref<120xi32, #tpu.memory_space<vmem>>, %arg11: memref<120xi32, #tpu.memory_space<vmem>>, %arg12: memref<120xi32, #tpu.memory_space<vmem>>, %arg13: memref<120x128xf32, #tpu.memory_space<vmem>>, %arg14: memref<120x128xf32, #tpu.memory_space<vmem>>, %arg15: memref<!tpu.dma_semaphore, #tpu.memory_space<semaphore_mem>>, %arg16: memref<!tpu.dma_semaphore, #tpu.memory_space<semaphore_mem>>, %arg17: memref<!tpu.dma_semaphore, #tpu.memory_space<semaphore_mem>>, %arg18: memref<!tpu.dma_semaphore, #tpu.memory_space<semaphore_mem>>, %arg19: memref<!tpu.dma_semaphore, #tpu.memory_space<semaphore_mem>>, %arg20: memref<!tpu.dma_semaphore, #tpu.memory_space<semaphore_mem>>) attributes {dimension_semantics = [#tpu.dimension_semantics<core_parallel>, #tpu.dimension_semantics<subcore_parallel>], iteration_bounds = array<i64: 2, 16>, scalar_prefetch = 0 : i64, scratch_operands = 14 : i64, tpu.core_type = #tpu.core_type<sc_vector_subcore>, window_params = [{transform_indices = #map}, {transform_indices = #map1}, {transform_indices = #map2}, {transform_indices = #map}, {transform_indices = #map2}]} {
    "tpu.region"() ({
      %run_scoped3A = tpu.sem_alloc : memref<!tpu.dma_semaphore, #tpu.memory_space<semaphore_mem>>
      %dma_start3A_59 = arith.constant 0 : i32
      %dma_start3A_60 = arith.constant 0 : i32
      %dma_start3A_61 = tpu.memref_slice %arg3[%arg0, %arg1, %dma_start3A_59, %dma_start3A_60] : memref<2x16x84x120xi32, #tpu.memory_space<hbm>> -> memref<1x1x84x120xi32, #tpu.memory_space<hbm>>
      %dma_start3A_62 = tpu.memref_squeeze %dma_start3A_61 : memref<1x1x84x120xi32, #tpu.memory_space<hbm>> -> memref<84x120xi32, #tpu.memory_space<hbm>>
      %dma_start3A_63 = arith.constant 0 : i32
      %dma_start3A_64 = arith.constant 0 : i32
      %dma_start3A_65 = tpu.memref_slice %arg3[%arg0, %arg1, %dma_start3A_63, %dma_start3A_64] : memref<2x16x84x120xi32, #tpu.memory_space<hbm>> -> memref<1x1x84x120xi32, #tpu.memory_space<hbm>>
      %dma_start3A_66 = tpu.memref_squeeze %dma_start3A_65 : memref<1x1x84x120xi32, #tpu.memory_space<hbm>> -> memref<84x120xi32, #tpu.memory_space<hbm>>
      tpu.enqueue_dma source(%dma_start3A_66 : memref<84x120xi32, #tpu.memory_space<hbm>>) target(%arg8 : memref<84x120xi32, #tpu.memory_space<vmem>>) target_semaphore(%run_scoped3A : memref<!tpu.dma_semaphore, #tpu.memory_space<semaphore_mem>>)
      %dma_wait3A_67 = arith.constant 0 : i32
      %dma_wait3A_68 = arith.constant 0 : i32
      %dma_wait3A_69 = tpu.memref_slice %arg3[%arg0, %arg1, %dma_wait3A_67, %dma_wait3A_68] : memref<2x16x84x120xi32, #tpu.memory_space<hbm>> -> memref<1x1x84x120xi32, #tpu.memory_space<hbm>>
      %dma_wait3A_70 = tpu.memref_squeeze %dma_wait3A_69 : memref<1x1x84x120xi32, #tpu.memory_space<hbm>> -> memref<84x120xi32, #tpu.memory_space<hbm>>
      %dma_wait3A_71 = arith.constant 0 : i32
      %dma_wait3A_72 = arith.constant 0 : i32
      %dma_wait3A_73 = tpu.memref_slice %arg3[%arg0, %arg1, %dma_wait3A_71, %dma_wait3A_72] : memref<2x16x84x120xi32, #tpu.memory_space<hbm>> -> memref<1x1x84x120xi32, #tpu.memory_space<hbm>>
      %dma_wait3A_74 = tpu.memref_squeeze %dma_wait3A_73 : memref<1x1x84x120xi32, #tpu.memory_space<hbm>> -> memref<84x120xi32, #tpu.memory_space<hbm>>
      tpu.wait_dma2 semaphore(%run_scoped3A : memref<!tpu.dma_semaphore, #tpu.memory_space<semaphore_mem>>) src(%dma_wait3A_74 : memref<84x120xi32, #tpu.memory_space<hbm>>) dst(%arg8 : memref<84x120xi32, #tpu.memory_space<vmem>>)
      tpu.yield
    }) : () -> ()
    "tpu.region"() ({
      %run_scoped3A = tpu.sem_alloc : memref<!tpu.dma_semaphore, #tpu.memory_space<semaphore_mem>>
      tpu.enqueue_dma source(%arg5 : memref<120x128xf32, #tpu.memory_space<hbm>>) target(%arg13 : memref<120x128xf32, #tpu.memory_space<vmem>>) target_semaphore(%run_scoped3A : memref<!tpu.dma_semaphore, #tpu.memory_space<semaphore_mem>>)
      tpu.wait_dma2 semaphore(%run_scoped3A : memref<!tpu.dma_semaphore, #tpu.memory_space<semaphore_mem>>) src(%arg5 : memref<120x128xf32, #tpu.memory_space<hbm>>) dst(%arg13 : memref<120x128xf32, #tpu.memory_space<vmem>>)
      tpu.yield
    }) : () -> ()
    %mul3A = arith.constant 632 : i32
    %mul3A_0 = arith.muli %arg1, %mul3A : i32
    %add3A = arith.constant 0 : i32
    %add3A_1 = arith.addi %mul3A_0, %add3A : i32
    "tpu.region"() ({
      %run_scoped3A = tpu.sem_alloc : memref<!tpu.dma_semaphore, #tpu.memory_space<semaphore_mem>>
      %dma_start3A_59 = arith.constant 0 : i32
      %dma_start3A_60 = tpu.memref_slice %arg7[%add3A_1, %dma_start3A_59] : memref<10112x128xf32, #tpu.memory_space<vmem_shared>> -> memref<120x128xf32, #tpu.memory_space<vmem_shared>>
      %dma_start3A_61 = arith.constant 0 : i32
      %dma_start3A_62 = tpu.memref_slice %arg7[%add3A_1, %dma_start3A_61] : memref<10112x128xf32, #tpu.memory_space<vmem_shared>> -> memref<120x128xf32, #tpu.memory_space<vmem_shared>>
      tpu.enqueue_dma source(%arg13 : memref<120x128xf32, #tpu.memory_space<vmem>>) target(%dma_start3A_62 : memref<120x128xf32, #tpu.memory_space<vmem_shared>>) target_semaphore(%run_scoped3A : memref<!tpu.dma_semaphore, #tpu.memory_space<semaphore_mem>>)
      %dma_wait3A_63 = arith.constant 0 : i32
      %dma_wait3A_64 = tpu.memref_slice %arg7[%add3A_1, %dma_wait3A_63] : memref<10112x128xf32, #tpu.memory_space<vmem_shared>> -> memref<120x128xf32, #tpu.memory_space<vmem_shared>>
      %dma_wait3A_65 = arith.constant 0 : i32
      %dma_wait3A_66 = tpu.memref_slice %arg7[%add3A_1, %dma_wait3A_65] : memref<10112x128xf32, #tpu.memory_space<vmem_shared>> -> memref<120x128xf32, #tpu.memory_space<vmem_shared>>
      tpu.wait_dma2 semaphore(%run_scoped3A : memref<!tpu.dma_semaphore, #tpu.memory_space<semaphore_mem>>) src(%arg13 : memref<120x128xf32, #tpu.memory_space<vmem>>) dst(%dma_wait3A_66 : memref<120x128xf32, #tpu.memory_space<vmem_shared>>)
      tpu.yield
    }) : () -> ()
    %mul3A_2 = arith.constant 632 : i32
    %mul3A_3 = arith.muli %arg1, %mul3A_2 : i32
    %add3A_4 = arith.constant 120 : i32
    %add3A_5 = arith.addi %mul3A_3, %add3A_4 : i32
    "tpu.region"() ({
      %run_scoped3A = tpu.sem_alloc : memref<!tpu.dma_semaphore, #tpu.memory_space<semaphore_mem>>
      %dma_start3A_59 = arith.constant 0 : i32
      %dma_start3A_60 = tpu.memref_slice %arg7[%add3A_5, %dma_start3A_59] : memref<10112x128xf32, #tpu.memory_space<vmem_shared>> -> memref<120x128xf32, #tpu.memory_space<vmem_shared>>
      %dma_start3A_61 = arith.constant 0 : i32
      %dma_start3A_62 = tpu.memref_slice %arg7[%add3A_5, %dma_start3A_61] : memref<10112x128xf32, #tpu.memory_space<vmem_shared>> -> memref<120x128xf32, #tpu.memory_space<vmem_shared>>
      tpu.enqueue_dma source(%arg13 : memref<120x128xf32, #tpu.memory_space<vmem>>) target(%dma_start3A_62 : memref<120x128xf32, #tpu.memory_space<vmem_shared>>) target_semaphore(%run_scoped3A : memref<!tpu.dma_semaphore, #tpu.memory_space<semaphore_mem>>)
      %dma_wait3A_63 = arith.constant 0 : i32
      %dma_wait3A_64 = tpu.memref_slice %arg7[%add3A_5, %dma_wait3A_63] : memref<10112x128xf32, #tpu.memory_space<vmem_shared>> -> memref<120x128xf32, #tpu.memory_space<vmem_shared>>
      %dma_wait3A_65 = arith.constant 0 : i32
      %dma_wait3A_66 = tpu.memref_slice %arg7[%add3A_5, %dma_wait3A_65] : memref<10112x128xf32, #tpu.memory_space<vmem_shared>> -> memref<120x128xf32, #tpu.memory_space<vmem_shared>>
      tpu.wait_dma2 semaphore(%run_scoped3A : memref<!tpu.dma_semaphore, #tpu.memory_space<semaphore_mem>>) src(%arg13 : memref<120x128xf32, #tpu.memory_space<vmem>>) dst(%dma_wait3A_66 : memref<120x128xf32, #tpu.memory_space<vmem_shared>>)
      tpu.yield
    }) : () -> ()
    %mul3A_6 = arith.constant 632 : i32
    %mul3A_7 = arith.muli %arg1, %mul3A_6 : i32
    %add3A_8 = arith.constant 240 : i32
    %add3A_9 = arith.addi %mul3A_7, %add3A_8 : i32
    "tpu.region"() ({
      %run_scoped3A = tpu.sem_alloc : memref<!tpu.dma_semaphore, #tpu.memory_space<semaphore_mem>>
      %dma_start3A_59 = arith.constant 0 : i32
      %dma_start3A_60 = tpu.memref_slice %arg7[%add3A_9, %dma_start3A_59] : memref<10112x128xf32, #tpu.memory_space<vmem_shared>> -> memref<120x128xf32, #tpu.memory_space<vmem_shared>>
      %dma_start3A_61 = arith.constant 0 : i32
      %dma_start3A_62 = tpu.memref_slice %arg7[%add3A_9, %dma_start3A_61] : memref<10112x128xf32, #tpu.memory_space<vmem_shared>> -> memref<120x128xf32, #tpu.memory_space<vmem_shared>>
      tpu.enqueue_dma source(%arg13 : memref<120x128xf32, #tpu.memory_space<vmem>>) target(%dma_start3A_62 : memref<120x128xf32, #tpu.memory_space<vmem_shared>>) target_semaphore(%run_scoped3A : memref<!tpu.dma_semaphore, #tpu.memory_space<semaphore_mem>>)
      %dma_wait3A_63 = arith.constant 0 : i32
      %dma_wait3A_64 = tpu.memref_slice %arg7[%add3A_9, %dma_wait3A_63] : memref<10112x128xf32, #tpu.memory_space<vmem_shared>> -> memref<120x128xf32, #tpu.memory_space<vmem_shared>>
      %dma_wait3A_65 = arith.constant 0 : i32
      %dma_wait3A_66 = tpu.memref_slice %arg7[%add3A_9, %dma_wait3A_65] : memref<10112x128xf32, #tpu.memory_space<vmem_shared>> -> memref<120x128xf32, #tpu.memory_space<vmem_shared>>
      tpu.wait_dma2 semaphore(%run_scoped3A : memref<!tpu.dma_semaphore, #tpu.memory_space<semaphore_mem>>) src(%arg13 : memref<120x128xf32, #tpu.memory_space<vmem>>) dst(%dma_wait3A_66 : memref<120x128xf32, #tpu.memory_space<vmem_shared>>)
      tpu.yield
    }) : () -> ()
    %mul3A_10 = arith.constant 632 : i32
    %mul3A_11 = arith.muli %arg1, %mul3A_10 : i32
    %add3A_12 = arith.constant 360 : i32
    %add3A_13 = arith.addi %mul3A_11, %add3A_12 : i32
    "tpu.region"() ({
      %run_scoped3A = tpu.sem_alloc : memref<!tpu.dma_semaphore, #tpu.memory_space<semaphore_mem>>
      %dma_start3A_59 = arith.constant 0 : i32
      %dma_start3A_60 = tpu.memref_slice %arg7[%add3A_13, %dma_start3A_59] : memref<10112x128xf32, #tpu.memory_space<vmem_shared>> -> memref<120x128xf32, #tpu.memory_space<vmem_shared>>
      %dma_start3A_61 = arith.constant 0 : i32
      %dma_start3A_62 = tpu.memref_slice %arg7[%add3A_13, %dma_start3A_61] : memref<10112x128xf32, #tpu.memory_space<vmem_shared>> -> memref<120x128xf32, #tpu.memory_space<vmem_shared>>
      tpu.enqueue_dma source(%arg13 : memref<120x128xf32, #tpu.memory_space<vmem>>) target(%dma_start3A_62 : memref<120x128xf32, #tpu.memory_space<vmem_shared>>) target_semaphore(%run_scoped3A : memref<!tpu.dma_semaphore, #tpu.memory_space<semaphore_mem>>)
      %dma_wait3A_63 = arith.constant 0 : i32
      %dma_wait3A_64 = tpu.memref_slice %arg7[%add3A_13, %dma_wait3A_63] : memref<10112x128xf32, #tpu.memory_space<vmem_shared>> -> memref<120x128xf32, #tpu.memory_space<vmem_shared>>
      %dma_wait3A_65 = arith.constant 0 : i32
      %dma_wait3A_66 = tpu.memref_slice %arg7[%add3A_13, %dma_wait3A_65] : memref<10112x128xf32, #tpu.memory_space<vmem_shared>> -> memref<120x128xf32, #tpu.memory_space<vmem_shared>>
      tpu.wait_dma2 semaphore(%run_scoped3A : memref<!tpu.dma_semaphore, #tpu.memory_space<semaphore_mem>>) src(%arg13 : memref<120x128xf32, #tpu.memory_space<vmem>>) dst(%dma_wait3A_66 : memref<120x128xf32, #tpu.memory_space<vmem_shared>>)
      tpu.yield
    }) : () -> ()
    %mul3A_14 = arith.constant 632 : i32
    %mul3A_15 = arith.muli %arg1, %mul3A_14 : i32
    %add3A_16 = arith.constant 480 : i32
    %add3A_17 = arith.addi %mul3A_15, %add3A_16 : i32
    "tpu.region"() ({
      %run_scoped3A = tpu.sem_alloc : memref<!tpu.dma_semaphore, #tpu.memory_space<semaphore_mem>>
      %dma_start3A_59 = arith.constant 0 : i32
      %dma_start3A_60 = tpu.memref_slice %arg7[%add3A_17, %dma_start3A_59] : memref<10112x128xf32, #tpu.memory_space<vmem_shared>> -> memref<120x128xf32, #tpu.memory_space<vmem_shared>>
      %dma_start3A_61 = arith.constant 0 : i32
      %dma_start3A_62 = tpu.memref_slice %arg7[%add3A_17, %dma_start3A_61] : memref<10112x128xf32, #tpu.memory_space<vmem_shared>> -> memref<120x128xf32, #tpu.memory_space<vmem_shared>>
      tpu.enqueue_dma source(%arg13 : memref<120x128xf32, #tpu.memory_space<vmem>>) target(%dma_start3A_62 : memref<120x128xf32, #tpu.memory_space<vmem_shared>>) target_semaphore(%run_scoped3A : memref<!tpu.dma_semaphore, #tpu.memory_space<semaphore_mem>>)
      %dma_wait3A_63 = arith.constant 0 : i32
      %dma_wait3A_64 = tpu.memref_slice %arg7[%add3A_17, %dma_wait3A_63] : memref<10112x128xf32, #tpu.memory_space<vmem_shared>> -> memref<120x128xf32, #tpu.memory_space<vmem_shared>>
      %dma_wait3A_65 = arith.constant 0 : i32
      %dma_wait3A_66 = tpu.memref_slice %arg7[%add3A_17, %dma_wait3A_65] : memref<10112x128xf32, #tpu.memory_space<vmem_shared>> -> memref<120x128xf32, #tpu.memory_space<vmem_shared>>
      tpu.wait_dma2 semaphore(%run_scoped3A : memref<!tpu.dma_semaphore, #tpu.memory_space<semaphore_mem>>) src(%arg13 : memref<120x128xf32, #tpu.memory_space<vmem>>) dst(%dma_wait3A_66 : memref<120x128xf32, #tpu.memory_space<vmem_shared>>)
      tpu.yield
    }) : () -> ()
    %mul3A_18 = arith.constant 632 : i32
    %mul3A_19 = arith.muli %arg1, %mul3A_18 : i32
    %add3A_20 = arith.constant 632 : i32
    %add3A_21 = arith.addi %mul3A_19, %add3A_20 : i32
    %sub3A = arith.constant 32 : i32
    %sub3A_22 = arith.subi %add3A_21, %sub3A : i32
    "tpu.region"() ({
      %run_scoped3A = tpu.sem_alloc : memref<!tpu.dma_semaphore, #tpu.memory_space<semaphore_mem>>
      %dma_start3A_59 = arith.constant 0 : i32
      %dma_start3A_60 = arith.constant 0 : i32
      %dma_start3A_61 = tpu.memref_slice %arg13[%dma_start3A_59, %dma_start3A_60] : memref<120x128xf32, #tpu.memory_space<vmem>> -> memref<32x128xf32, #tpu.memory_space<vmem>>
      %dma_start3A_62 = arith.constant 0 : i32
      %dma_start3A_63 = tpu.memref_slice %arg7[%sub3A_22, %dma_start3A_62] : memref<10112x128xf32, #tpu.memory_space<vmem_shared>> -> memref<32x128xf32, #tpu.memory_space<vmem_shared>>
      %dma_start3A_64 = arith.constant 0 : i32
      %dma_start3A_65 = tpu.memref_slice %arg7[%sub3A_22, %dma_start3A_64] : memref<10112x128xf32, #tpu.memory_space<vmem_shared>> -> memref<32x128xf32, #tpu.memory_space<vmem_shared>>
      %dma_start3A_66 = arith.constant 0 : i32
      %dma_start3A_67 = arith.constant 0 : i32
      %dma_start3A_68 = tpu.memref_slice %arg13[%dma_start3A_66, %dma_start3A_67] : memref<120x128xf32, #tpu.memory_space<vmem>> -> memref<32x128xf32, #tpu.memory_space<vmem>>
      tpu.enqueue_dma source(%dma_start3A_68 : memref<32x128xf32, #tpu.memory_space<vmem>>) target(%dma_start3A_65 : memref<32x128xf32, #tpu.memory_space<vmem_shared>>) target_semaphore(%run_scoped3A : memref<!tpu.dma_semaphore, #tpu.memory_space<semaphore_mem>>)
      %dma_wait3A_69 = arith.constant 0 : i32
      %dma_wait3A_70 = arith.constant 0 : i32
      %dma_wait3A_71 = tpu.memref_slice %arg13[%dma_wait3A_69, %dma_wait3A_70] : memref<120x128xf32, #tpu.memory_space<vmem>> -> memref<32x128xf32, #tpu.memory_space<vmem>>
      %dma_wait3A_72 = arith.constant 0 : i32
      %dma_wait3A_73 = tpu.memref_slice %arg7[%sub3A_22, %dma_wait3A_72] : memref<10112x128xf32, #tpu.memory_space<vmem_shared>> -> memref<32x128xf32, #tpu.memory_space<vmem_shared>>
      %dma_wait3A_74 = arith.constant 0 : i32
      %dma_wait3A_75 = tpu.memref_slice %arg7[%sub3A_22, %dma_wait3A_74] : memref<10112x128xf32, #tpu.memory_space<vmem_shared>> -> memref<32x128xf32, #tpu.memory_space<vmem_shared>>
      %dma_wait3A_76 = arith.constant 0 : i32
      %dma_wait3A_77 = arith.constant 0 : i32
      %dma_wait3A_78 = tpu.memref_slice %arg13[%dma_wait3A_76, %dma_wait3A_77] : memref<120x128xf32, #tpu.memory_space<vmem>> -> memref<32x128xf32, #tpu.memory_space<vmem>>
      tpu.wait_dma2 semaphore(%run_scoped3A : memref<!tpu.dma_semaphore, #tpu.memory_space<semaphore_mem>>) src(%dma_wait3A_78 : memref<32x128xf32, #tpu.memory_space<vmem>>) dst(%dma_wait3A_75 : memref<32x128xf32, #tpu.memory_space<vmem_shared>>)
      tpu.yield
    }) : () -> ()
    %barrier3A = arith.constant 0 : index
    tpu.barrier barrier_id(%barrier3A)
    %dma_start3A = arith.constant 0 : i32
    %dma_start3A_23 = arith.constant 0 : i32
    %dma_start3A_24 = tpu.memref_slice %arg8[%dma_start3A, %dma_start3A_23] : memref<84x120xi32, #tpu.memory_space<vmem>> -> memref<1x120xi32, #tpu.memory_space<vmem>>
    %dma_start3A_25 = tpu.memref_squeeze %dma_start3A_24 : memref<1x120xi32, #tpu.memory_space<vmem>> -> memref<120xi32, #tpu.memory_space<vmem>>
    %dma_start3A_26 = arith.constant 0 : i32
    %dma_start3A_27 = arith.constant 0 : i32
    %dma_start3A_28 = tpu.memref_slice %arg2[%dma_start3A_26, %dma_start3A_27] : memref<20000x128xf32, #tpu.memory_space<hbm>> -> memref<20000x128xf32, #tpu.memory_space<hbm>>
    tpu.enqueue_indirect_dma source(%dma_start3A_28 : memref<20000x128xf32, #tpu.memory_space<hbm>>) target(%arg13 : memref<120x128xf32, #tpu.memory_space<vmem>>) offsets(%dma_start3A_25 : memref<120xi32, #tpu.memory_space<vmem>>) semaphore(%arg19 : memref<!tpu.dma_semaphore, #tpu.memory_space<semaphore_mem>>)
    %dma_start3A_29 = arith.constant 1 : i32
    %dma_start3A_30 = arith.constant 0 : i32
    %dma_start3A_31 = tpu.memref_slice %arg8[%dma_start3A_29, %dma_start3A_30] : memref<84x120xi32, #tpu.memory_space<vmem>> -> memref<1x120xi32, #tpu.memory_space<vmem>>
    %dma_start3A_32 = tpu.memref_squeeze %dma_start3A_31 : memref<1x120xi32, #tpu.memory_space<vmem>> -> memref<120xi32, #tpu.memory_space<vmem>>
    %dma_start3A_33 = arith.constant 0 : i32
    %dma_start3A_34 = arith.constant 0 : i32
    %dma_start3A_35 = tpu.memref_slice %arg2[%dma_start3A_33, %dma_start3A_34] : memref<20000x128xf32, #tpu.memory_space<hbm>> -> memref<20000x128xf32, #tpu.memory_space<hbm>>
    tpu.enqueue_indirect_dma source(%dma_start3A_35 : memref<20000x128xf32, #tpu.memory_space<hbm>>) target(%arg14 : memref<120x128xf32, #tpu.memory_space<vmem>>) offsets(%dma_start3A_32 : memref<120xi32, #tpu.memory_space<vmem>>) semaphore(%arg20 : memref<!tpu.dma_semaphore, #tpu.memory_space<semaphore_mem>>)
    %scan3A = arith.constant 0 : i32
    %scan3A_36 = arith.constant 0 : i32
    %scan3A_37 = arith.constant 21 : i32
    %scan3A_38 = arith.addi %scan3A_36, %scan3A_37 : i32
    %scan3A_39 = arith.constant 1 : i32
    scf.for %scan3A_59 = %scan3A_36 to %scan3A_38 step %scan3A_39  : i32 {
      %mul3A_60 = arith.constant 4 : i32
      %mul3A_61 = arith.muli %scan3A_59, %mul3A_60 : i32
      %add3A_62 = arith.constant 1 : i32
      %add3A_63 = arith.addi %mul3A_61, %add3A_62 : i32
      %add3A_64 = arith.constant 2 : i32
      %add3A_65 = arith.addi %mul3A_61, %add3A_64 : i32
      %add3A_66 = arith.constant 3 : i32
      %add3A_67 = arith.addi %mul3A_61, %add3A_66 : i32
      %add3A_68 = arith.constant 4 : i32
      %add3A_69 = arith.addi %mul3A_61, %add3A_68 : i32
      %min3A = arith.constant 82 : i32
      %min3A_70 = arith.minsi %add3A_69, %min3A : i32
      %dma_start3A_71 = arith.constant 0 : i32
      %dma_start3A_72 = tpu.memref_slice %arg4[%arg1, %mul3A_61, %dma_start3A_71] : memref<16x84x120xi32, #tpu.memory_space<hbm>> -> memref<1x1x120xi32, #tpu.memory_space<hbm>>
      %dma_start3A_73 = tpu.memref_squeeze %dma_start3A_72 : memref<1x1x120xi32, #tpu.memory_space<hbm>> -> memref<120xi32, #tpu.memory_space<hbm>>
      %dma_start3A_74 = arith.constant 0 : i32
      %dma_start3A_75 = tpu.memref_slice %arg4[%arg1, %mul3A_61, %dma_start3A_74] : memref<16x84x120xi32, #tpu.memory_space<hbm>> -> memref<1x1x120xi32, #tpu.memory_space<hbm>>
      %dma_start3A_76 = tpu.memref_squeeze %dma_start3A_75 : memref<1x1x120xi32, #tpu.memory_space<hbm>> -> memref<120xi32, #tpu.memory_space<hbm>>
      tpu.enqueue_dma source(%dma_start3A_76 : memref<120xi32, #tpu.memory_space<hbm>>) target(%arg9 : memref<120xi32, #tpu.memory_space<vmem>>) target_semaphore(%arg15 : memref<!tpu.dma_semaphore, #tpu.memory_space<semaphore_mem>>)
      %dma_start3A_77 = arith.constant 0 : i32
      %dma_start3A_78 = tpu.memref_slice %arg4[%arg1, %add3A_63, %dma_start3A_77] : memref<16x84x120xi32, #tpu.memory_space<hbm>> -> memref<1x1x120xi32, #tpu.memory_space<hbm>>
      %dma_start3A_79 = tpu.memref_squeeze %dma_start3A_78 : memref<1x1x120xi32, #tpu.memory_space<hbm>> -> memref<120xi32, #tpu.memory_space<hbm>>
      %dma_start3A_80 = arith.constant 0 : i32
      %dma_start3A_81 = tpu.memref_slice %arg4[%arg1, %add3A_63, %dma_start3A_80] : memref<16x84x120xi32, #tpu.memory_space<hbm>> -> memref<1x1x120xi32, #tpu.memory_space<hbm>>
      %dma_start3A_82 = tpu.memref_squeeze %dma_start3A_81 : memref<1x1x120xi32, #tpu.memory_space<hbm>> -> memref<120xi32, #tpu.memory_space<hbm>>
      tpu.enqueue_dma source(%dma_start3A_82 : memref<120xi32, #tpu.memory_space<hbm>>) target(%arg10 : memref<120xi32, #tpu.memory_space<vmem>>) target_semaphore(%arg16 : memref<!tpu.dma_semaphore, #tpu.memory_space<semaphore_mem>>)
      %dma_start3A_83 = arith.constant 0 : i32
      %dma_start3A_84 = tpu.memref_slice %arg4[%arg1, %add3A_65, %dma_start3A_83] : memref<16x84x120xi32, #tpu.memory_space<hbm>> -> memref<1x1x120xi32, #tpu.memory_space<hbm>>
      %dma_start3A_85 = tpu.memref_squeeze %dma_start3A_84 : memref<1x1x120xi32, #tpu.memory_space<hbm>> -> memref<120xi32, #tpu.memory_space<hbm>>
      %dma_start3A_86 = arith.constant 0 : i32
      %dma_start3A_87 = tpu.memref_slice %arg4[%arg1, %add3A_65, %dma_start3A_86] : memref<16x84x120xi32, #tpu.memory_space<hbm>> -> memref<1x1x120xi32, #tpu.memory_space<hbm>>
      %dma_start3A_88 = tpu.memref_squeeze %dma_start3A_87 : memref<1x1x120xi32, #tpu.memory_space<hbm>> -> memref<120xi32, #tpu.memory_space<hbm>>
      tpu.enqueue_dma source(%dma_start3A_88 : memref<120xi32, #tpu.memory_space<hbm>>) target(%arg11 : memref<120xi32, #tpu.memory_space<vmem>>) target_semaphore(%arg17 : memref<!tpu.dma_semaphore, #tpu.memory_space<semaphore_mem>>)
      %dma_start3A_89 = arith.constant 0 : i32
      %dma_start3A_90 = tpu.memref_slice %arg4[%arg1, %add3A_67, %dma_start3A_89] : memref<16x84x120xi32, #tpu.memory_space<hbm>> -> memref<1x1x120xi32, #tpu.memory_space<hbm>>
      %dma_start3A_91 = tpu.memref_squeeze %dma_start3A_90 : memref<1x1x120xi32, #tpu.memory_space<hbm>> -> memref<120xi32, #tpu.memory_space<hbm>>
      %dma_start3A_92 = arith.constant 0 : i32
      %dma_start3A_93 = tpu.memref_slice %arg4[%arg1, %add3A_67, %dma_start3A_92] : memref<16x84x120xi32, #tpu.memory_space<hbm>> -> memref<1x1x120xi32, #tpu.memory_space<hbm>>
      %dma_start3A_94 = tpu.memref_squeeze %dma_start3A_93 : memref<1x1x120xi32, #tpu.memory_space<hbm>> -> memref<120xi32, #tpu.memory_space<hbm>>
      tpu.enqueue_dma source(%dma_start3A_94 : memref<120xi32, #tpu.memory_space<hbm>>) target(%arg12 : memref<120xi32, #tpu.memory_space<vmem>>) target_semaphore(%arg18 : memref<!tpu.dma_semaphore, #tpu.memory_space<semaphore_mem>>)
      %dma_wait3A_95 = arith.constant 0 : i32
      %dma_wait3A_96 = tpu.memref_slice %arg8[%mul3A_61, %dma_wait3A_95] : memref<84x120xi32, #tpu.memory_space<vmem>> -> memref<1x120xi32, #tpu.memory_space<vmem>>
      %dma_wait3A_97 = tpu.memref_squeeze %dma_wait3A_96 : memref<1x120xi32, #tpu.memory_space<vmem>> -> memref<120xi32, #tpu.memory_space<vmem>>
      %dma_wait3A_98 = arith.constant 0 : i32
      %dma_wait3A_99 = arith.constant 0 : i32
      %dma_wait3A_100 = tpu.memref_slice %arg2[%dma_wait3A_98, %dma_wait3A_99] : memref<20000x128xf32, #tpu.memory_space<hbm>> -> memref<20000x128xf32, #tpu.memory_space<hbm>>
      tpu.wait_indirect_dma semaphore(%arg19 : memref<!tpu.dma_semaphore, #tpu.memory_space<semaphore_mem>>) src(%dma_wait3A_100 : memref<20000x128xf32, #tpu.memory_space<hbm>>) dst(%arg13 : memref<120x128xf32, #tpu.memory_space<vmem>>)
      %dma_wait3A_101 = arith.constant 0 : i32
      %dma_wait3A_102 = tpu.memref_slice %arg4[%arg1, %mul3A_61, %dma_wait3A_101] : memref<16x84x120xi32, #tpu.memory_space<hbm>> -> memref<1x1x120xi32, #tpu.memory_space<hbm>>
      %dma_wait3A_103 = tpu.memref_squeeze %dma_wait3A_102 : memref<1x1x120xi32, #tpu.memory_space<hbm>> -> memref<120xi32, #tpu.memory_space<hbm>>
      %dma_wait3A_104 = arith.constant 0 : i32
      %dma_wait3A_105 = tpu.memref_slice %arg4[%arg1, %mul3A_61, %dma_wait3A_104] : memref<16x84x120xi32, #tpu.memory_space<hbm>> -> memref<1x1x120xi32, #tpu.memory_space<hbm>>
      %dma_wait3A_106 = tpu.memref_squeeze %dma_wait3A_105 : memref<1x1x120xi32, #tpu.memory_space<hbm>> -> memref<120xi32, #tpu.memory_space<hbm>>
      tpu.wait_dma2 semaphore(%arg15 : memref<!tpu.dma_semaphore, #tpu.memory_space<semaphore_mem>>) src(%dma_wait3A_106 : memref<120xi32, #tpu.memory_space<hbm>>) dst(%arg9 : memref<120xi32, #tpu.memory_space<vmem>>)
      "tpu.region"() ({
        %run_scoped3A = tpu.sem_alloc : memref<!tpu.dma_semaphore, #tpu.memory_space<semaphore_mem>>
        %dma_start3A_169 = arith.constant 0 : i32
        %dma_start3A_170 = arith.constant 0 : i32
        %dma_start3A_171 = tpu.memref_slice %arg7[%dma_start3A_169, %dma_start3A_170] : memref<10112x128xf32, #tpu.memory_space<vmem_shared>> -> memref<10112x128xf32, #tpu.memory_space<vmem_shared>>
        tpu.enqueue_indirect_dma source(%arg13 : memref<120x128xf32, #tpu.memory_space<vmem>>) target(%dma_start3A_171 : memref<10112x128xf32, #tpu.memory_space<vmem_shared>>) offsets(%arg9 : memref<120xi32, #tpu.memory_space<vmem>>) semaphore(%run_scoped3A : memref<!tpu.dma_semaphore, #tpu.memory_space<semaphore_mem>>) {add = true}
        %dma_wait3A_172 = arith.constant 0 : i32
        %dma_wait3A_173 = arith.constant 0 : i32
        %dma_wait3A_174 = tpu.memref_slice %arg7[%dma_wait3A_172, %dma_wait3A_173] : memref<10112x128xf32, #tpu.memory_space<vmem_shared>> -> memref<10112x128xf32, #tpu.memory_space<vmem_shared>>
        tpu.wait_indirect_dma semaphore(%run_scoped3A : memref<!tpu.dma_semaphore, #tpu.memory_space<semaphore_mem>>) src(%arg13 : memref<120x128xf32, #tpu.memory_space<vmem>>) dst(%dma_wait3A_174 : memref<10112x128xf32, #tpu.memory_space<vmem_shared>>)
        tpu.yield
      }) : () -> ()
      %dma_start3A_107 = arith.constant 0 : i32
      %dma_start3A_108 = tpu.memref_slice %arg8[%add3A_65, %dma_start3A_107] : memref<84x120xi32, #tpu.memory_space<vmem>> -> memref<1x120xi32, #tpu.memory_space<vmem>>
      %dma_start3A_109 = tpu.memref_squeeze %dma_start3A_108 : memref<1x120xi32, #tpu.memory_space<vmem>> -> memref<120xi32, #tpu.memory_space<vmem>>
      %dma_start3A_110 = arith.constant 0 : i32
      %dma_start3A_111 = arith.constant 0 : i32
      %dma_start3A_112 = tpu.memref_slice %arg2[%dma_start3A_110, %dma_start3A_111] : memref<20000x128xf32, #tpu.memory_space<hbm>> -> memref<20000x128xf32, #tpu.memory_space<hbm>>
      tpu.enqueue_indirect_dma source(%dma_start3A_112 : memref<20000x128xf32, #tpu.memory_space<hbm>>) target(%arg13 : memref<120x128xf32, #tpu.memory_space<vmem>>) offsets(%dma_start3A_109 : memref<120xi32, #tpu.memory_space<vmem>>) semaphore(%arg19 : memref<!tpu.dma_semaphore, #tpu.memory_space<semaphore_mem>>)
      %dma_wait3A_113 = arith.constant 0 : i32
      %dma_wait3A_114 = tpu.memref_slice %arg8[%add3A_63, %dma_wait3A_113] : memref<84x120xi32, #tpu.memory_space<vmem>> -> memref<1x120xi32, #tpu.memory_space<vmem>>
      %dma_wait3A_115 = tpu.memref_squeeze %dma_wait3A_114 : memref<1x120xi32, #tpu.memory_space<vmem>> -> memref<120xi32, #tpu.memory_space<vmem>>
      %dma_wait3A_116 = arith.constant 0 : i32
      %dma_wait3A_117 = arith.constant 0 : i32
      %dma_wait3A_118 = tpu.memref_slice %arg2[%dma_wait3A_116, %dma_wait3A_117] : memref<20000x128xf32, #tpu.memory_space<hbm>> -> memref<20000x128xf32, #tpu.memory_space<hbm>>
      tpu.wait_indirect_dma semaphore(%arg20 : memref<!tpu.dma_semaphore, #tpu.memory_space<semaphore_mem>>) src(%dma_wait3A_118 : memref<20000x128xf32, #tpu.memory_space<hbm>>) dst(%arg14 : memref<120x128xf32, #tpu.memory_space<vmem>>)
      %dma_wait3A_119 = arith.constant 0 : i32
      %dma_wait3A_120 = tpu.memref_slice %arg4[%arg1, %add3A_63, %dma_wait3A_119] : memref<16x84x120xi32, #tpu.memory_space<hbm>> -> memref<1x1x120xi32, #tpu.memory_space<hbm>>
      %dma_wait3A_121 = tpu.memref_squeeze %dma_wait3A_120 : memref<1x1x120xi32, #tpu.memory_space<hbm>> -> memref<120xi32, #tpu.memory_space<hbm>>
      %dma_wait3A_122 = arith.constant 0 : i32
      %dma_wait3A_123 = tpu.memref_slice %arg4[%arg1, %add3A_63, %dma_wait3A_122] : memref<16x84x120xi32, #tpu.memory_space<hbm>> -> memref<1x1x120xi32, #tpu.memory_space<hbm>>
      %dma_wait3A_124 = tpu.memref_squeeze %dma_wait3A_123 : memref<1x1x120xi32, #tpu.memory_space<hbm>> -> memref<120xi32, #tpu.memory_space<hbm>>
      tpu.wait_dma2 semaphore(%arg16 : memref<!tpu.dma_semaphore, #tpu.memory_space<semaphore_mem>>) src(%dma_wait3A_124 : memref<120xi32, #tpu.memory_space<hbm>>) dst(%arg10 : memref<120xi32, #tpu.memory_space<vmem>>)
      "tpu.region"() ({
        %run_scoped3A = tpu.sem_alloc : memref<!tpu.dma_semaphore, #tpu.memory_space<semaphore_mem>>
        %dma_start3A_169 = arith.constant 0 : i32
        %dma_start3A_170 = arith.constant 0 : i32
        %dma_start3A_171 = tpu.memref_slice %arg7[%dma_start3A_169, %dma_start3A_170] : memref<10112x128xf32, #tpu.memory_space<vmem_shared>> -> memref<10112x128xf32, #tpu.memory_space<vmem_shared>>
        tpu.enqueue_indirect_dma source(%arg14 : memref<120x128xf32, #tpu.memory_space<vmem>>) target(%dma_start3A_171 : memref<10112x128xf32, #tpu.memory_space<vmem_shared>>) offsets(%arg10 : memref<120xi32, #tpu.memory_space<vmem>>) semaphore(%run_scoped3A : memref<!tpu.dma_semaphore, #tpu.memory_space<semaphore_mem>>) {add = true}
        %dma_wait3A_172 = arith.constant 0 : i32
        %dma_wait3A_173 = arith.constant 0 : i32
        %dma_wait3A_174 = tpu.memref_slice %arg7[%dma_wait3A_172, %dma_wait3A_173] : memref<10112x128xf32, #tpu.memory_space<vmem_shared>> -> memref<10112x128xf32, #tpu.memory_space<vmem_shared>>
        tpu.wait_indirect_dma semaphore(%run_scoped3A : memref<!tpu.dma_semaphore, #tpu.memory_space<semaphore_mem>>) src(%arg14 : memref<120x128xf32, #tpu.memory_space<vmem>>) dst(%dma_wait3A_174 : memref<10112x128xf32, #tpu.memory_space<vmem_shared>>)
        tpu.yield
      }) : () -> ()
      %dma_start3A_125 = arith.constant 0 : i32
      %dma_start3A_126 = tpu.memref_slice %arg8[%add3A_67, %dma_start3A_125] : memref<84x120xi32, #tpu.memory_space<vmem>> -> memref<1x120xi32, #tpu.memory_space<vmem>>
      %dma_start3A_127 = tpu.memref_squeeze %dma_start3A_126 : memref<1x120xi32, #tpu.memory_space<vmem>> -> memref<120xi32, #tpu.memory_space<vmem>>
      %dma_start3A_128 = arith.constant 0 : i32
      %dma_start3A_129 = arith.constant 0 : i32
      %dma_start3A_130 = tpu.memref_slice %arg2[%dma_start3A_128, %dma_start3A_129] : memref<20000x128xf32, #tpu.memory_space<hbm>> -> memref<20000x128xf32, #tpu.memory_space<hbm>>
      tpu.enqueue_indirect_dma source(%dma_start3A_130 : memref<20000x128xf32, #tpu.memory_space<hbm>>) target(%arg14 : memref<120x128xf32, #tpu.memory_space<vmem>>) offsets(%dma_start3A_127 : memref<120xi32, #tpu.memory_space<vmem>>) semaphore(%arg20 : memref<!tpu.dma_semaphore, #tpu.memory_space<semaphore_mem>>)
      %dma_wait3A_131 = arith.constant 0 : i32
      %dma_wait3A_132 = tpu.memref_slice %arg8[%add3A_65, %dma_wait3A_131] : memref<84x120xi32, #tpu.memory_space<vmem>> -> memref<1x120xi32, #tpu.memory_space<vmem>>
      %dma_wait3A_133 = tpu.memref_squeeze %dma_wait3A_132 : memref<1x120xi32, #tpu.memory_space<vmem>> -> memref<120xi32, #tpu.memory_space<vmem>>
      %dma_wait3A_134 = arith.constant 0 : i32
      %dma_wait3A_135 = arith.constant 0 : i32
      %dma_wait3A_136 = tpu.memref_slice %arg2[%dma_wait3A_134, %dma_wait3A_135] : memref<20000x128xf32, #tpu.memory_space<hbm>> -> memref<20000x128xf32, #tpu.memory_space<hbm>>
      tpu.wait_indirect_dma semaphore(%arg19 : memref<!tpu.dma_semaphore, #tpu.memory_space<semaphore_mem>>) src(%dma_wait3A_136 : memref<20000x128xf32, #tpu.memory_space<hbm>>) dst(%arg13 : memref<120x128xf32, #tpu.memory_space<vmem>>)
      %dma_wait3A_137 = arith.constant 0 : i32
      %dma_wait3A_138 = tpu.memref_slice %arg4[%arg1, %add3A_65, %dma_wait3A_137] : memref<16x84x120xi32, #tpu.memory_space<hbm>> -> memref<1x1x120xi32, #tpu.memory_space<hbm>>
      %dma_wait3A_139 = tpu.memref_squeeze %dma_wait3A_138 : memref<1x1x120xi32, #tpu.memory_space<hbm>> -> memref<120xi32, #tpu.memory_space<hbm>>
      %dma_wait3A_140 = arith.constant 0 : i32
      %dma_wait3A_141 = tpu.memref_slice %arg4[%arg1, %add3A_65, %dma_wait3A_140] : memref<16x84x120xi32, #tpu.memory_space<hbm>> -> memref<1x1x120xi32, #tpu.memory_space<hbm>>
      %dma_wait3A_142 = tpu.memref_squeeze %dma_wait3A_141 : memref<1x1x120xi32, #tpu.memory_space<hbm>> -> memref<120xi32, #tpu.memory_space<hbm>>
      tpu.wait_dma2 semaphore(%arg17 : memref<!tpu.dma_semaphore, #tpu.memory_space<semaphore_mem>>) src(%dma_wait3A_142 : memref<120xi32, #tpu.memory_space<hbm>>) dst(%arg11 : memref<120xi32, #tpu.memory_space<vmem>>)
      "tpu.region"() ({
        %run_scoped3A = tpu.sem_alloc : memref<!tpu.dma_semaphore, #tpu.memory_space<semaphore_mem>>
        %dma_start3A_169 = arith.constant 0 : i32
        %dma_start3A_170 = arith.constant 0 : i32
        %dma_start3A_171 = tpu.memref_slice %arg7[%dma_start3A_169, %dma_start3A_170] : memref<10112x128xf32, #tpu.memory_space<vmem_shared>> -> memref<10112x128xf32, #tpu.memory_space<vmem_shared>>
        tpu.enqueue_indirect_dma source(%arg13 : memref<120x128xf32, #tpu.memory_space<vmem>>) target(%dma_start3A_171 : memref<10112x128xf32, #tpu.memory_space<vmem_shared>>) offsets(%arg11 : memref<120xi32, #tpu.memory_space<vmem>>) semaphore(%run_scoped3A : memref<!tpu.dma_semaphore, #tpu.memory_space<semaphore_mem>>) {add = true}
        %dma_wait3A_172 = arith.constant 0 : i32
        %dma_wait3A_173 = arith.constant 0 : i32
        %dma_wait3A_174 = tpu.memref_slice %arg7[%dma_wait3A_172, %dma_wait3A_173] : memref<10112x128xf32, #tpu.memory_space<vmem_shared>> -> memref<10112x128xf32, #tpu.memory_space<vmem_shared>>
        tpu.wait_indirect_dma semaphore(%run_scoped3A : memref<!tpu.dma_semaphore, #tpu.memory_space<semaphore_mem>>) src(%arg13 : memref<120x128xf32, #tpu.memory_space<vmem>>) dst(%dma_wait3A_174 : memref<10112x128xf32, #tpu.memory_space<vmem_shared>>)
        tpu.yield
      }) : () -> ()
      %dma_start3A_143 = arith.constant 0 : i32
      %dma_start3A_144 = tpu.memref_slice %arg8[%min3A_70, %dma_start3A_143] : memref<84x120xi32, #tpu.memory_space<vmem>> -> memref<1x120xi32, #tpu.memory_space<vmem>>
      %dma_start3A_145 = tpu.memref_squeeze %dma_start3A_144 : memref<1x120xi32, #tpu.memory_space<vmem>> -> memref<120xi32, #tpu.memory_space<vmem>>
      %dma_start3A_146 = arith.constant 0 : i32
      %dma_start3A_147 = arith.constant 0 : i32
      %dma_start3A_148 = tpu.memref_slice %arg2[%dma_start3A_146, %dma_start3A_147] : memref<20000x128xf32, #tpu.memory_space<hbm>> -> memref<20000x128xf32, #tpu.memory_space<hbm>>
      tpu.enqueue_indirect_dma source(%dma_start3A_148 : memref<20000x128xf32, #tpu.memory_space<hbm>>) target(%arg13 : memref<120x128xf32, #tpu.memory_space<vmem>>) offsets(%dma_start3A_145 : memref<120xi32, #tpu.memory_space<vmem>>) semaphore(%arg19 : memref<!tpu.dma_semaphore, #tpu.memory_space<semaphore_mem>>)
      %dma_wait3A_149 = arith.constant 0 : i32
      %dma_wait3A_150 = tpu.memref_slice %arg8[%add3A_67, %dma_wait3A_149] : memref<84x120xi32, #tpu.memory_space<vmem>> -> memref<1x120xi32, #tpu.memory_space<vmem>>
      %dma_wait3A_151 = tpu.memref_squeeze %dma_wait3A_150 : memref<1x120xi32, #tpu.memory_space<vmem>> -> memref<120xi32, #tpu.memory_space<vmem>>
      %dma_wait3A_152 = arith.constant 0 : i32
      %dma_wait3A_153 = arith.constant 0 : i32
      %dma_wait3A_154 = tpu.memref_slice %arg2[%dma_wait3A_152, %dma_wait3A_153] : memref<20000x128xf32, #tpu.memory_space<hbm>> -> memref<20000x128xf32, #tpu.memory_space<hbm>>
      tpu.wait_indirect_dma semaphore(%arg20 : memref<!tpu.dma_semaphore, #tpu.memory_space<semaphore_mem>>) src(%dma_wait3A_154 : memref<20000x128xf32, #tpu.memory_space<hbm>>) dst(%arg14 : memref<120x128xf32, #tpu.memory_space<vmem>>)
      %dma_wait3A_155 = arith.constant 0 : i32
      %dma_wait3A_156 = tpu.memref_slice %arg4[%arg1, %add3A_67, %dma_wait3A_155] : memref<16x84x120xi32, #tpu.memory_space<hbm>> -> memref<1x1x120xi32, #tpu.memory_space<hbm>>
      %dma_wait3A_157 = tpu.memref_squeeze %dma_wait3A_156 : memref<1x1x120xi32, #tpu.memory_space<hbm>> -> memref<120xi32, #tpu.memory_space<hbm>>
      %dma_wait3A_158 = arith.constant 0 : i32
      %dma_wait3A_159 = tpu.memref_slice %arg4[%arg1, %add3A_67, %dma_wait3A_158] : memref<16x84x120xi32, #tpu.memory_space<hbm>> -> memref<1x1x120xi32, #tpu.memory_space<hbm>>
      %dma_wait3A_160 = tpu.memref_squeeze %dma_wait3A_159 : memref<1x1x120xi32, #tpu.memory_space<hbm>> -> memref<120xi32, #tpu.memory_space<hbm>>
      tpu.wait_dma2 semaphore(%arg18 : memref<!tpu.dma_semaphore, #tpu.memory_space<semaphore_mem>>) src(%dma_wait3A_160 : memref<120xi32, #tpu.memory_space<hbm>>) dst(%arg12 : memref<120xi32, #tpu.memory_space<vmem>>)
      "tpu.region"() ({
        %run_scoped3A = tpu.sem_alloc : memref<!tpu.dma_semaphore, #tpu.memory_space<semaphore_mem>>
        %dma_start3A_169 = arith.constant 0 : i32
        %dma_start3A_170 = arith.constant 0 : i32
        %dma_start3A_171 = tpu.memref_slice %arg7[%dma_start3A_169, %dma_start3A_170] : memref<10112x128xf32, #tpu.memory_space<vmem_shared>> -> memref<10112x128xf32, #tpu.memory_space<vmem_shared>>
        tpu.enqueue_indirect_dma source(%arg14 : memref<120x128xf32, #tpu.memory_space<vmem>>) target(%dma_start3A_171 : memref<10112x128xf32, #tpu.memory_space<vmem_shared>>) offsets(%arg12 : memref<120xi32, #tpu.memory_space<vmem>>) semaphore(%run_scoped3A : memref<!tpu.dma_semaphore, #tpu.memory_space<semaphore_mem>>) {add = true}
        %dma_wait3A_172 = arith.constant 0 : i32
        %dma_wait3A_173 = arith.constant 0 : i32
        %dma_wait3A_174 = tpu.memref_slice %arg7[%dma_wait3A_172, %dma_wait3A_173] : memref<10112x128xf32, #tpu.memory_space<vmem_shared>> -> memref<10112x128xf32, #tpu.memory_space<vmem_shared>>
        tpu.wait_indirect_dma semaphore(%run_scoped3A : memref<!tpu.dma_semaphore, #tpu.memory_space<semaphore_mem>>) src(%arg14 : memref<120x128xf32, #tpu.memory_space<vmem>>) dst(%dma_wait3A_174 : memref<10112x128xf32, #tpu.memory_space<vmem_shared>>)
        tpu.yield
      }) : () -> ()
      %add3A_161 = arith.constant 1 : i32
      %add3A_162 = arith.addi %min3A_70, %add3A_161 : i32
      %dma_start3A_163 = arith.constant 0 : i32
      %dma_start3A_164 = tpu.memref_slice %arg8[%add3A_162, %dma_start3A_163] : memref<84x120xi32, #tpu.memory_space<vmem>> -> memref<1x120xi32, #tpu.memory_space<vmem>>
      %dma_start3A_165 = tpu.memref_squeeze %dma_start3A_164 : memref<1x120xi32, #tpu.memory_space<vmem>> -> memref<120xi32, #tpu.memory_space<vmem>>
      %dma_start3A_166 = arith.constant 0 : i32
      %dma_start3A_167 = arith.constant 0 : i32
      %dma_start3A_168 = tpu.memref_slice %arg2[%dma_start3A_166, %dma_start3A_167] : memref<20000x128xf32, #tpu.memory_space<hbm>> -> memref<20000x128xf32, #tpu.memory_space<hbm>>
      tpu.enqueue_indirect_dma source(%dma_start3A_168 : memref<20000x128xf32, #tpu.memory_space<hbm>>) target(%arg14 : memref<120x128xf32, #tpu.memory_space<vmem>>) offsets(%dma_start3A_165 : memref<120xi32, #tpu.memory_space<vmem>>) semaphore(%arg20 : memref<!tpu.dma_semaphore, #tpu.memory_space<semaphore_mem>>)
    }
    %scan3A_40 = arith.constant 21 : i32
    %dma_wait3A = arith.constant 82 : i32
    %dma_wait3A_41 = arith.constant 0 : i32
    %dma_wait3A_42 = tpu.memref_slice %arg8[%dma_wait3A, %dma_wait3A_41] : memref<84x120xi32, #tpu.memory_space<vmem>> -> memref<1x120xi32, #tpu.memory_space<vmem>>
    %dma_wait3A_43 = tpu.memref_squeeze %dma_wait3A_42 : memref<1x120xi32, #tpu.memory_space<vmem>> -> memref<120xi32, #tpu.memory_space<vmem>>
    %dma_wait3A_44 = arith.constant 0 : i32
    %dma_wait3A_45 = arith.constant 0 : i32
    %dma_wait3A_46 = tpu.memref_slice %arg2[%dma_wait3A_44, %dma_wait3A_45] : memref<20000x128xf32, #tpu.memory_space<hbm>> -> memref<20000x128xf32, #tpu.memory_space<hbm>>
    tpu.wait_indirect_dma semaphore(%arg19 : memref<!tpu.dma_semaphore, #tpu.memory_space<semaphore_mem>>) src(%dma_wait3A_46 : memref<20000x128xf32, #tpu.memory_space<hbm>>) dst(%arg13 : memref<120x128xf32, #tpu.memory_space<vmem>>)
    %dma_wait3A_47 = arith.constant 83 : i32
    %dma_wait3A_48 = arith.constant 0 : i32
    %dma_wait3A_49 = tpu.memref_slice %arg8[%dma_wait3A_47, %dma_wait3A_48] : memref<84x120xi32, #tpu.memory_space<vmem>> -> memref<1x120xi32, #tpu.memory_space<vmem>>
    %dma_wait3A_50 = tpu.memref_squeeze %dma_wait3A_49 : memref<1x120xi32, #tpu.memory_space<vmem>> -> memref<120xi32, #tpu.memory_space<vmem>>
    %dma_wait3A_51 = arith.constant 0 : i32
    %dma_wait3A_52 = arith.constant 0 : i32
    %dma_wait3A_53 = tpu.memref_slice %arg2[%dma_wait3A_51, %dma_wait3A_52] : memref<20000x128xf32, #tpu.memory_space<hbm>> -> memref<20000x128xf32, #tpu.memory_space<hbm>>
    tpu.wait_indirect_dma semaphore(%arg20 : memref<!tpu.dma_semaphore, #tpu.memory_space<semaphore_mem>>) src(%dma_wait3A_53 : memref<20000x128xf32, #tpu.memory_space<hbm>>) dst(%arg14 : memref<120x128xf32, #tpu.memory_space<vmem>>)
    %barrier3A_54 = arith.constant 0 : index
    tpu.barrier barrier_id(%barrier3A_54)
    %mul3A_55 = arith.constant 632 : i32
    %mul3A_56 = arith.muli %arg1, %mul3A_55 : i32
    %mul3A_57 = arith.constant 632 : i32
    %mul3A_58 = arith.muli %arg1, %mul3A_57 : i32
    "tpu.region"() ({
      %run_scoped3A = tpu.sem_alloc : memref<!tpu.dma_semaphore, #tpu.memory_space<semaphore_mem>>
      %dma_start3A_59 = arith.constant 0 : i32
      %dma_start3A_60 = tpu.memref_slice %arg6[%arg0, %mul3A_58, %dma_start3A_59] : memref<2x10112x128xf32, #tpu.memory_space<hbm>> -> memref<1x632x128xf32, #tpu.memory_space<hbm>>
      %dma_start3A_61 = tpu.memref_squeeze %dma_start3A_60 : memref<1x632x128xf32, #tpu.memory_space<hbm>> -> memref<632x128xf32, #tpu.memory_space<hbm>>
      %dma_start3A_62 = arith.constant 0 : i32
      %dma_start3A_63 = tpu.memref_slice %arg7[%mul3A_56, %dma_start3A_62] : memref<10112x128xf32, #tpu.memory_space<vmem_shared>> -> memref<632x128xf32, #tpu.memory_space<vmem_shared>>
      tpu.enqueue_dma source(%dma_start3A_63 : memref<632x128xf32, #tpu.memory_space<vmem_shared>>) target(%dma_start3A_61 : memref<632x128xf32, #tpu.memory_space<hbm>>) target_semaphore(%run_scoped3A : memref<!tpu.dma_semaphore, #tpu.memory_space<semaphore_mem>>)
      %dma_wait3A_64 = arith.constant 0 : i32
      %dma_wait3A_65 = tpu.memref_slice %arg6[%arg0, %mul3A_58, %dma_wait3A_64] : memref<2x10112x128xf32, #tpu.memory_space<hbm>> -> memref<1x632x128xf32, #tpu.memory_space<hbm>>
      %dma_wait3A_66 = tpu.memref_squeeze %dma_wait3A_65 : memref<1x632x128xf32, #tpu.memory_space<hbm>> -> memref<632x128xf32, #tpu.memory_space<hbm>>
      %dma_wait3A_67 = arith.constant 0 : i32
      %dma_wait3A_68 = tpu.memref_slice %arg7[%mul3A_56, %dma_wait3A_67] : memref<10112x128xf32, #tpu.memory_space<vmem_shared>> -> memref<632x128xf32, #tpu.memory_space<vmem_shared>>
      tpu.wait_dma2 semaphore(%run_scoped3A : memref<!tpu.dma_semaphore, #tpu.memory_space<semaphore_mem>>) src(%dma_wait3A_68 : memref<632x128xf32, #tpu.memory_space<vmem_shared>>) dst(%dma_wait3A_66 : memref<632x128xf32, #tpu.memory_space<hbm>>)
      tpu.yield
    }) : () -> ()
    return
  }
}

#map = affine_map<(d0, d1) -> (0, 0)>
#map1 = affine_map<(d0, d1) -> (0, 0, 0, 0)>
#map2 = affine_map<(d0, d1) -> (0, 0, 0)>
module attributes {stable_mosaic.version = 14 : i64} {
  func.func @_sc_agg_body(%arg0: i32, %arg1: i32, %arg2: memref<20000x128xf32, #tpu.memory_space<hbm>>, %arg3: memref<2x16x84x120xi32, #tpu.memory_space<hbm>>, %arg4: memref<16x84x120xi32, #tpu.memory_space<hbm>>, %arg5: memref<120x128xf32, #tpu.memory_space<hbm>>, %arg6: memref<2x10112x128xf32, #tpu.memory_space<hbm>>, %arg7: memref<10112x128xf32, #tpu.memory_space<vmem_shared>>, %arg8: memref<84x120xi32, #tpu.memory_space<vmem>>, %arg9: memref<120xi32, #tpu.memory_space<vmem>>, %arg10: memref<120xi32, #tpu.memory_space<vmem>>, %arg11: memref<120xi32, #tpu.memory_space<vmem>>, %arg12: memref<120xi32, #tpu.memory_space<vmem>>, %arg13: memref<120x128xf32, #tpu.memory_space<vmem>>, %arg14: memref<120x128xf32, #tpu.memory_space<vmem>>, %arg15: memref<!tpu.dma_semaphore, #tpu.memory_space<semaphore_mem>>, %arg16: memref<!tpu.dma_semaphore, #tpu.memory_space<semaphore_mem>>, %arg17: memref<!tpu.dma_semaphore, #tpu.memory_space<semaphore_mem>>, %arg18: memref<!tpu.dma_semaphore, #tpu.memory_space<semaphore_mem>>, %arg19: memref<!tpu.dma_semaphore, #tpu.memory_space<semaphore_mem>>, %arg20: memref<!tpu.dma_semaphore, #tpu.memory_space<semaphore_mem>>) attributes {dimension_semantics = [#tpu.dimension_semantics<core_parallel>, #tpu.dimension_semantics<subcore_parallel>], iteration_bounds = array<i64: 2, 16>, scalar_prefetch = 0 : i64, scratch_operands = 14 : i64, tpu.core_type = #tpu.core_type<sc_vector_subcore>, window_params = [{transform_indices = #map}, {transform_indices = #map1}, {transform_indices = #map2}, {transform_indices = #map}, {transform_indices = #map2}]} {
    "tpu.region"() ({
      %run_scoped3A = tpu.sem_alloc : memref<!tpu.dma_semaphore, #tpu.memory_space<semaphore_mem>>
      %dma_start3A_59 = arith.constant 0 : i32
      %dma_start3A_60 = arith.constant 0 : i32
      %dma_start3A_61 = tpu.memref_slice %arg3[%arg0, %arg1, %dma_start3A_59, %dma_start3A_60] : memref<2x16x84x120xi32, #tpu.memory_space<hbm>> -> memref<1x1x84x120xi32, #tpu.memory_space<hbm>>
      %dma_start3A_62 = tpu.memref_squeeze %dma_start3A_61 : memref<1x1x84x120xi32, #tpu.memory_space<hbm>> -> memref<84x120xi32, #tpu.memory_space<hbm>>
      %dma_start3A_63 = arith.constant 0 : i32
      %dma_start3A_64 = arith.constant 0 : i32
      %dma_start3A_65 = tpu.memref_slice %arg3[%arg0, %arg1, %dma_start3A_63, %dma_start3A_64] : memref<2x16x84x120xi32, #tpu.memory_space<hbm>> -> memref<1x1x84x120xi32, #tpu.memory_space<hbm>>
      %dma_start3A_66 = tpu.memref_squeeze %dma_start3A_65 : memref<1x1x84x120xi32, #tpu.memory_space<hbm>> -> memref<84x120xi32, #tpu.memory_space<hbm>>
      tpu.enqueue_dma source(%dma_start3A_66 : memref<84x120xi32, #tpu.memory_space<hbm>>) target(%arg8 : memref<84x120xi32, #tpu.memory_space<vmem>>) target_semaphore(%run_scoped3A : memref<!tpu.dma_semaphore, #tpu.memory_space<semaphore_mem>>)
      %dma_wait3A_67 = arith.constant 0 : i32
      %dma_wait3A_68 = arith.constant 0 : i32
      %dma_wait3A_69 = tpu.memref_slice %arg3[%arg0, %arg1, %dma_wait3A_67, %dma_wait3A_68] : memref<2x16x84x120xi32, #tpu.memory_space<hbm>> -> memref<1x1x84x120xi32, #tpu.memory_space<hbm>>
      %dma_wait3A_70 = tpu.memref_squeeze %dma_wait3A_69 : memref<1x1x84x120xi32, #tpu.memory_space<hbm>> -> memref<84x120xi32, #tpu.memory_space<hbm>>
      %dma_wait3A_71 = arith.constant 0 : i32
      %dma_wait3A_72 = arith.constant 0 : i32
      %dma_wait3A_73 = tpu.memref_slice %arg3[%arg0, %arg1, %dma_wait3A_71, %dma_wait3A_72] : memref<2x16x84x120xi32, #tpu.memory_space<hbm>> -> memref<1x1x84x120xi32, #tpu.memory_space<hbm>>
      %dma_wait3A_74 = tpu.memref_squeeze %dma_wait3A_73 : memref<1x1x84x120xi32, #tpu.memory_space<hbm>> -> memref<84x120xi32, #tpu.memory_space<hbm>>
      tpu.wait_dma2 semaphore(%run_scoped3A : memref<!tpu.dma_semaphore, #tpu.memory_space<semaphore_mem>>) src(%dma_wait3A_74 : memref<84x120xi32, #tpu.memory_space<hbm>>) dst(%arg8 : memref<84x120xi32, #tpu.memory_space<vmem>>)
      tpu.yield
    }) : () -> ()
    "tpu.region"() ({
      %run_scoped3A = tpu.sem_alloc : memref<!tpu.dma_semaphore, #tpu.memory_space<semaphore_mem>>
      tpu.enqueue_dma source(%arg5 : memref<120x128xf32, #tpu.memory_space<hbm>>) target(%arg13 : memref<120x128xf32, #tpu.memory_space<vmem>>) target_semaphore(%run_scoped3A : memref<!tpu.dma_semaphore, #tpu.memory_space<semaphore_mem>>)
      tpu.wait_dma2 semaphore(%run_scoped3A : memref<!tpu.dma_semaphore, #tpu.memory_space<semaphore_mem>>) src(%arg5 : memref<120x128xf32, #tpu.memory_space<hbm>>) dst(%arg13 : memref<120x128xf32, #tpu.memory_space<vmem>>)
      tpu.yield
    }) : () -> ()
    %mul3A = arith.constant 632 : i32
    %mul3A_0 = arith.muli %arg1, %mul3A : i32
    %add3A = arith.constant 0 : i32
    %add3A_1 = arith.addi %mul3A_0, %add3A : i32
    "tpu.region"() ({
      %run_scoped3A = tpu.sem_alloc : memref<!tpu.dma_semaphore, #tpu.memory_space<semaphore_mem>>
      %dma_start3A_59 = arith.constant 0 : i32
      %dma_start3A_60 = tpu.memref_slice %arg7[%add3A_1, %dma_start3A_59] : memref<10112x128xf32, #tpu.memory_space<vmem_shared>> -> memref<120x128xf32, #tpu.memory_space<vmem_shared>>
      %dma_start3A_61 = arith.constant 0 : i32
      %dma_start3A_62 = tpu.memref_slice %arg7[%add3A_1, %dma_start3A_61] : memref<10112x128xf32, #tpu.memory_space<vmem_shared>> -> memref<120x128xf32, #tpu.memory_space<vmem_shared>>
      tpu.enqueue_dma source(%arg13 : memref<120x128xf32, #tpu.memory_space<vmem>>) target(%dma_start3A_62 : memref<120x128xf32, #tpu.memory_space<vmem_shared>>) target_semaphore(%run_scoped3A : memref<!tpu.dma_semaphore, #tpu.memory_space<semaphore_mem>>)
      %dma_wait3A_63 = arith.constant 0 : i32
      %dma_wait3A_64 = tpu.memref_slice %arg7[%add3A_1, %dma_wait3A_63] : memref<10112x128xf32, #tpu.memory_space<vmem_shared>> -> memref<120x128xf32, #tpu.memory_space<vmem_shared>>
      %dma_wait3A_65 = arith.constant 0 : i32
      %dma_wait3A_66 = tpu.memref_slice %arg7[%add3A_1, %dma_wait3A_65] : memref<10112x128xf32, #tpu.memory_space<vmem_shared>> -> memref<120x128xf32, #tpu.memory_space<vmem_shared>>
      tpu.wait_dma2 semaphore(%run_scoped3A : memref<!tpu.dma_semaphore, #tpu.memory_space<semaphore_mem>>) src(%arg13 : memref<120x128xf32, #tpu.memory_space<vmem>>) dst(%dma_wait3A_66 : memref<120x128xf32, #tpu.memory_space<vmem_shared>>)
      tpu.yield
    }) : () -> ()
    %mul3A_2 = arith.constant 632 : i32
    %mul3A_3 = arith.muli %arg1, %mul3A_2 : i32
    %add3A_4 = arith.constant 120 : i32
    %add3A_5 = arith.addi %mul3A_3, %add3A_4 : i32
    "tpu.region"() ({
      %run_scoped3A = tpu.sem_alloc : memref<!tpu.dma_semaphore, #tpu.memory_space<semaphore_mem>>
      %dma_start3A_59 = arith.constant 0 : i32
      %dma_start3A_60 = tpu.memref_slice %arg7[%add3A_5, %dma_start3A_59] : memref<10112x128xf32, #tpu.memory_space<vmem_shared>> -> memref<120x128xf32, #tpu.memory_space<vmem_shared>>
      %dma_start3A_61 = arith.constant 0 : i32
      %dma_start3A_62 = tpu.memref_slice %arg7[%add3A_5, %dma_start3A_61] : memref<10112x128xf32, #tpu.memory_space<vmem_shared>> -> memref<120x128xf32, #tpu.memory_space<vmem_shared>>
      tpu.enqueue_dma source(%arg13 : memref<120x128xf32, #tpu.memory_space<vmem>>) target(%dma_start3A_62 : memref<120x128xf32, #tpu.memory_space<vmem_shared>>) target_semaphore(%run_scoped3A : memref<!tpu.dma_semaphore, #tpu.memory_space<semaphore_mem>>)
      %dma_wait3A_63 = arith.constant 0 : i32
      %dma_wait3A_64 = tpu.memref_slice %arg7[%add3A_5, %dma_wait3A_63] : memref<10112x128xf32, #tpu.memory_space<vmem_shared>> -> memref<120x128xf32, #tpu.memory_space<vmem_shared>>
      %dma_wait3A_65 = arith.constant 0 : i32
      %dma_wait3A_66 = tpu.memref_slice %arg7[%add3A_5, %dma_wait3A_65] : memref<10112x128xf32, #tpu.memory_space<vmem_shared>> -> memref<120x128xf32, #tpu.memory_space<vmem_shared>>
      tpu.wait_dma2 semaphore(%run_scoped3A : memref<!tpu.dma_semaphore, #tpu.memory_space<semaphore_mem>>) src(%arg13 : memref<120x128xf32, #tpu.memory_space<vmem>>) dst(%dma_wait3A_66 : memref<120x128xf32, #tpu.memory_space<vmem_shared>>)
      tpu.yield
    }) : () -> ()
    %mul3A_6 = arith.constant 632 : i32
    %mul3A_7 = arith.muli %arg1, %mul3A_6 : i32
    %add3A_8 = arith.constant 240 : i32
    %add3A_9 = arith.addi %mul3A_7, %add3A_8 : i32
    "tpu.region"() ({
      %run_scoped3A = tpu.sem_alloc : memref<!tpu.dma_semaphore, #tpu.memory_space<semaphore_mem>>
      %dma_start3A_59 = arith.constant 0 : i32
      %dma_start3A_60 = tpu.memref_slice %arg7[%add3A_9, %dma_start3A_59] : memref<10112x128xf32, #tpu.memory_space<vmem_shared>> -> memref<120x128xf32, #tpu.memory_space<vmem_shared>>
      %dma_start3A_61 = arith.constant 0 : i32
      %dma_start3A_62 = tpu.memref_slice %arg7[%add3A_9, %dma_start3A_61] : memref<10112x128xf32, #tpu.memory_space<vmem_shared>> -> memref<120x128xf32, #tpu.memory_space<vmem_shared>>
      tpu.enqueue_dma source(%arg13 : memref<120x128xf32, #tpu.memory_space<vmem>>) target(%dma_start3A_62 : memref<120x128xf32, #tpu.memory_space<vmem_shared>>) target_semaphore(%run_scoped3A : memref<!tpu.dma_semaphore, #tpu.memory_space<semaphore_mem>>)
      %dma_wait3A_63 = arith.constant 0 : i32
      %dma_wait3A_64 = tpu.memref_slice %arg7[%add3A_9, %dma_wait3A_63] : memref<10112x128xf32, #tpu.memory_space<vmem_shared>> -> memref<120x128xf32, #tpu.memory_space<vmem_shared>>
      %dma_wait3A_65 = arith.constant 0 : i32
      %dma_wait3A_66 = tpu.memref_slice %arg7[%add3A_9, %dma_wait3A_65] : memref<10112x128xf32, #tpu.memory_space<vmem_shared>> -> memref<120x128xf32, #tpu.memory_space<vmem_shared>>
      tpu.wait_dma2 semaphore(%run_scoped3A : memref<!tpu.dma_semaphore, #tpu.memory_space<semaphore_mem>>) src(%arg13 : memref<120x128xf32, #tpu.memory_space<vmem>>) dst(%dma_wait3A_66 : memref<120x128xf32, #tpu.memory_space<vmem_shared>>)
      tpu.yield
    }) : () -> ()
    %mul3A_10 = arith.constant 632 : i32
    %mul3A_11 = arith.muli %arg1, %mul3A_10 : i32
    %add3A_12 = arith.constant 360 : i32
    %add3A_13 = arith.addi %mul3A_11, %add3A_12 : i32
    "tpu.region"() ({
      %run_scoped3A = tpu.sem_alloc : memref<!tpu.dma_semaphore, #tpu.memory_space<semaphore_mem>>
      %dma_start3A_59 = arith.constant 0 : i32
      %dma_start3A_60 = tpu.memref_slice %arg7[%add3A_13, %dma_start3A_59] : memref<10112x128xf32, #tpu.memory_space<vmem_shared>> -> memref<120x128xf32, #tpu.memory_space<vmem_shared>>
      %dma_start3A_61 = arith.constant 0 : i32
      %dma_start3A_62 = tpu.memref_slice %arg7[%add3A_13, %dma_start3A_61] : memref<10112x128xf32, #tpu.memory_space<vmem_shared>> -> memref<120x128xf32, #tpu.memory_space<vmem_shared>>
      tpu.enqueue_dma source(%arg13 : memref<120x128xf32, #tpu.memory_space<vmem>>) target(%dma_start3A_62 : memref<120x128xf32, #tpu.memory_space<vmem_shared>>) target_semaphore(%run_scoped3A : memref<!tpu.dma_semaphore, #tpu.memory_space<semaphore_mem>>)
      %dma_wait3A_63 = arith.constant 0 : i32
      %dma_wait3A_64 = tpu.memref_slice %arg7[%add3A_13, %dma_wait3A_63] : memref<10112x128xf32, #tpu.memory_space<vmem_shared>> -> memref<120x128xf32, #tpu.memory_space<vmem_shared>>
      %dma_wait3A_65 = arith.constant 0 : i32
      %dma_wait3A_66 = tpu.memref_slice %arg7[%add3A_13, %dma_wait3A_65] : memref<10112x128xf32, #tpu.memory_space<vmem_shared>> -> memref<120x128xf32, #tpu.memory_space<vmem_shared>>
      tpu.wait_dma2 semaphore(%run_scoped3A : memref<!tpu.dma_semaphore, #tpu.memory_space<semaphore_mem>>) src(%arg13 : memref<120x128xf32, #tpu.memory_space<vmem>>) dst(%dma_wait3A_66 : memref<120x128xf32, #tpu.memory_space<vmem_shared>>)
      tpu.yield
    }) : () -> ()
    %mul3A_14 = arith.constant 632 : i32
    %mul3A_15 = arith.muli %arg1, %mul3A_14 : i32
    %add3A_16 = arith.constant 480 : i32
    %add3A_17 = arith.addi %mul3A_15, %add3A_16 : i32
    "tpu.region"() ({
      %run_scoped3A = tpu.sem_alloc : memref<!tpu.dma_semaphore, #tpu.memory_space<semaphore_mem>>
      %dma_start3A_59 = arith.constant 0 : i32
      %dma_start3A_60 = tpu.memref_slice %arg7[%add3A_17, %dma_start3A_59] : memref<10112x128xf32, #tpu.memory_space<vmem_shared>> -> memref<120x128xf32, #tpu.memory_space<vmem_shared>>
      %dma_start3A_61 = arith.constant 0 : i32
      %dma_start3A_62 = tpu.memref_slice %arg7[%add3A_17, %dma_start3A_61] : memref<10112x128xf32, #tpu.memory_space<vmem_shared>> -> memref<120x128xf32, #tpu.memory_space<vmem_shared>>
      tpu.enqueue_dma source(%arg13 : memref<120x128xf32, #tpu.memory_space<vmem>>) target(%dma_start3A_62 : memref<120x128xf32, #tpu.memory_space<vmem_shared>>) target_semaphore(%run_scoped3A : memref<!tpu.dma_semaphore, #tpu.memory_space<semaphore_mem>>)
      %dma_wait3A_63 = arith.constant 0 : i32
      %dma_wait3A_64 = tpu.memref_slice %arg7[%add3A_17, %dma_wait3A_63] : memref<10112x128xf32, #tpu.memory_space<vmem_shared>> -> memref<120x128xf32, #tpu.memory_space<vmem_shared>>
      %dma_wait3A_65 = arith.constant 0 : i32
      %dma_wait3A_66 = tpu.memref_slice %arg7[%add3A_17, %dma_wait3A_65] : memref<10112x128xf32, #tpu.memory_space<vmem_shared>> -> memref<120x128xf32, #tpu.memory_space<vmem_shared>>
      tpu.wait_dma2 semaphore(%run_scoped3A : memref<!tpu.dma_semaphore, #tpu.memory_space<semaphore_mem>>) src(%arg13 : memref<120x128xf32, #tpu.memory_space<vmem>>) dst(%dma_wait3A_66 : memref<120x128xf32, #tpu.memory_space<vmem_shared>>)
      tpu.yield
    }) : () -> ()
    %mul3A_18 = arith.constant 632 : i32
    %mul3A_19 = arith.muli %arg1, %mul3A_18 : i32
    %add3A_20 = arith.constant 632 : i32
    %add3A_21 = arith.addi %mul3A_19, %add3A_20 : i32
    %sub3A = arith.constant 32 : i32
    %sub3A_22 = arith.subi %add3A_21, %sub3A : i32
    "tpu.region"() ({
      %run_scoped3A = tpu.sem_alloc : memref<!tpu.dma_semaphore, #tpu.memory_space<semaphore_mem>>
      %dma_start3A_59 = arith.constant 0 : i32
      %dma_start3A_60 = arith.constant 0 : i32
      %dma_start3A_61 = tpu.memref_slice %arg13[%dma_start3A_59, %dma_start3A_60] : memref<120x128xf32, #tpu.memory_space<vmem>> -> memref<32x128xf32, #tpu.memory_space<vmem>>
      %dma_start3A_62 = arith.constant 0 : i32
      %dma_start3A_63 = tpu.memref_slice %arg7[%sub3A_22, %dma_start3A_62] : memref<10112x128xf32, #tpu.memory_space<vmem_shared>> -> memref<32x128xf32, #tpu.memory_space<vmem_shared>>
      %dma_start3A_64 = arith.constant 0 : i32
      %dma_start3A_65 = tpu.memref_slice %arg7[%sub3A_22, %dma_start3A_64] : memref<10112x128xf32, #tpu.memory_space<vmem_shared>> -> memref<32x128xf32, #tpu.memory_space<vmem_shared>>
      %dma_start3A_66 = arith.constant 0 : i32
      %dma_start3A_67 = arith.constant 0 : i32
      %dma_start3A_68 = tpu.memref_slice %arg13[%dma_start3A_66, %dma_start3A_67] : memref<120x128xf32, #tpu.memory_space<vmem>> -> memref<32x128xf32, #tpu.memory_space<vmem>>
      tpu.enqueue_dma source(%dma_start3A_68 : memref<32x128xf32, #tpu.memory_space<vmem>>) target(%dma_start3A_65 : memref<32x128xf32, #tpu.memory_space<vmem_shared>>) target_semaphore(%run_scoped3A : memref<!tpu.dma_semaphore, #tpu.memory_space<semaphore_mem>>)
      %dma_wait3A_69 = arith.constant 0 : i32
      %dma_wait3A_70 = arith.constant 0 : i32
      %dma_wait3A_71 = tpu.memref_slice %arg13[%dma_wait3A_69, %dma_wait3A_70] : memref<120x128xf32, #tpu.memory_space<vmem>> -> memref<32x128xf32, #tpu.memory_space<vmem>>
      %dma_wait3A_72 = arith.constant 0 : i32
      %dma_wait3A_73 = tpu.memref_slice %arg7[%sub3A_22, %dma_wait3A_72] : memref<10112x128xf32, #tpu.memory_space<vmem_shared>> -> memref<32x128xf32, #tpu.memory_space<vmem_shared>>
      %dma_wait3A_74 = arith.constant 0 : i32
      %dma_wait3A_75 = tpu.memref_slice %arg7[%sub3A_22, %dma_wait3A_74] : memref<10112x128xf32, #tpu.memory_space<vmem_shared>> -> memref<32x128xf32, #tpu.memory_space<vmem_shared>>
      %dma_wait3A_76 = arith.constant 0 : i32
      %dma_wait3A_77 = arith.constant 0 : i32
      %dma_wait3A_78 = tpu.memref_slice %arg13[%dma_wait3A_76, %dma_wait3A_77] : memref<120x128xf32, #tpu.memory_space<vmem>> -> memref<32x128xf32, #tpu.memory_space<vmem>>
      tpu.wait_dma2 semaphore(%run_scoped3A : memref<!tpu.dma_semaphore, #tpu.memory_space<semaphore_mem>>) src(%dma_wait3A_78 : memref<32x128xf32, #tpu.memory_space<vmem>>) dst(%dma_wait3A_75 : memref<32x128xf32, #tpu.memory_space<vmem_shared>>)
      tpu.yield
    }) : () -> ()
    %barrier3A = arith.constant 0 : index
    tpu.barrier barrier_id(%barrier3A)
    %dma_start3A = arith.constant 0 : i32
    %dma_start3A_23 = arith.constant 0 : i32
    %dma_start3A_24 = tpu.memref_slice %arg8[%dma_start3A, %dma_start3A_23] : memref<84x120xi32, #tpu.memory_space<vmem>> -> memref<1x120xi32, #tpu.memory_space<vmem>>
    %dma_start3A_25 = tpu.memref_squeeze %dma_start3A_24 : memref<1x120xi32, #tpu.memory_space<vmem>> -> memref<120xi32, #tpu.memory_space<vmem>>
    %dma_start3A_26 = arith.constant 0 : i32
    %dma_start3A_27 = arith.constant 0 : i32
    %dma_start3A_28 = tpu.memref_slice %arg2[%dma_start3A_26, %dma_start3A_27] : memref<20000x128xf32, #tpu.memory_space<hbm>> -> memref<20000x128xf32, #tpu.memory_space<hbm>>
    tpu.enqueue_indirect_dma source(%dma_start3A_28 : memref<20000x128xf32, #tpu.memory_space<hbm>>) target(%arg13 : memref<120x128xf32, #tpu.memory_space<vmem>>) offsets(%dma_start3A_25 : memref<120xi32, #tpu.memory_space<vmem>>) semaphore(%arg19 : memref<!tpu.dma_semaphore, #tpu.memory_space<semaphore_mem>>)
    %dma_start3A_29 = arith.constant 1 : i32
    %dma_start3A_30 = arith.constant 0 : i32
    %dma_start3A_31 = tpu.memref_slice %arg8[%dma_start3A_29, %dma_start3A_30] : memref<84x120xi32, #tpu.memory_space<vmem>> -> memref<1x120xi32, #tpu.memory_space<vmem>>
    %dma_start3A_32 = tpu.memref_squeeze %dma_start3A_31 : memref<1x120xi32, #tpu.memory_space<vmem>> -> memref<120xi32, #tpu.memory_space<vmem>>
    %dma_start3A_33 = arith.constant 0 : i32
    %dma_start3A_34 = arith.constant 0 : i32
    %dma_start3A_35 = tpu.memref_slice %arg2[%dma_start3A_33, %dma_start3A_34] : memref<20000x128xf32, #tpu.memory_space<hbm>> -> memref<20000x128xf32, #tpu.memory_space<hbm>>
    tpu.enqueue_indirect_dma source(%dma_start3A_35 : memref<20000x128xf32, #tpu.memory_space<hbm>>) target(%arg14 : memref<120x128xf32, #tpu.memory_space<vmem>>) offsets(%dma_start3A_32 : memref<120xi32, #tpu.memory_space<vmem>>) semaphore(%arg20 : memref<!tpu.dma_semaphore, #tpu.memory_space<semaphore_mem>>)
    %scan3A = arith.constant 0 : i32
    %scan3A_36 = arith.constant 0 : i32
    %scan3A_37 = arith.constant 21 : i32
    %scan3A_38 = arith.addi %scan3A_36, %scan3A_37 : i32
    %scan3A_39 = arith.constant 1 : i32
    scf.for %scan3A_59 = %scan3A_36 to %scan3A_38 step %scan3A_39  : i32 {
      %mul3A_60 = arith.constant 4 : i32
      %mul3A_61 = arith.muli %scan3A_59, %mul3A_60 : i32
      %add3A_62 = arith.constant 1 : i32
      %add3A_63 = arith.addi %mul3A_61, %add3A_62 : i32
      %add3A_64 = arith.constant 2 : i32
      %add3A_65 = arith.addi %mul3A_61, %add3A_64 : i32
      %add3A_66 = arith.constant 3 : i32
      %add3A_67 = arith.addi %mul3A_61, %add3A_66 : i32
      %add3A_68 = arith.constant 4 : i32
      %add3A_69 = arith.addi %mul3A_61, %add3A_68 : i32
      %min3A = arith.constant 82 : i32
      %min3A_70 = arith.minsi %add3A_69, %min3A : i32
      %dma_start3A_71 = arith.constant 0 : i32
      %dma_start3A_72 = tpu.memref_slice %arg4[%arg1, %mul3A_61, %dma_start3A_71] : memref<16x84x120xi32, #tpu.memory_space<hbm>> -> memref<1x1x120xi32, #tpu.memory_space<hbm>>
      %dma_start3A_73 = tpu.memref_squeeze %dma_start3A_72 : memref<1x1x120xi32, #tpu.memory_space<hbm>> -> memref<120xi32, #tpu.memory_space<hbm>>
      %dma_start3A_74 = arith.constant 0 : i32
      %dma_start3A_75 = tpu.memref_slice %arg4[%arg1, %mul3A_61, %dma_start3A_74] : memref<16x84x120xi32, #tpu.memory_space<hbm>> -> memref<1x1x120xi32, #tpu.memory_space<hbm>>
      %dma_start3A_76 = tpu.memref_squeeze %dma_start3A_75 : memref<1x1x120xi32, #tpu.memory_space<hbm>> -> memref<120xi32, #tpu.memory_space<hbm>>
      tpu.enqueue_dma source(%dma_start3A_76 : memref<120xi32, #tpu.memory_space<hbm>>) target(%arg9 : memref<120xi32, #tpu.memory_space<vmem>>) target_semaphore(%arg15 : memref<!tpu.dma_semaphore, #tpu.memory_space<semaphore_mem>>)
      %dma_start3A_77 = arith.constant 0 : i32
      %dma_start3A_78 = tpu.memref_slice %arg4[%arg1, %add3A_63, %dma_start3A_77] : memref<16x84x120xi32, #tpu.memory_space<hbm>> -> memref<1x1x120xi32, #tpu.memory_space<hbm>>
      %dma_start3A_79 = tpu.memref_squeeze %dma_start3A_78 : memref<1x1x120xi32, #tpu.memory_space<hbm>> -> memref<120xi32, #tpu.memory_space<hbm>>
      %dma_start3A_80 = arith.constant 0 : i32
      %dma_start3A_81 = tpu.memref_slice %arg4[%arg1, %add3A_63, %dma_start3A_80] : memref<16x84x120xi32, #tpu.memory_space<hbm>> -> memref<1x1x120xi32, #tpu.memory_space<hbm>>
      %dma_start3A_82 = tpu.memref_squeeze %dma_start3A_81 : memref<1x1x120xi32, #tpu.memory_space<hbm>> -> memref<120xi32, #tpu.memory_space<hbm>>
      tpu.enqueue_dma source(%dma_start3A_82 : memref<120xi32, #tpu.memory_space<hbm>>) target(%arg10 : memref<120xi32, #tpu.memory_space<vmem>>) target_semaphore(%arg16 : memref<!tpu.dma_semaphore, #tpu.memory_space<semaphore_mem>>)
      %dma_start3A_83 = arith.constant 0 : i32
      %dma_start3A_84 = tpu.memref_slice %arg4[%arg1, %add3A_65, %dma_start3A_83] : memref<16x84x120xi32, #tpu.memory_space<hbm>> -> memref<1x1x120xi32, #tpu.memory_space<hbm>>
      %dma_start3A_85 = tpu.memref_squeeze %dma_start3A_84 : memref<1x1x120xi32, #tpu.memory_space<hbm>> -> memref<120xi32, #tpu.memory_space<hbm>>
      %dma_start3A_86 = arith.constant 0 : i32
      %dma_start3A_87 = tpu.memref_slice %arg4[%arg1, %add3A_65, %dma_start3A_86] : memref<16x84x120xi32, #tpu.memory_space<hbm>> -> memref<1x1x120xi32, #tpu.memory_space<hbm>>
      %dma_start3A_88 = tpu.memref_squeeze %dma_start3A_87 : memref<1x1x120xi32, #tpu.memory_space<hbm>> -> memref<120xi32, #tpu.memory_space<hbm>>
      tpu.enqueue_dma source(%dma_start3A_88 : memref<120xi32, #tpu.memory_space<hbm>>) target(%arg11 : memref<120xi32, #tpu.memory_space<vmem>>) target_semaphore(%arg17 : memref<!tpu.dma_semaphore, #tpu.memory_space<semaphore_mem>>)
      %dma_start3A_89 = arith.constant 0 : i32
      %dma_start3A_90 = tpu.memref_slice %arg4[%arg1, %add3A_67, %dma_start3A_89] : memref<16x84x120xi32, #tpu.memory_space<hbm>> -> memref<1x1x120xi32, #tpu.memory_space<hbm>>
      %dma_start3A_91 = tpu.memref_squeeze %dma_start3A_90 : memref<1x1x120xi32, #tpu.memory_space<hbm>> -> memref<120xi32, #tpu.memory_space<hbm>>
      %dma_start3A_92 = arith.constant 0 : i32
      %dma_start3A_93 = tpu.memref_slice %arg4[%arg1, %add3A_67, %dma_start3A_92] : memref<16x84x120xi32, #tpu.memory_space<hbm>> -> memref<1x1x120xi32, #tpu.memory_space<hbm>>
      %dma_start3A_94 = tpu.memref_squeeze %dma_start3A_93 : memref<1x1x120xi32, #tpu.memory_space<hbm>> -> memref<120xi32, #tpu.memory_space<hbm>>
      tpu.enqueue_dma source(%dma_start3A_94 : memref<120xi32, #tpu.memory_space<hbm>>) target(%arg12 : memref<120xi32, #tpu.memory_space<vmem>>) target_semaphore(%arg18 : memref<!tpu.dma_semaphore, #tpu.memory_space<semaphore_mem>>)
      %dma_wait3A_95 = arith.constant 0 : i32
      %dma_wait3A_96 = tpu.memref_slice %arg8[%mul3A_61, %dma_wait3A_95] : memref<84x120xi32, #tpu.memory_space<vmem>> -> memref<1x120xi32, #tpu.memory_space<vmem>>
      %dma_wait3A_97 = tpu.memref_squeeze %dma_wait3A_96 : memref<1x120xi32, #tpu.memory_space<vmem>> -> memref<120xi32, #tpu.memory_space<vmem>>
      %dma_wait3A_98 = arith.constant 0 : i32
      %dma_wait3A_99 = arith.constant 0 : i32
      %dma_wait3A_100 = tpu.memref_slice %arg2[%dma_wait3A_98, %dma_wait3A_99] : memref<20000x128xf32, #tpu.memory_space<hbm>> -> memref<20000x128xf32, #tpu.memory_space<hbm>>
      tpu.wait_indirect_dma semaphore(%arg19 : memref<!tpu.dma_semaphore, #tpu.memory_space<semaphore_mem>>) src(%dma_wait3A_100 : memref<20000x128xf32, #tpu.memory_space<hbm>>) dst(%arg13 : memref<120x128xf32, #tpu.memory_space<vmem>>)
      %dma_wait3A_101 = arith.constant 0 : i32
      %dma_wait3A_102 = tpu.memref_slice %arg4[%arg1, %mul3A_61, %dma_wait3A_101] : memref<16x84x120xi32, #tpu.memory_space<hbm>> -> memref<1x1x120xi32, #tpu.memory_space<hbm>>
      %dma_wait3A_103 = tpu.memref_squeeze %dma_wait3A_102 : memref<1x1x120xi32, #tpu.memory_space<hbm>> -> memref<120xi32, #tpu.memory_space<hbm>>
      %dma_wait3A_104 = arith.constant 0 : i32
      %dma_wait3A_105 = tpu.memref_slice %arg4[%arg1, %mul3A_61, %dma_wait3A_104] : memref<16x84x120xi32, #tpu.memory_space<hbm>> -> memref<1x1x120xi32, #tpu.memory_space<hbm>>
      %dma_wait3A_106 = tpu.memref_squeeze %dma_wait3A_105 : memref<1x1x120xi32, #tpu.memory_space<hbm>> -> memref<120xi32, #tpu.memory_space<hbm>>
      tpu.wait_dma2 semaphore(%arg15 : memref<!tpu.dma_semaphore, #tpu.memory_space<semaphore_mem>>) src(%dma_wait3A_106 : memref<120xi32, #tpu.memory_space<hbm>>) dst(%arg9 : memref<120xi32, #tpu.memory_space<vmem>>)
      "tpu.region"() ({
        %run_scoped3A = tpu.sem_alloc : memref<!tpu.dma_semaphore, #tpu.memory_space<semaphore_mem>>
        %dma_start3A_169 = arith.constant 0 : i32
        %dma_start3A_170 = arith.constant 0 : i32
        %dma_start3A_171 = tpu.memref_slice %arg7[%dma_start3A_169, %dma_start3A_170] : memref<10112x128xf32, #tpu.memory_space<vmem_shared>> -> memref<10112x128xf32, #tpu.memory_space<vmem_shared>>
        tpu.enqueue_indirect_dma source(%arg13 : memref<120x128xf32, #tpu.memory_space<vmem>>) target(%dma_start3A_171 : memref<10112x128xf32, #tpu.memory_space<vmem_shared>>) offsets(%arg9 : memref<120xi32, #tpu.memory_space<vmem>>) semaphore(%run_scoped3A : memref<!tpu.dma_semaphore, #tpu.memory_space<semaphore_mem>>) {add = true}
        %dma_wait3A_172 = arith.constant 0 : i32
        %dma_wait3A_173 = arith.constant 0 : i32
        %dma_wait3A_174 = tpu.memref_slice %arg7[%dma_wait3A_172, %dma_wait3A_173] : memref<10112x128xf32, #tpu.memory_space<vmem_shared>> -> memref<10112x128xf32, #tpu.memory_space<vmem_shared>>
        tpu.wait_indirect_dma semaphore(%run_scoped3A : memref<!tpu.dma_semaphore, #tpu.memory_space<semaphore_mem>>) src(%arg13 : memref<120x128xf32, #tpu.memory_space<vmem>>) dst(%dma_wait3A_174 : memref<10112x128xf32, #tpu.memory_space<vmem_shared>>)
        tpu.yield
      }) : () -> ()
      %dma_start3A_107 = arith.constant 0 : i32
      %dma_start3A_108 = tpu.memref_slice %arg8[%add3A_65, %dma_start3A_107] : memref<84x120xi32, #tpu.memory_space<vmem>> -> memref<1x120xi32, #tpu.memory_space<vmem>>
      %dma_start3A_109 = tpu.memref_squeeze %dma_start3A_108 : memref<1x120xi32, #tpu.memory_space<vmem>> -> memref<120xi32, #tpu.memory_space<vmem>>
      %dma_start3A_110 = arith.constant 0 : i32
      %dma_start3A_111 = arith.constant 0 : i32
      %dma_start3A_112 = tpu.memref_slice %arg2[%dma_start3A_110, %dma_start3A_111] : memref<20000x128xf32, #tpu.memory_space<hbm>> -> memref<20000x128xf32, #tpu.memory_space<hbm>>
      tpu.enqueue_indirect_dma source(%dma_start3A_112 : memref<20000x128xf32, #tpu.memory_space<hbm>>) target(%arg13 : memref<120x128xf32, #tpu.memory_space<vmem>>) offsets(%dma_start3A_109 : memref<120xi32, #tpu.memory_space<vmem>>) semaphore(%arg19 : memref<!tpu.dma_semaphore, #tpu.memory_space<semaphore_mem>>)
      %dma_wait3A_113 = arith.constant 0 : i32
      %dma_wait3A_114 = tpu.memref_slice %arg8[%add3A_63, %dma_wait3A_113] : memref<84x120xi32, #tpu.memory_space<vmem>> -> memref<1x120xi32, #tpu.memory_space<vmem>>
      %dma_wait3A_115 = tpu.memref_squeeze %dma_wait3A_114 : memref<1x120xi32, #tpu.memory_space<vmem>> -> memref<120xi32, #tpu.memory_space<vmem>>
      %dma_wait3A_116 = arith.constant 0 : i32
      %dma_wait3A_117 = arith.constant 0 : i32
      %dma_wait3A_118 = tpu.memref_slice %arg2[%dma_wait3A_116, %dma_wait3A_117] : memref<20000x128xf32, #tpu.memory_space<hbm>> -> memref<20000x128xf32, #tpu.memory_space<hbm>>
      tpu.wait_indirect_dma semaphore(%arg20 : memref<!tpu.dma_semaphore, #tpu.memory_space<semaphore_mem>>) src(%dma_wait3A_118 : memref<20000x128xf32, #tpu.memory_space<hbm>>) dst(%arg14 : memref<120x128xf32, #tpu.memory_space<vmem>>)
      %dma_wait3A_119 = arith.constant 0 : i32
      %dma_wait3A_120 = tpu.memref_slice %arg4[%arg1, %add3A_63, %dma_wait3A_119] : memref<16x84x120xi32, #tpu.memory_space<hbm>> -> memref<1x1x120xi32, #tpu.memory_space<hbm>>
      %dma_wait3A_121 = tpu.memref_squeeze %dma_wait3A_120 : memref<1x1x120xi32, #tpu.memory_space<hbm>> -> memref<120xi32, #tpu.memory_space<hbm>>
      %dma_wait3A_122 = arith.constant 0 : i32
      %dma_wait3A_123 = tpu.memref_slice %arg4[%arg1, %add3A_63, %dma_wait3A_122] : memref<16x84x120xi32, #tpu.memory_space<hbm>> -> memref<1x1x120xi32, #tpu.memory_space<hbm>>
      %dma_wait3A_124 = tpu.memref_squeeze %dma_wait3A_123 : memref<1x1x120xi32, #tpu.memory_space<hbm>> -> memref<120xi32, #tpu.memory_space<hbm>>
      tpu.wait_dma2 semaphore(%arg16 : memref<!tpu.dma_semaphore, #tpu.memory_space<semaphore_mem>>) src(%dma_wait3A_124 : memref<120xi32, #tpu.memory_space<hbm>>) dst(%arg10 : memref<120xi32, #tpu.memory_space<vmem>>)
      "tpu.region"() ({
        %run_scoped3A = tpu.sem_alloc : memref<!tpu.dma_semaphore, #tpu.memory_space<semaphore_mem>>
        %dma_start3A_169 = arith.constant 0 : i32
        %dma_start3A_170 = arith.constant 0 : i32
        %dma_start3A_171 = tpu.memref_slice %arg7[%dma_start3A_169, %dma_start3A_170] : memref<10112x128xf32, #tpu.memory_space<vmem_shared>> -> memref<10112x128xf32, #tpu.memory_space<vmem_shared>>
        tpu.enqueue_indirect_dma source(%arg14 : memref<120x128xf32, #tpu.memory_space<vmem>>) target(%dma_start3A_171 : memref<10112x128xf32, #tpu.memory_space<vmem_shared>>) offsets(%arg10 : memref<120xi32, #tpu.memory_space<vmem>>) semaphore(%run_scoped3A : memref<!tpu.dma_semaphore, #tpu.memory_space<semaphore_mem>>) {add = true}
        %dma_wait3A_172 = arith.constant 0 : i32
        %dma_wait3A_173 = arith.constant 0 : i32
        %dma_wait3A_174 = tpu.memref_slice %arg7[%dma_wait3A_172, %dma_wait3A_173] : memref<10112x128xf32, #tpu.memory_space<vmem_shared>> -> memref<10112x128xf32, #tpu.memory_space<vmem_shared>>
        tpu.wait_indirect_dma semaphore(%run_scoped3A : memref<!tpu.dma_semaphore, #tpu.memory_space<semaphore_mem>>) src(%arg14 : memref<120x128xf32, #tpu.memory_space<vmem>>) dst(%dma_wait3A_174 : memref<10112x128xf32, #tpu.memory_space<vmem_shared>>)
        tpu.yield
      }) : () -> ()
      %dma_start3A_125 = arith.constant 0 : i32
      %dma_start3A_126 = tpu.memref_slice %arg8[%add3A_67, %dma_start3A_125] : memref<84x120xi32, #tpu.memory_space<vmem>> -> memref<1x120xi32, #tpu.memory_space<vmem>>
      %dma_start3A_127 = tpu.memref_squeeze %dma_start3A_126 : memref<1x120xi32, #tpu.memory_space<vmem>> -> memref<120xi32, #tpu.memory_space<vmem>>
      %dma_start3A_128 = arith.constant 0 : i32
      %dma_start3A_129 = arith.constant 0 : i32
      %dma_start3A_130 = tpu.memref_slice %arg2[%dma_start3A_128, %dma_start3A_129] : memref<20000x128xf32, #tpu.memory_space<hbm>> -> memref<20000x128xf32, #tpu.memory_space<hbm>>
      tpu.enqueue_indirect_dma source(%dma_start3A_130 : memref<20000x128xf32, #tpu.memory_space<hbm>>) target(%arg14 : memref<120x128xf32, #tpu.memory_space<vmem>>) offsets(%dma_start3A_127 : memref<120xi32, #tpu.memory_space<vmem>>) semaphore(%arg20 : memref<!tpu.dma_semaphore, #tpu.memory_space<semaphore_mem>>)
      %dma_wait3A_131 = arith.constant 0 : i32
      %dma_wait3A_132 = tpu.memref_slice %arg8[%add3A_65, %dma_wait3A_131] : memref<84x120xi32, #tpu.memory_space<vmem>> -> memref<1x120xi32, #tpu.memory_space<vmem>>
      %dma_wait3A_133 = tpu.memref_squeeze %dma_wait3A_132 : memref<1x120xi32, #tpu.memory_space<vmem>> -> memref<120xi32, #tpu.memory_space<vmem>>
      %dma_wait3A_134 = arith.constant 0 : i32
      %dma_wait3A_135 = arith.constant 0 : i32
      %dma_wait3A_136 = tpu.memref_slice %arg2[%dma_wait3A_134, %dma_wait3A_135] : memref<20000x128xf32, #tpu.memory_space<hbm>> -> memref<20000x128xf32, #tpu.memory_space<hbm>>
      tpu.wait_indirect_dma semaphore(%arg19 : memref<!tpu.dma_semaphore, #tpu.memory_space<semaphore_mem>>) src(%dma_wait3A_136 : memref<20000x128xf32, #tpu.memory_space<hbm>>) dst(%arg13 : memref<120x128xf32, #tpu.memory_space<vmem>>)
      %dma_wait3A_137 = arith.constant 0 : i32
      %dma_wait3A_138 = tpu.memref_slice %arg4[%arg1, %add3A_65, %dma_wait3A_137] : memref<16x84x120xi32, #tpu.memory_space<hbm>> -> memref<1x1x120xi32, #tpu.memory_space<hbm>>
      %dma_wait3A_139 = tpu.memref_squeeze %dma_wait3A_138 : memref<1x1x120xi32, #tpu.memory_space<hbm>> -> memref<120xi32, #tpu.memory_space<hbm>>
      %dma_wait3A_140 = arith.constant 0 : i32
      %dma_wait3A_141 = tpu.memref_slice %arg4[%arg1, %add3A_65, %dma_wait3A_140] : memref<16x84x120xi32, #tpu.memory_space<hbm>> -> memref<1x1x120xi32, #tpu.memory_space<hbm>>
      %dma_wait3A_142 = tpu.memref_squeeze %dma_wait3A_141 : memref<1x1x120xi32, #tpu.memory_space<hbm>> -> memref<120xi32, #tpu.memory_space<hbm>>
      tpu.wait_dma2 semaphore(%arg17 : memref<!tpu.dma_semaphore, #tpu.memory_space<semaphore_mem>>) src(%dma_wait3A_142 : memref<120xi32, #tpu.memory_space<hbm>>) dst(%arg11 : memref<120xi32, #tpu.memory_space<vmem>>)
      "tpu.region"() ({
        %run_scoped3A = tpu.sem_alloc : memref<!tpu.dma_semaphore, #tpu.memory_space<semaphore_mem>>
        %dma_start3A_169 = arith.constant 0 : i32
        %dma_start3A_170 = arith.constant 0 : i32
        %dma_start3A_171 = tpu.memref_slice %arg7[%dma_start3A_169, %dma_start3A_170] : memref<10112x128xf32, #tpu.memory_space<vmem_shared>> -> memref<10112x128xf32, #tpu.memory_space<vmem_shared>>
        tpu.enqueue_indirect_dma source(%arg13 : memref<120x128xf32, #tpu.memory_space<vmem>>) target(%dma_start3A_171 : memref<10112x128xf32, #tpu.memory_space<vmem_shared>>) offsets(%arg11 : memref<120xi32, #tpu.memory_space<vmem>>) semaphore(%run_scoped3A : memref<!tpu.dma_semaphore, #tpu.memory_space<semaphore_mem>>) {add = true}
        %dma_wait3A_172 = arith.constant 0 : i32
        %dma_wait3A_173 = arith.constant 0 : i32
        %dma_wait3A_174 = tpu.memref_slice %arg7[%dma_wait3A_172, %dma_wait3A_173] : memref<10112x128xf32, #tpu.memory_space<vmem_shared>> -> memref<10112x128xf32, #tpu.memory_space<vmem_shared>>
        tpu.wait_indirect_dma semaphore(%run_scoped3A : memref<!tpu.dma_semaphore, #tpu.memory_space<semaphore_mem>>) src(%arg13 : memref<120x128xf32, #tpu.memory_space<vmem>>) dst(%dma_wait3A_174 : memref<10112x128xf32, #tpu.memory_space<vmem_shared>>)
        tpu.yield
      }) : () -> ()
      %dma_start3A_143 = arith.constant 0 : i32
      %dma_start3A_144 = tpu.memref_slice %arg8[%min3A_70, %dma_start3A_143] : memref<84x120xi32, #tpu.memory_space<vmem>> -> memref<1x120xi32, #tpu.memory_space<vmem>>
      %dma_start3A_145 = tpu.memref_squeeze %dma_start3A_144 : memref<1x120xi32, #tpu.memory_space<vmem>> -> memref<120xi32, #tpu.memory_space<vmem>>
      %dma_start3A_146 = arith.constant 0 : i32
      %dma_start3A_147 = arith.constant 0 : i32
      %dma_start3A_148 = tpu.memref_slice %arg2[%dma_start3A_146, %dma_start3A_147] : memref<20000x128xf32, #tpu.memory_space<hbm>> -> memref<20000x128xf32, #tpu.memory_space<hbm>>
      tpu.enqueue_indirect_dma source(%dma_start3A_148 : memref<20000x128xf32, #tpu.memory_space<hbm>>) target(%arg13 : memref<120x128xf32, #tpu.memory_space<vmem>>) offsets(%dma_start3A_145 : memref<120xi32, #tpu.memory_space<vmem>>) semaphore(%arg19 : memref<!tpu.dma_semaphore, #tpu.memory_space<semaphore_mem>>)
      %dma_wait3A_149 = arith.constant 0 : i32
      %dma_wait3A_150 = tpu.memref_slice %arg8[%add3A_67, %dma_wait3A_149] : memref<84x120xi32, #tpu.memory_space<vmem>> -> memref<1x120xi32, #tpu.memory_space<vmem>>
      %dma_wait3A_151 = tpu.memref_squeeze %dma_wait3A_150 : memref<1x120xi32, #tpu.memory_space<vmem>> -> memref<120xi32, #tpu.memory_space<vmem>>
      %dma_wait3A_152 = arith.constant 0 : i32
      %dma_wait3A_153 = arith.constant 0 : i32
      %dma_wait3A_154 = tpu.memref_slice %arg2[%dma_wait3A_152, %dma_wait3A_153] : memref<20000x128xf32, #tpu.memory_space<hbm>> -> memref<20000x128xf32, #tpu.memory_space<hbm>>
      tpu.wait_indirect_dma semaphore(%arg20 : memref<!tpu.dma_semaphore, #tpu.memory_space<semaphore_mem>>) src(%dma_wait3A_154 : memref<20000x128xf32, #tpu.memory_space<hbm>>) dst(%arg14 : memref<120x128xf32, #tpu.memory_space<vmem>>)
      %dma_wait3A_155 = arith.constant 0 : i32
      %dma_wait3A_156 = tpu.memref_slice %arg4[%arg1, %add3A_67, %dma_wait3A_155] : memref<16x84x120xi32, #tpu.memory_space<hbm>> -> memref<1x1x120xi32, #tpu.memory_space<hbm>>
      %dma_wait3A_157 = tpu.memref_squeeze %dma_wait3A_156 : memref<1x1x120xi32, #tpu.memory_space<hbm>> -> memref<120xi32, #tpu.memory_space<hbm>>
      %dma_wait3A_158 = arith.constant 0 : i32
      %dma_wait3A_159 = tpu.memref_slice %arg4[%arg1, %add3A_67, %dma_wait3A_158] : memref<16x84x120xi32, #tpu.memory_space<hbm>> -> memref<1x1x120xi32, #tpu.memory_space<hbm>>
      %dma_wait3A_160 = tpu.memref_squeeze %dma_wait3A_159 : memref<1x1x120xi32, #tpu.memory_space<hbm>> -> memref<120xi32, #tpu.memory_space<hbm>>
      tpu.wait_dma2 semaphore(%arg18 : memref<!tpu.dma_semaphore, #tpu.memory_space<semaphore_mem>>) src(%dma_wait3A_160 : memref<120xi32, #tpu.memory_space<hbm>>) dst(%arg12 : memref<120xi32, #tpu.memory_space<vmem>>)
      "tpu.region"() ({
        %run_scoped3A = tpu.sem_alloc : memref<!tpu.dma_semaphore, #tpu.memory_space<semaphore_mem>>
        %dma_start3A_169 = arith.constant 0 : i32
        %dma_start3A_170 = arith.constant 0 : i32
        %dma_start3A_171 = tpu.memref_slice %arg7[%dma_start3A_169, %dma_start3A_170] : memref<10112x128xf32, #tpu.memory_space<vmem_shared>> -> memref<10112x128xf32, #tpu.memory_space<vmem_shared>>
        tpu.enqueue_indirect_dma source(%arg14 : memref<120x128xf32, #tpu.memory_space<vmem>>) target(%dma_start3A_171 : memref<10112x128xf32, #tpu.memory_space<vmem_shared>>) offsets(%arg12 : memref<120xi32, #tpu.memory_space<vmem>>) semaphore(%run_scoped3A : memref<!tpu.dma_semaphore, #tpu.memory_space<semaphore_mem>>) {add = true}
        %dma_wait3A_172 = arith.constant 0 : i32
        %dma_wait3A_173 = arith.constant 0 : i32
        %dma_wait3A_174 = tpu.memref_slice %arg7[%dma_wait3A_172, %dma_wait3A_173] : memref<10112x128xf32, #tpu.memory_space<vmem_shared>> -> memref<10112x128xf32, #tpu.memory_space<vmem_shared>>
        tpu.wait_indirect_dma semaphore(%run_scoped3A : memref<!tpu.dma_semaphore, #tpu.memory_space<semaphore_mem>>) src(%arg14 : memref<120x128xf32, #tpu.memory_space<vmem>>) dst(%dma_wait3A_174 : memref<10112x128xf32, #tpu.memory_space<vmem_shared>>)
        tpu.yield
      }) : () -> ()
      %add3A_161 = arith.constant 1 : i32
      %add3A_162 = arith.addi %min3A_70, %add3A_161 : i32
      %dma_start3A_163 = arith.constant 0 : i32
      %dma_start3A_164 = tpu.memref_slice %arg8[%add3A_162, %dma_start3A_163] : memref<84x120xi32, #tpu.memory_space<vmem>> -> memref<1x120xi32, #tpu.memory_space<vmem>>
      %dma_start3A_165 = tpu.memref_squeeze %dma_start3A_164 : memref<1x120xi32, #tpu.memory_space<vmem>> -> memref<120xi32, #tpu.memory_space<vmem>>
      %dma_start3A_166 = arith.constant 0 : i32
      %dma_start3A_167 = arith.constant 0 : i32
      %dma_start3A_168 = tpu.memref_slice %arg2[%dma_start3A_166, %dma_start3A_167] : memref<20000x128xf32, #tpu.memory_space<hbm>> -> memref<20000x128xf32, #tpu.memory_space<hbm>>
      tpu.enqueue_indirect_dma source(%dma_start3A_168 : memref<20000x128xf32, #tpu.memory_space<hbm>>) target(%arg14 : memref<120x128xf32, #tpu.memory_space<vmem>>) offsets(%dma_start3A_165 : memref<120xi32, #tpu.memory_space<vmem>>) semaphore(%arg20 : memref<!tpu.dma_semaphore, #tpu.memory_space<semaphore_mem>>)
    }
    %scan3A_40 = arith.constant 21 : i32
    %dma_wait3A = arith.constant 82 : i32
    %dma_wait3A_41 = arith.constant 0 : i32
    %dma_wait3A_42 = tpu.memref_slice %arg8[%dma_wait3A, %dma_wait3A_41] : memref<84x120xi32, #tpu.memory_space<vmem>> -> memref<1x120xi32, #tpu.memory_space<vmem>>
    %dma_wait3A_43 = tpu.memref_squeeze %dma_wait3A_42 : memref<1x120xi32, #tpu.memory_space<vmem>> -> memref<120xi32, #tpu.memory_space<vmem>>
    %dma_wait3A_44 = arith.constant 0 : i32
    %dma_wait3A_45 = arith.constant 0 : i32
    %dma_wait3A_46 = tpu.memref_slice %arg2[%dma_wait3A_44, %dma_wait3A_45] : memref<20000x128xf32, #tpu.memory_space<hbm>> -> memref<20000x128xf32, #tpu.memory_space<hbm>>
    tpu.wait_indirect_dma semaphore(%arg19 : memref<!tpu.dma_semaphore, #tpu.memory_space<semaphore_mem>>) src(%dma_wait3A_46 : memref<20000x128xf32, #tpu.memory_space<hbm>>) dst(%arg13 : memref<120x128xf32, #tpu.memory_space<vmem>>)
    %dma_wait3A_47 = arith.constant 83 : i32
    %dma_wait3A_48 = arith.constant 0 : i32
    %dma_wait3A_49 = tpu.memref_slice %arg8[%dma_wait3A_47, %dma_wait3A_48] : memref<84x120xi32, #tpu.memory_space<vmem>> -> memref<1x120xi32, #tpu.memory_space<vmem>>
    %dma_wait3A_50 = tpu.memref_squeeze %dma_wait3A_49 : memref<1x120xi32, #tpu.memory_space<vmem>> -> memref<120xi32, #tpu.memory_space<vmem>>
    %dma_wait3A_51 = arith.constant 0 : i32
    %dma_wait3A_52 = arith.constant 0 : i32
    %dma_wait3A_53 = tpu.memref_slice %arg2[%dma_wait3A_51, %dma_wait3A_52] : memref<20000x128xf32, #tpu.memory_space<hbm>> -> memref<20000x128xf32, #tpu.memory_space<hbm>>
    tpu.wait_indirect_dma semaphore(%arg20 : memref<!tpu.dma_semaphore, #tpu.memory_space<semaphore_mem>>) src(%dma_wait3A_53 : memref<20000x128xf32, #tpu.memory_space<hbm>>) dst(%arg14 : memref<120x128xf32, #tpu.memory_space<vmem>>)
    %barrier3A_54 = arith.constant 0 : index
    tpu.barrier barrier_id(%barrier3A_54)
    %mul3A_55 = arith.constant 632 : i32
    %mul3A_56 = arith.muli %arg1, %mul3A_55 : i32
    %mul3A_57 = arith.constant 632 : i32
    %mul3A_58 = arith.muli %arg1, %mul3A_57 : i32
    "tpu.region"() ({
      %run_scoped3A = tpu.sem_alloc : memref<!tpu.dma_semaphore, #tpu.memory_space<semaphore_mem>>
      %dma_start3A_59 = arith.constant 0 : i32
      %dma_start3A_60 = tpu.memref_slice %arg6[%arg0, %mul3A_58, %dma_start3A_59] : memref<2x10112x128xf32, #tpu.memory_space<hbm>> -> memref<1x632x128xf32, #tpu.memory_space<hbm>>
      %dma_start3A_61 = tpu.memref_squeeze %dma_start3A_60 : memref<1x632x128xf32, #tpu.memory_space<hbm>> -> memref<632x128xf32, #tpu.memory_space<hbm>>
      %dma_start3A_62 = arith.constant 0 : i32
      %dma_start3A_63 = tpu.memref_slice %arg7[%mul3A_56, %dma_start3A_62] : memref<10112x128xf32, #tpu.memory_space<vmem_shared>> -> memref<632x128xf32, #tpu.memory_space<vmem_shared>>
      tpu.enqueue_dma source(%dma_start3A_63 : memref<632x128xf32, #tpu.memory_space<vmem_shared>>) target(%dma_start3A_61 : memref<632x128xf32, #tpu.memory_space<hbm>>) target_semaphore(%run_scoped3A : memref<!tpu.dma_semaphore, #tpu.memory_space<semaphore_mem>>)
      %dma_wait3A_64 = arith.constant 0 : i32
      %dma_wait3A_65 = tpu.memref_slice %arg6[%arg0, %mul3A_58, %dma_wait3A_64] : memref<2x10112x128xf32, #tpu.memory_space<hbm>> -> memref<1x632x128xf32, #tpu.memory_space<hbm>>
      %dma_wait3A_66 = tpu.memref_squeeze %dma_wait3A_65 : memref<1x632x128xf32, #tpu.memory_space<hbm>> -> memref<632x128xf32, #tpu.memory_space<hbm>>
      %dma_wait3A_67 = arith.constant 0 : i32
      %dma_wait3A_68 = tpu.memref_slice %arg7[%mul3A_56, %dma_wait3A_67] : memref<10112x128xf32, #tpu.memory_space<vmem_shared>> -> memref<632x128xf32, #tpu.memory_space<vmem_shared>>
      tpu.wait_dma2 semaphore(%run_scoped3A : memref<!tpu.dma_semaphore, #tpu.memory_space<semaphore_mem>>) src(%dma_wait3A_68 : memref<632x128xf32, #tpu.memory_space<vmem_shared>>) dst(%dma_wait3A_66 : memref<632x128xf32, #tpu.memory_space<hbm>>)
      tpu.yield
    }) : () -> ()
    return
  }
}

module attributes {stable_mosaic.version = 14 : i64} {
  func.func @_layer_body(%arg0: i32, %arg1: memref<2000x256xf32, #tpu.memory_space<vmem>>, %arg2: memref<2000x128xf32, #tpu.memory_space<vmem>>, %arg3: memref<2000x128xf32, #tpu.memory_space<vmem>>, %arg4: memref<2000x1xf32, #tpu.memory_space<vmem>>, %arg5: memref<128x256xf32, #tpu.memory_space<vmem>>, %arg6: memref<128x256xf32, #tpu.memory_space<vmem>>, %arg7: memref<256x256xf32, #tpu.memory_space<vmem>>, %arg8: memref<1x256xf32, #tpu.memory_space<vmem>>, %arg9: memref<2000x256xf32, #tpu.memory_space<vmem>>) attributes {dimension_semantics = [#tpu.dimension_semantics<arbitrary>], iteration_bounds = array<i64: 5>, scalar_prefetch = 0 : i64, scratch_operands = 0 : i64, tpu.core_type = #tpu.core_type<tc>, window_params = [{transform_indices = @transform_0, window_bounds = array<i64: 2000, 256>}, {transform_indices = @transform_1, window_bounds = array<i64: 2000, 128>}, {transform_indices = @transform_2, window_bounds = array<i64: 2000, 128>}, {transform_indices = @transform_3, window_bounds = array<i64: 2000, 1>}, {pipeline_mode = #tpu.pipeline_mode<synchronous>, transform_indices = @transform_4, window_bounds = array<i64: 128, 256>}, {pipeline_mode = #tpu.pipeline_mode<synchronous>, transform_indices = @transform_5, window_bounds = array<i64: 128, 256>}, {pipeline_mode = #tpu.pipeline_mode<synchronous>, transform_indices = @transform_6, window_bounds = array<i64: 256, 256>}, {pipeline_mode = #tpu.pipeline_mode<synchronous>, transform_indices = @transform_7, window_bounds = array<i64: 1, 256>}, {transform_indices = @transform_8, window_bounds = array<i64: 2000, 256>}]} {
    %get3A = arith.constant 0 : index
    %get3A_0 = arith.constant 0 : index
    %get3A_1 = vector.load %arg4[%get3A, %get3A_0] : memref<2000x1xf32, #tpu.memory_space<vmem>>, vector<2000x1xf32>
    %max3A = arith.constant 1.000000e+00 : f32
    %max3A_2 = vector.broadcast %max3A : f32 to vector<2000x1xf32>
    %max3A_3 = arith.maximumf %get3A_1, %max3A_2 : vector<2000x1xf32>
    %div3A = arith.constant 1.000000e+00 : f32
    %div3A_4 = vector.broadcast %div3A : f32 to vector<2000x1xf32>
    %div3A_5 = arith.divf %div3A_4, %max3A_3 : vector<2000x1xf32>
    %get3A_6 = arith.constant 0 : index
    %get3A_7 = arith.constant 0 : index
    %get3A_8 = vector.load %arg2[%get3A_6, %get3A_7] : memref<2000x128xf32, #tpu.memory_space<vmem>>, vector<2000x128xf32>
    %mul3A = vector.broadcast %div3A_5 : vector<2000x1xf32> to vector<2000x128xf32>
    %mul3A_9 = arith.mulf %get3A_8, %mul3A : vector<2000x128xf32>
    %get3A_10 = arith.constant 0 : index
    %get3A_11 = arith.constant 0 : index
    %get3A_12 = vector.load %arg5[%get3A_10, %get3A_11] : memref<128x256xf32, #tpu.memory_space<vmem>>, vector<128x256xf32>
    %dot_general3A = arith.constant dense<0.000000e+00> : vector<2000x256xf32>
    %dot_general3A_13 = tpu.matmul %mul3A_9, %get3A_12, %dot_general3A {dimension_numbers = #tpu.dot_dimension_numbers<[1], [0], [0], [1], [0, 0, 1, 1], [], []>, transpose_lhs_hint = false} : vector<2000x128xf32>, vector<128x256xf32>, vector<2000x256xf32> -> vector<2000x256xf32>
    %get3A_14 = arith.constant 0 : index
    %get3A_15 = arith.constant 0 : index
    %get3A_16 = vector.load %arg3[%get3A_14, %get3A_15] : memref<2000x128xf32, #tpu.memory_space<vmem>>, vector<2000x128xf32>
    %mul3A_17 = vector.broadcast %div3A_5 : vector<2000x1xf32> to vector<2000x128xf32>
    %mul3A_18 = arith.mulf %get3A_16, %mul3A_17 : vector<2000x128xf32>
    %get3A_19 = arith.constant 0 : index
    %get3A_20 = arith.constant 0 : index
    %get3A_21 = vector.load %arg6[%get3A_19, %get3A_20] : memref<128x256xf32, #tpu.memory_space<vmem>>, vector<128x256xf32>
    %dot_general3A_22 = arith.constant dense<0.000000e+00> : vector<2000x256xf32>
    %dot_general3A_23 = tpu.matmul %mul3A_18, %get3A_21, %dot_general3A_22 {dimension_numbers = #tpu.dot_dimension_numbers<[1], [0], [0], [1], [0, 0, 1, 1], [], []>, transpose_lhs_hint = false} : vector<2000x128xf32>, vector<128x256xf32>, vector<2000x256xf32> -> vector<2000x256xf32>
    %add3A = arith.addf %dot_general3A_13, %dot_general3A_23 : vector<2000x256xf32>
    %get3A_24 = arith.constant 0 : index
    %get3A_25 = arith.constant 0 : index
    %get3A_26 = vector.load %arg1[%get3A_24, %get3A_25] : memref<2000x256xf32, #tpu.memory_space<vmem>>, vector<2000x256xf32>
    %get3A_27 = arith.constant 0 : index
    %get3A_28 = arith.constant 0 : index
    %get3A_29 = vector.load %arg7[%get3A_27, %get3A_28] : memref<256x256xf32, #tpu.memory_space<vmem>>, vector<256x256xf32>
    %dot_general3A_30 = arith.constant dense<0.000000e+00> : vector<2000x256xf32>
    %dot_general3A_31 = tpu.matmul %get3A_26, %get3A_29, %dot_general3A_30 {dimension_numbers = #tpu.dot_dimension_numbers<[1], [0], [0], [1], [0, 0, 1, 1], [], []>, transpose_lhs_hint = false} : vector<2000x256xf32>, vector<256x256xf32>, vector<2000x256xf32> -> vector<2000x256xf32>
    %add3A_32 = arith.addf %add3A, %dot_general3A_31 : vector<2000x256xf32>
    %get3A_33 = arith.constant 0 : index
    %get3A_34 = arith.constant 0 : index
    %get3A_35 = vector.load %arg8[%get3A_33, %get3A_34] : memref<1x256xf32, #tpu.memory_space<vmem>>, vector<1x256xf32>
    %add3A_36 = vector.broadcast %get3A_35 : vector<1x256xf32> to vector<2000x256xf32>
    %add3A_37 = arith.addf %add3A_32, %add3A_36 : vector<2000x256xf32>
    %max3A_38 = arith.constant 0.000000e+00 : f32
    %max3A_39 = vector.broadcast %max3A_38 : f32 to vector<2000x256xf32>
    %max3A_40 = arith.maximumf %add3A_37, %max3A_39 : vector<2000x256xf32>
    %swap3A = arith.constant 0 : index
    %swap3A_41 = arith.constant 0 : index
    %swap3A_42 = vector.load %arg9[%swap3A, %swap3A_41] : memref<2000x256xf32, #tpu.memory_space<vmem>>, vector<2000x256xf32>
    tpu.vector_store %arg9[%swap3A, %swap3A_41], %max3A_40 {strides = array<i32>} : memref<2000x256xf32, #tpu.memory_space<vmem>>, vector<2000x256xf32>,
    return
  }
  func.func @transform_0(%arg0: i32) -> (i32, i32) {
    %c0_i32 = arith.constant 0 : i32
    %c0_i32_0 = arith.constant 0 : i32
    return %arg0, %c0_i32 : i32, i32
  }
  func.func @transform_1(%arg0: i32) -> (i32, i32) {
    %c0_i32 = arith.constant 0 : i32
    %c0_i32_0 = arith.constant 0 : i32
    return %arg0, %c0_i32 : i32, i32
  }
  func.func @transform_2(%arg0: i32) -> (i32, i32) {
    %c0_i32 = arith.constant 0 : i32
    %c0_i32_0 = arith.constant 0 : i32
    return %arg0, %c0_i32 : i32, i32
  }
  func.func @transform_3(%arg0: i32) -> (i32, i32) {
    %c0_i32 = arith.constant 0 : i32
    %c0_i32_0 = arith.constant 0 : i32
    return %arg0, %c0_i32 : i32, i32
  }
  func.func @transform_4(%arg0: i32) -> (i32, i32) {
    %c0_i32 = arith.constant 0 : i32
    %c0_i32_0 = arith.constant 0 : i32
    %c0_i32_1 = arith.constant 0 : i32
    return %c0_i32, %c0_i32_0 : i32, i32
  }
  func.func @transform_5(%arg0: i32) -> (i32, i32) {
    %c0_i32 = arith.constant 0 : i32
    %c0_i32_0 = arith.constant 0 : i32
    %c0_i32_1 = arith.constant 0 : i32
    return %c0_i32, %c0_i32_0 : i32, i32
  }
  func.func @transform_6(%arg0: i32) -> (i32, i32) {
    %c0_i32 = arith.constant 0 : i32
    %c0_i32_0 = arith.constant 0 : i32
    %c0_i32_1 = arith.constant 0 : i32
    return %c0_i32, %c0_i32_0 : i32, i32
  }
  func.func @transform_7(%arg0: i32) -> (i32, i32) {
    %c0_i32 = arith.constant 0 : i32
    %c0_i32_0 = arith.constant 0 : i32
    %c0_i32_1 = arith.constant 0 : i32
    return %c0_i32, %c0_i32_0 : i32, i32
  }
  func.func @transform_8(%arg0: i32) -> (i32, i32) {
    %c0_i32 = arith.constant 0 : i32
    %c0_i32_0 = arith.constant 0 : i32
    return %arg0, %c0_i32 : i32, i32
  }
}

module attributes {stable_mosaic.version = 14 : i64} {
  func.func @_final_body(%arg0: i32, %arg1: memref<2000x256xf32, #tpu.memory_space<vmem>>, %arg2: memref<2000x128xf32, #tpu.memory_space<vmem>>, %arg3: memref<2000x128xf32, #tpu.memory_space<vmem>>, %arg4: memref<2000x1xf32, #tpu.memory_space<vmem>>, %arg5: memref<128x256xf32, #tpu.memory_space<vmem>>, %arg6: memref<128x256xf32, #tpu.memory_space<vmem>>, %arg7: memref<256x256xf32, #tpu.memory_space<vmem>>, %arg8: memref<1x256xf32, #tpu.memory_space<vmem>>, %arg9: memref<256x256xf32, #tpu.memory_space<vmem>>, %arg10: memref<1x256xf32, #tpu.memory_space<vmem>>, %arg11: memref<256x256xf32, #tpu.memory_space<vmem>>, %arg12: memref<1x256xf32, #tpu.memory_space<vmem>>, %arg13: memref<2000x256xf32, #tpu.memory_space<vmem>>) attributes {dimension_semantics = [#tpu.dimension_semantics<arbitrary>], iteration_bounds = array<i64: 5>, scalar_prefetch = 0 : i64, scratch_operands = 0 : i64, tpu.core_type = #tpu.core_type<tc>, window_params = [{transform_indices = @transform_0, window_bounds = array<i64: 2000, 256>}, {transform_indices = @transform_1, window_bounds = array<i64: 2000, 128>}, {transform_indices = @transform_2, window_bounds = array<i64: 2000, 128>}, {transform_indices = @transform_3, window_bounds = array<i64: 2000, 1>}, {pipeline_mode = #tpu.pipeline_mode<synchronous>, transform_indices = @transform_4, window_bounds = array<i64: 128, 256>}, {pipeline_mode = #tpu.pipeline_mode<synchronous>, transform_indices = @transform_5, window_bounds = array<i64: 128, 256>}, {pipeline_mode = #tpu.pipeline_mode<synchronous>, transform_indices = @transform_6, window_bounds = array<i64: 256, 256>}, {pipeline_mode = #tpu.pipeline_mode<synchronous>, transform_indices = @transform_7, window_bounds = array<i64: 1, 256>}, {pipeline_mode = #tpu.pipeline_mode<synchronous>, transform_indices = @transform_8, window_bounds = array<i64: 256, 256>}, {pipeline_mode = #tpu.pipeline_mode<synchronous>, transform_indices = @transform_9, window_bounds = array<i64: 1, 256>}, {pipeline_mode = #tpu.pipeline_mode<synchronous>, transform_indices = @transform_10, window_bounds = array<i64: 256, 256>}, {pipeline_mode = #tpu.pipeline_mode<synchronous>, transform_indices = @transform_11, window_bounds = array<i64: 1, 256>}, {transform_indices = @transform_12, window_bounds = array<i64: 2000, 256>}]} {
    %get3A = arith.constant 0 : index
    %get3A_0 = arith.constant 0 : index
    %get3A_1 = vector.load %arg4[%get3A, %get3A_0] : memref<2000x1xf32, #tpu.memory_space<vmem>>, vector<2000x1xf32>
    %max3A = arith.constant 1.000000e+00 : f32
    %max3A_2 = vector.broadcast %max3A : f32 to vector<2000x1xf32>
    %max3A_3 = arith.maximumf %get3A_1, %max3A_2 : vector<2000x1xf32>
    %div3A = arith.constant 1.000000e+00 : f32
    %div3A_4 = vector.broadcast %div3A : f32 to vector<2000x1xf32>
    %div3A_5 = arith.divf %div3A_4, %max3A_3 : vector<2000x1xf32>
    %get3A_6 = arith.constant 0 : index
    %get3A_7 = arith.constant 0 : index
    %get3A_8 = vector.load %arg2[%get3A_6, %get3A_7] : memref<2000x128xf32, #tpu.memory_space<vmem>>, vector<2000x128xf32>
    %mul3A = vector.broadcast %div3A_5 : vector<2000x1xf32> to vector<2000x128xf32>
    %mul3A_9 = arith.mulf %get3A_8, %mul3A : vector<2000x128xf32>
    %get3A_10 = arith.constant 0 : index
    %get3A_11 = arith.constant 0 : index
    %get3A_12 = vector.load %arg5[%get3A_10, %get3A_11] : memref<128x256xf32, #tpu.memory_space<vmem>>, vector<128x256xf32>
    %dot_general3A = arith.constant dense<0.000000e+00> : vector<2000x256xf32>
    %dot_general3A_13 = tpu.matmul %mul3A_9, %get3A_12, %dot_general3A {dimension_numbers = #tpu.dot_dimension_numbers<[1], [0], [0], [1], [0, 0, 1, 1], [], []>, transpose_lhs_hint = false} : vector<2000x128xf32>, vector<128x256xf32>, vector<2000x256xf32> -> vector<2000x256xf32>
    %get3A_14 = arith.constant 0 : index
    %get3A_15 = arith.constant 0 : index
    %get3A_16 = vector.load %arg3[%get3A_14, %get3A_15] : memref<2000x128xf32, #tpu.memory_space<vmem>>, vector<2000x128xf32>
    %mul3A_17 = vector.broadcast %div3A_5 : vector<2000x1xf32> to vector<2000x128xf32>
    %mul3A_18 = arith.mulf %get3A_16, %mul3A_17 : vector<2000x128xf32>
    %get3A_19 = arith.constant 0 : index
    %get3A_20 = arith.constant 0 : index
    %get3A_21 = vector.load %arg6[%get3A_19, %get3A_20] : memref<128x256xf32, #tpu.memory_space<vmem>>, vector<128x256xf32>
    %dot_general3A_22 = arith.constant dense<0.000000e+00> : vector<2000x256xf32>
    %dot_general3A_23 = tpu.matmul %mul3A_18, %get3A_21, %dot_general3A_22 {dimension_numbers = #tpu.dot_dimension_numbers<[1], [0], [0], [1], [0, 0, 1, 1], [], []>, transpose_lhs_hint = false} : vector<2000x128xf32>, vector<128x256xf32>, vector<2000x256xf32> -> vector<2000x256xf32>
    %add3A = arith.addf %dot_general3A_13, %dot_general3A_23 : vector<2000x256xf32>
    %get3A_24 = arith.constant 0 : index
    %get3A_25 = arith.constant 0 : index
    %get3A_26 = vector.load %arg1[%get3A_24, %get3A_25] : memref<2000x256xf32, #tpu.memory_space<vmem>>, vector<2000x256xf32>
    %get3A_27 = arith.constant 0 : index
    %get3A_28 = arith.constant 0 : index
    %get3A_29 = vector.load %arg7[%get3A_27, %get3A_28] : memref<256x256xf32, #tpu.memory_space<vmem>>, vector<256x256xf32>
    %dot_general3A_30 = arith.constant dense<0.000000e+00> : vector<2000x256xf32>
    %dot_general3A_31 = tpu.matmul %get3A_26, %get3A_29, %dot_general3A_30 {dimension_numbers = #tpu.dot_dimension_numbers<[1], [0], [0], [1], [0, 0, 1, 1], [], []>, transpose_lhs_hint = false} : vector<2000x256xf32>, vector<256x256xf32>, vector<2000x256xf32> -> vector<2000x256xf32>
    %add3A_32 = arith.addf %add3A, %dot_general3A_31 : vector<2000x256xf32>
    %get3A_33 = arith.constant 0 : index
    %get3A_34 = arith.constant 0 : index
    %get3A_35 = vector.load %arg8[%get3A_33, %get3A_34] : memref<1x256xf32, #tpu.memory_space<vmem>>, vector<1x256xf32>
    %add3A_36 = vector.broadcast %get3A_35 : vector<1x256xf32> to vector<2000x256xf32>
    %add3A_37 = arith.addf %add3A_32, %add3A_36 : vector<2000x256xf32>
    %max3A_38 = arith.constant 0.000000e+00 : f32
    %max3A_39 = vector.broadcast %max3A_38 : f32 to vector<2000x256xf32>
    %max3A_40 = arith.maximumf %add3A_37, %max3A_39 : vector<2000x256xf32>
    %get3A_41 = arith.constant 0 : index
    %get3A_42 = arith.constant 0 : index
    %get3A_43 = vector.load %arg9[%get3A_41, %get3A_42] : memref<256x256xf32, #tpu.memory_space<vmem>>, vector<256x256xf32>
    %dot_general3A_44 = arith.constant dense<0.000000e+00> : vector<2000x256xf32>
    %dot_general3A_45 = tpu.matmul %max3A_40, %get3A_43, %dot_general3A_44 {dimension_numbers = #tpu.dot_dimension_numbers<[1], [0], [0], [1], [0, 0, 1, 1], [], []>, transpose_lhs_hint = false} : vector<2000x256xf32>, vector<256x256xf32>, vector<2000x256xf32> -> vector<2000x256xf32>
    %get3A_46 = arith.constant 0 : index
    %get3A_47 = arith.constant 0 : index
    %get3A_48 = vector.load %arg10[%get3A_46, %get3A_47] : memref<1x256xf32, #tpu.memory_space<vmem>>, vector<1x256xf32>
    %add3A_49 = vector.broadcast %get3A_48 : vector<1x256xf32> to vector<2000x256xf32>
    %add3A_50 = arith.addf %dot_general3A_45, %add3A_49 : vector<2000x256xf32>
    %get3A_51 = arith.constant 0 : index
    %get3A_52 = arith.constant 0 : index
    %get3A_53 = vector.load %arg11[%get3A_51, %get3A_52] : memref<256x256xf32, #tpu.memory_space<vmem>>, vector<256x256xf32>
    %dot_general3A_54 = arith.constant dense<0.000000e+00> : vector<2000x256xf32>
    %dot_general3A_55 = tpu.matmul %add3A_50, %get3A_53, %dot_general3A_54 {dimension_numbers = #tpu.dot_dimension_numbers<[1], [0], [0], [1], [0, 0, 1, 1], [], []>, transpose_lhs_hint = false} : vector<2000x256xf32>, vector<256x256xf32>, vector<2000x256xf32> -> vector<2000x256xf32>
    %get3A_56 = arith.constant 0 : index
    %get3A_57 = arith.constant 0 : index
    %get3A_58 = vector.load %arg12[%get3A_56, %get3A_57] : memref<1x256xf32, #tpu.memory_space<vmem>>, vector<1x256xf32>
    %add3A_59 = vector.broadcast %get3A_58 : vector<1x256xf32> to vector<2000x256xf32>
    %add3A_60 = arith.addf %dot_general3A_55, %add3A_59 : vector<2000x256xf32>
    %reduce_max3A = arith.constant dense<0xFF800000> : vector<2000xf32>
    %reduce_max3A_61 = vector.multi_reduction <maximumf>, %add3A_60, %reduce_max3A [1] : vector<2000x256xf32> to vector<2000xf32>
    %broadcast_in_dim3A = vector.shape_cast %reduce_max3A_61 : vector<2000xf32> to vector<2000x1xf32>
    %sub3A = vector.broadcast %broadcast_in_dim3A : vector<2000x1xf32> to vector<2000x256xf32>
    %sub3A_62 = arith.subf %add3A_60, %sub3A : vector<2000x256xf32>
    %exp3A = math.exp %sub3A_62 : vector<2000x256xf32>
    %reduce_sum3A = arith.constant dense<0.000000e+00> : vector<2000xf32>
    %reduce_sum3A_63 = vector.multi_reduction <add>, %exp3A, %reduce_sum3A [1] : vector<2000x256xf32> to vector<2000xf32>
    %broadcast_in_dim3A_64 = vector.shape_cast %reduce_sum3A_63 : vector<2000xf32> to vector<2000x1xf32>
    %log3A = math.log %broadcast_in_dim3A_64 : vector<2000x1xf32>
    %add3A_65 = arith.addf %log3A, %broadcast_in_dim3A : vector<2000x1xf32>
    %sub3A_66 = vector.broadcast %add3A_65 : vector<2000x1xf32> to vector<2000x256xf32>
    %sub3A_67 = arith.subf %add3A_60, %sub3A_66 : vector<2000x256xf32>
    %swap3A = arith.constant 0 : index
    %swap3A_68 = arith.constant 0 : index
    %swap3A_69 = vector.load %arg13[%swap3A, %swap3A_68] : memref<2000x256xf32, #tpu.memory_space<vmem>>, vector<2000x256xf32>
    tpu.vector_store %arg13[%swap3A, %swap3A_68], %sub3A_67 {strides = array<i32>} : memref<2000x256xf32, #tpu.memory_space<vmem>>, vector<2000x256xf32>,
    return
  }
  func.func @transform_0(%arg0: i32) -> (i32, i32) {
    %c0_i32 = arith.constant 0 : i32
    %c0_i32_0 = arith.constant 0 : i32
    return %arg0, %c0_i32 : i32, i32
  }
  func.func @transform_1(%arg0: i32) -> (i32, i32) {
    %c0_i32 = arith.constant 0 : i32
    %c0_i32_0 = arith.constant 0 : i32
    return %arg0, %c0_i32 : i32, i32
  }
  func.func @transform_2(%arg0: i32) -> (i32, i32) {
    %c0_i32 = arith.constant 0 : i32
    %c0_i32_0 = arith.constant 0 : i32
    return %arg0, %c0_i32 : i32, i32
  }
  func.func @transform_3(%arg0: i32) -> (i32, i32) {
    %c0_i32 = arith.constant 0 : i32
    %c0_i32_0 = arith.constant 0 : i32
    return %arg0, %c0_i32 : i32, i32
  }
  func.func @transform_4(%arg0: i32) -> (i32, i32) {
    %c0_i32 = arith.constant 0 : i32
    %c0_i32_0 = arith.constant 0 : i32
    %c0_i32_1 = arith.constant 0 : i32
    return %c0_i32, %c0_i32_0 : i32, i32
  }
  func.func @transform_5(%arg0: i32) -> (i32, i32) {
    %c0_i32 = arith.constant 0 : i32
    %c0_i32_0 = arith.constant 0 : i32
    %c0_i32_1 = arith.constant 0 : i32
    return %c0_i32, %c0_i32_0 : i32, i32
  }
  func.func @transform_6(%arg0: i32) -> (i32, i32) {
    %c0_i32 = arith.constant 0 : i32
    %c0_i32_0 = arith.constant 0 : i32
    %c0_i32_1 = arith.constant 0 : i32
    return %c0_i32, %c0_i32_0 : i32, i32
  }
  func.func @transform_7(%arg0: i32) -> (i32, i32) {
    %c0_i32 = arith.constant 0 : i32
    %c0_i32_0 = arith.constant 0 : i32
    %c0_i32_1 = arith.constant 0 : i32
    return %c0_i32, %c0_i32_0 : i32, i32
  }
  func.func @transform_8(%arg0: i32) -> (i32, i32) {
    %c0_i32 = arith.constant 0 : i32
    %c0_i32_0 = arith.constant 0 : i32
    %c0_i32_1 = arith.constant 0 : i32
    return %c0_i32, %c0_i32_0 : i32, i32
  }
  func.func @transform_9(%arg0: i32) -> (i32, i32) {
    %c0_i32 = arith.constant 0 : i32
    %c0_i32_0 = arith.constant 0 : i32
    %c0_i32_1 = arith.constant 0 : i32
    return %c0_i32, %c0_i32_0 : i32, i32
  }
  func.func @transform_10(%arg0: i32) -> (i32, i32) {
    %c0_i32 = arith.constant 0 : i32
    %c0_i32_0 = arith.constant 0 : i32
    %c0_i32_1 = arith.constant 0 : i32
    return %c0_i32, %c0_i32_0 : i32, i32
  }
  func.func @transform_11(%arg0: i32) -> (i32, i32) {
    %c0_i32 = arith.constant 0 : i32
    %c0_i32_0 = arith.constant 0 : i32
    %c0_i32_1 = arith.constant 0 : i32
    return %c0_i32, %c0_i32_0 : i32, i32
  }
  func.func @transform_12(%arg0: i32) -> (i32, i32) {
    %c0_i32 = arith.constant 0 : i32
    %c0_i32_0 = arith.constant 0 : i32
    return %arg0, %c0_i32 : i32, i32
  }
}

</mosaic_0001>

<sc_bundles>
// kernel: kernel.12.cloned.1.call-start
scs
__scs_entry_jumppad:
0x0: {  	(pc) =	sbr.rel $0x88, $3  }
0x1: {  	(tag) =	ssettag $0x0;
	lr =	simm.s32 $0x1  }
0x2: {  	[smem:$0x3F92] =	sst lr;
	_ =	strace $0xD0000000  }
0x3: {  	_ = 	snop  }
0x4: {  	_ = 	snop  }
0x5: {  	_ = 	snop  }
0x6: {  	_ = 	snop  }
0x7: {  	_ = 	snop  }
__scs_overlays_trampoline_lowered:
0x8: {  	[smem:$0x3FA1] =	sst s0  }
0x9: {  	[smem:$0x3FA2] =	sst s1  }
0xa: {  	[smem:$0x3FA3] =	sst s2  }
0xb: {  	[smem:$0x3FA4] =	sst s3  }
0xc: {  	[smem:$0x3FA5] =	sst s4  }
0xd: {  	[smem:$0x3FA6] =	sst s5  }
0xe: {  	[smem:$0x3FA7] =	sst s6  }
0xf: {  	[smem:$0x3FA8] =	sst s7  }
0x10: {  	[smem:$0x3FA9] =	sst s8  }
0x11: {  	[smem:$0x3FAA] =	sst s9;
	s0 =	simm.s32 @!p0 $0x0  }
0x12: {  	s1 =	sld [smem:$0x3F90];
	s0 =	simm.s32 @p0 $0x1  }
0x13: {  	[smem:$0x3FAB] =	sst s0;
	s0 =	simm.s32 @!p1 $0x0  }
0x14: {  	s2 =	sld [smem:$0x3F8F];
	s0 =	simm.s32 @p1 $0x1  }
0x15: {  	[smem:$0x3FAC] =	sst s0;
	s0 =	simm.s32 @!p2 $0x0  }
0x16: {  	s3 =	sld [smem:$0x3FDB];
	s0 =	simm.s32 @p2 $0x1  }
0x17: {  	s4 =	simm.s32 $0x1BF5;
	[smem:$0x3FAE] =	sst s0  }
0x18: {  	s0 =	sld [smem:$0x3F91];
	_ =	swait.ge [sflag:s4], $0x0  }
0x19: {  	s7 =	sld [smem:$0x3F92]  }
0x1a: {  	s8 =	sadd.s32 $0xFFFFE003, lr  }
0x1b: {  	s9 =	sadd.s32 $0xFFFFFEF7, lr;
	s5 =	simm.s32 $0xFFFFFFFF;
	p2 =	slt.u32 s8, $0xFFFFF086  }
0x1c: {  	p1 =	slt.u32 s9, $0xF7A;
	s5 =	simm.s32 @!p2 $0x0  }
0x1d: {  	s5 =	simm.s32 @p1 $0x1;
	p0 =	seq.s32 s7, s2  }
0x1e: {  	s7 =	smul.u32 @!p0 $0xF7A, s2;
	p2 =	seq.s32 @!p0 s5, $0x0  }
0x1f: {  	s9 =	smul.u32 $0xF7A, s1;
	s8 =	simm.s32 @!p0 $0x1BF5;
	p2 =	por !p2, p0  }
0x20: {  	[sflag:s8] =	ssyncset.s32 @!p0 $0xFFFFF086;
	s6 =	sadd.s32 @!p0 s3, s7;
	s7 =	simm.s32 @!p0 $0x108  }
0x21: {  	s3 =	sadd.s32 s3, s9;
	s6 =	sadd.s32 @!p0 $0x88, s6;
	s7 =	simm.s32 @p2 $0x1082  }
0x22: {  	[simem:s7], [sflag:s8] =	dma.local @!p0 [hbm:s6], $0xF7A  }
0x23: {  	s9 =	sor.u32 $0xD0000000, s2;
	s6 =	simm.s32 $0x108;
	_ =	swait.ge @!p0 [sflag:s8], $0x0  }
0x24: {  	s3 =	sadd.s32 $0x88, s3;
	s6 =	simm.s32 @!p1 $0x1082;
	[sflag:s4] =	ssyncset.s32 $0xFFFFF086  }
0x25: {  	[simem:s6], [sflag:s4] =	dma.local [hbm:s3], $0xF7A  }
0x26: {  	[smem:$0x3F92] =	sst s1;
	(tag) =	ssettag s2;
	_ =	strace s9  }
0x27: {  	s1 =	sld [smem:$0x3FA2]  }
0x28: {  	s2 =	sld [smem:$0x3FA3]  }
0x29: {  	s4 =	sld [smem:$0x3FA5]  }
0x2a: {  	p0 =	seq.s32 s5, $0x0;
	s5 =	sld [smem:$0x3FA6]  }
0x2b: {  	s6 =	sld [smem:$0x3FA7]  }
0x2c: {  	s7 =	sld [smem:$0x3FA8]  }
0x2d: {  	s3 =	simm.s32 $0x108;
	s8 =	sld [smem:$0x3FA9]  }
0x2e: {  	s3 =	simm.s32 @!p0 $0x1082;
	s9 =	sld [smem:$0x3FAA]  }
0x2f: {  	lr =	sadd.s32 s0, s3;
	s0 =	sld [smem:$0x3FA1]  }
0x30: {  	s3 =	sld [smem:$0x3FA4]  }
0x31: {  	[smem:$0x3FAD] =	sst s10  }
0x32: {  	s10 =	sld [smem:$0x3FAB];
	_ =	sdelay $0x3  }
0x33: {  	p0 =	seq.s32 s10, $0x1;
	s10 =	sld [smem:$0x3FAD];
	_ =	sdelay $0x3  }
0x34: {  	[smem:$0x3FAD] =	sst s10  }
0x35: {  	s10 =	sld [smem:$0x3FAC];
	_ =	sdelay $0x3  }
0x36: {  	p1 =	seq.s32 s10, $0x1;
	s10 =	sld [smem:$0x3FAD];
	_ =	sdelay $0x3  }
0x37: {  	[smem:$0x3FAD] =	sst s10  }
0x38: {  	s10 =	sld [smem:$0x3FAE]  }
0x39: {  	_ = 	snop;
	(pc) =	sbr.ind lr, $3  }
0x3a: {  	_ = 	snop  }
0x3b: {  	_ = 	snop  }
0x3c: {  	p2 =	seq.s32 s10, $0x1;
	s10 =	sld [smem:$0x3FAD]  }
0x3d: {  	_ =	shalt  }
0x3e: {  	_ =	shalt  }
0x3f: {  	_ =	shalt  }
0x40: {  	_ =	shalt  }
0x41: {  	_ =	shalt  }
0x42: {  	_ =	shalt  }
0x43: {  	_ =	shalt  }
0x44: {  	_ =	shalt  }
0x45: {  	_ =	shalt  }
0x46: {  	_ =	shalt  }
0x47: {  	_ =	shalt  }
0x48: {  	_ =	shalt  }
0x49: {  	_ =	shalt  }
0x4a: {  	_ =	shalt  }
0x4b: {  	_ =	shalt  }
0x4c: {  	_ =	shalt  }
0x4d: {  	_ =	shalt  }
0x4e: {  	_ =	shalt  }
0x4f: {  	_ =	shalt  }
0x50: {  	_ =	shalt  }
0x51: {  	_ =	shalt  }
0x52: {  	_ =	shalt  }
0x53: {  	_ =	shalt  }
0x54: {  	_ =	shalt  }
0x55: {  	_ =	shalt  }
0x56: {  	_ =	shalt  }
0x57: {  	_ =	shalt  }
0x58: {  	_ =	shalt  }
0x59: {  	_ =	shalt  }
0x5a: {  	_ =	shalt  }
0x5b: {  	_ =	shalt  }
0x5c: {  	_ =	shalt  }
0x5d: {  	_ =	shalt  }
0x5e: {  	_ =	shalt  }
0x5f: {  	_ =	shalt  }
0x60: {  	_ =	shalt  }
0x61: {  	_ =	shalt  }
0x62: {  	_ =	shalt  }
0x63: {  	_ =	shalt  }
0x64: {  	_ =	shalt  }
0x65: {  	_ =	shalt  }
0x66: {  	_ =	shalt  }
0x67: {  	_ =	shalt  }
0x68: {  	_ =	shalt  }
0x69: {  	_ =	shalt  }
0x6a: {  	_ =	shalt  }
0x6b: {  	_ =	shalt  }
0x6c: {  	_ =	shalt  }
0x6d: {  	_ =	shalt  }
0x6e: {  	_ =	shalt  }
0x6f: {  	_ =	shalt  }
0x70: {  	_ =	shalt  }
0x71: {  	_ =	shalt  }
0x72: {  	_ =	shalt  }
0x73: {  	_ =	shalt  }
0x74: {  	_ =	shalt  }
0x75: {  	_ =	shalt  }
0x76: {  	_ =	shalt  }
0x77: {  	_ =	shalt  }
0x78: {  	_ =	shalt  }
0x79: {  	_ =	shalt  }
0x7a: {  	_ =	shalt  }
0x7b: {  	_ =	shalt  }
0x7c: {  	_ =	shalt  }
0x7d: {  	_ =	shalt  }
0x7e: {  	_ =	shalt  }
0x7f: {  	_ =	shalt  }
0x80: {  	_ =	shalt  }
0x81: {  	_ =	shalt  }
0x82: {  	_ =	shalt  }
0x83: {  	_ =	shalt  }
0x84: {  	_ =	shalt  }
0x85: {  	_ =	shalt  }
0x86: {  	_ =	shalt  }
0x87: {  	_ =	shalt  }
.Lfunc_end0:
.L_simem_size_0:
called_computation.1_lowered:
.L_overlay_start_0:
0x88: {  	s2 =	sld [smem:$0x3FD9]  }
0x89: {  	s3 =	sld [smem:$0x3FFE];
	_ =	sdelay $0x1  }
0x8a: {  	s1 =	srdreg.scid  }
0x8b: {  	s0 =	sand.u32 $0x1, s1  }
0x8c: {  	s17 =	sshll.u32 s0, $0xA;
	s2 =	sadd.s32 s3, s2  }
0x8d: {  	s2 =	sadd.s32 s2, s17  }
0x8e: {  	[smem:$0x3FB9] =	sst s2  }
0x8f: {  	_ = 	snop  }
0x90: {  	s2 =	sld [smem:$0x3FD0];
	(tm) =	ssettm $0x1  }
0x91: {  	s18 =	sld [smem:$0x3FFB];
	_ =	sdelay $0x3  }
0x92: {  	_ =	strace s18  }
0x93: {  	s3 =	sld [smem:$0x3FFC];
	_ =	sdelay $0x3  }
0x94: {  	_ =	strace s3  }
0x95: {  	s3 =	sld [smem:$0x3FFD];
	_ =	sdelay $0x3  }
0x96: {  	_ =	strace s3  }
0x97: {  	_ =	strace $0x8FFFFFFF  }
0x98: {  	s19 =	sld [smem:$0x3FDB];
	_ =	sdelay $0x1  }
0x99: {  	s4 =	simm.s32 $_scs_section_size  }
0x9a: {  	s5 =	simm.s32 $_size__tile_overlayer_lowered;
	s6 =	simm.s32 $_tile_overlayer_lowered  }
0x9b: {  	s22 =	simm.s32 $0x1BFF;
	s21 =	sshll.u32 s6, $0x1;
	s3 =	sadd.s32 s4, s19  }
0x9c: {  	s7 =	simm.s32 $0x0;
	s20 =	sshll.u32 s5, $0x1;
	s5 =	sadd.s32 s21, s3  }
0x9d: {  	[timem:s7], [sflag:s22] =	dma.local [hbm:s5], s20  }
0x9e: {  	_ =	swait.ge [sflag:s22], s20  }
0x9f: {  	s4 =	ssub.s32 $0x0, s20;
	[sflag:s22] =	ssyncset.done $0x0  }
0xa0: {  	[sflag:s22] =	ssyncadd.s32 s4;
	_ =	sdelay $0x1  }
0xa1: {  	s23 =	simm.s32 $0x1B8B  }
0xa2: {  	_ =	swait.ge [sflag:s23], $0x1  }
0xa3: {  	[sflag:s23] =	ssyncset.done $0x0  }
0xa4: {  	s25 =	simm.s32 $0x1B8E;
	s24 =	sld [smem:$0x3FFE];
	[sflag:s23] =	ssyncadd.s32 $0xFFFFFFFF  }
0xa5: {  	s26 =	simm.s32 $execute0_lowered;
	[smem:$0x3FD2] =	sst s25  }
0xa6: {  	s5 =	sshll.u32 s26, $0x1;
	_ =	strace $0x80000046;
	[dreg:$0x1] =	wrdreg $0xFFFFFFFF  }
0xa7: {  	s28 =	simm.s32 $_size_execute0_lowered;
	s3 =	sadd.s32 s3, s5;
	[dreg:$0x0] =	wrdreg $0x0  }
0xa8: {  	s5 =	sshll.u32 s28, $0x1;
	[dreg:$0x2] =	wrdreg s3  }
0xa9: {  	[dreg:$0x3] =	wrdreg s5  }
0xaa: {  	[dreg:$0x4] =	wrdreg $0xC0  }
0xab: {  	_ =	task [dreg:s7], $0x5FFFF  }
0xac: {  	[dreg:$0x1] =	wrdreg $0xFFFFFFFF  }
0xad: {  	[dreg:$0x0] =	wrdreg $0x60  }
0xae: {  	[dreg:$0x2] =	wrdreg s2  }
0xaf: {  	[dreg:$0x3] =	wrdreg s24  }
0xb0: {  	[dreg:$0x4] =	wrdreg $0x0  }
0xb1: {  	[dreg:$0x5] =	wrdreg $0xA  }
0xb2: {  	_ =	task.clear_ibuf [dreg:s7], $0x6FFFF;
	_ =	strace $0x90000046  }
0xb3: {  	s29 =	simm.s32 $0xA;
	_ =	strace $0x80000048  }
0xb4: {  	_ =	swait.ge [sflag:s29], $0x1  }
0xb5: {  	[sflag:s29] =	ssyncadd.s32 $0xFFFFFFFF  }
0xb6: {  	_ =	strace $0x90000048  }
0xb7: {  	_ =	sfence  }
0xb8: {  	s30 =	sld [smem:$0x0];
	_ =	sdelay $0x2  }
0xb9: {  	s31 =	sshll.u32 s1, $0xD;
	s1 =	sshrl.u32 s1, $0x2  }
0xba: {  	s3 =	sand.u32 $0x4000, s31;
	s1 =	sadd.s32 s1, s30  }
0xbb: {  	s0 =	sor.u32 s3, s0;
	s1 =	sshll.u32 s1, $0x11  }
0xbc: {  	s0 =	sor.u32 s1, s0  }
0xbd: {  	s0 =	sadd.s32 $0x8F2B, s0  }
0xbe: {  	[sflag:s0] =	ssyncadd.remote.s32 $0x1  }
0xbf: {  	_ =	sfence.sel $0xFFFF  }
0xc0: {  	[dreg:$0x0] =	wrdreg $0xFFFFFFFF;
	(pc) =	sbr.abs _section_cstart, $3  }
0xc1: {  	[dreg:$0x1] =	wrdreg $0xFFFFFFFF  }
0xc2: {  	_ =	task.clear_ibuf [dreg:s7], $0x2FFFF;
	_ =	strace $0x9FFFFFFF  }
0xc3: {  	(tm) =	ssettm $0x7FFFFFFF  }
tec
execute0_lowered:
.L_overlay_start_1:
0x0: {  	(tag) =	ssettag $0x1  }
0x1: {  	s1 =	rddreg [dreg:$0x0];
	s0 =	srdreg.scid  }
0x2: {  	s10 =	stileid.u32;
	s2 =	rddreg [dreg:$0x1]  }
0x3: {  	s4 =	rddreg [dreg:$0x2];
	s3 =	smul.u32 $0x2C00, s10  }
0x4: {  	s5 =	simm.s32 $0x0;
	s28 =	simm.s32 $0x5;
	s8 =	smul.u32 $0x13C00, s10  }
0x5: {  	s29 =	simm.s32 $0x1;
	s0 =	sand.u32 $0x1, s0;
	s18 =	smul.u32 $0x4F000, s10  }
0x6: {  	s30 =	simm.s32 $0x6;
	s31 =	simm.s32 $0x2;
	s6 =	smul.u32 $0x2C000, s0  }
0x7: {  	[smem:$0x7FF] =	sst s5;
	s19 =	sadd.s32 $0x13600, s2;
	s7 =	smul.u32 $0x13C000, s0  }
0x8: {  	_ =	strace $0x80000047;
	[dreg:$0x4] =	wrdreg s19;
	s0 =	ssub.s32 $0x2, s0  }
0x9: {  	s19 =	simm.s32 $0x16A00;
	s20 =	sshrl.u32 s0, $0x1;
	s6 =	sadd.s32 s3, s6  }
0xa: {  	s7 =	sadd.s32 s8, s7;
	s8 =	sshrl.u32 s18, $0x2;
	s0 =	ssub.s32 s0, s20  }
0xb: {  	s18 =	simm.s32 $0x7;
	s20 =	simm.s32 $0x78;
	s0 =	smax.u32 s0, $0x1  }
0xc: {  	s6 =	sshrl.u32 s6, $0x3;
	s8 =	sadd.s32 s8, s4;
	[dreg:$0xd] =	wrdreg s0  }
0xd: {  	s7 =	sshrl.u32 s7, $0x3;
	s22 =	sadd.s32 $0x3C00, s8;
	[dreg:$0x6] =	wrdreg s8  }
0xe: {  	s9 =	sadd.s32 s6, s2;
	s23 =	sadd.s32 $0x7800, s8;
	[dreg:$0x7] =	wrdreg s22  }
0xf: {  	s6 =	sadd.s32 $0x2E00, s2;
	s24 =	sadd.s32 $0xB400, s8;
	[dreg:$0x8] =	wrdreg s23  }
0x10: {  	s2 =	sadd.s32 s7, s2;
	s25 =	sadd.s32 $0xF000, s8;
	[dreg:$0x9] =	wrdreg s24  }
0x11: {  	s26 =	sadd.s32 $0x12C00, s8;
	s7 =	simm.s32 $0x0;
	[dreg:$0xa] =	wrdreg s25  }
0x12: {  	s21 =	sadd.s32 $0x8600, s9;
	[dreg:$0xb] =	wrdreg s26;
	s2 =	sadd.s32 $0x13E00, s2  }
0x13: {  	s22 =	simm.s32 $0x1A600;
	s23 =	simm.s32 $0x16800;
	s24 =	simm.s32 $0x16880  }
0x14: {  	s25 =	simm.s32 $0x16900;
	s26 =	simm.s32 $0x16980;
	[dreg:$0x5] =	wrdreg s21  }
0x15: {  	[dreg:$0xc] =	wrdreg s2;
	s2 =	simm.s32 $0x3;
	s21 =	simm.s32 $0x4  }
.LBB2_1:
0x16: {  	[dreg:$0xe] =	wrdreg s7  }
0x17: {  	s0 =	rddreg [dreg:$0x5];
	s13 =	simm.s32 $0x13C00  }
0x18: {  	[tilespmem:s13], [sflag:$0x7] =	stream.linear.gather [hbm4b:s0+s5], $0x2A00, $0x38;
	[tilespmem:$0x1E200] =	vst v63  }
0x19: {  	_ =	swait.ge [sflag:s18], $0x2A00  }
0x1a: {  	[sflag:s18] =	ssyncset.done $0x0  }
0x1b: {  	s14 =	rddreg [dreg:$0x4];
	[sflag:s18] =	ssyncadd.s32 $0xFFFFD600  }
0x1c: {  	[tilespmem:s19], [sflag:$0x7] =	stream.linear.gather [hbm4b:s14+s5], $0x3C00, $0x38;
	[tilespmem:$0x1E200] =	vst v63  }
0x1d: {  	_ =	swait.ge [sflag:s18], $0x3C00  }
0x1e: {  	[sflag:s18] =	ssyncset.done $0x0  }
0x1f: {  	[sflag:s18] =	ssyncadd.s32 $0xFFFFC400  }
0x20: {  	[spmem:s8] =	stream.linear.scatter [tilespmem:s19], [sflag:$0x7], $0x3C00, $0x38;
	[tilespmem:$0x1E200] =	vst v63  }
0x21: {  	_ =	swait.ge [sflag:s18], $0x3C00  }
0x22: {  	[sflag:s18] =	ssyncset.done $0x0  }
0x23: {  	s15 =	rddreg [dreg:$0x7];
	[sflag:s18] =	ssyncadd.s32 $0xFFFFC400  }
0x24: {  	[spmem:s15] =	stream.linear.scatter [tilespmem:s19], [sflag:$0x7], $0x3C00, $0x38;
	[tilespmem:$0x1E200] =	vst v63  }
0x25: {  	_ =	swait.ge [sflag:s18], $0x3C00  }
0x26: {  	[sflag:s18] =	ssyncset.done $0x0  }
0x27: {  	s16 =	rddreg [dreg:$0x8];
	[sflag:s18] =	ssyncadd.s32 $0xFFFFC400  }
0x28: {  	[spmem:s16] =	stream.linear.scatter [tilespmem:s19], [sflag:$0x7], $0x3C00, $0x38;
	[tilespmem:$0x1E200] =	vst v63  }
0x29: {  	_ =	swait.ge [sflag:s18], $0x3C00  }
0x2a: {  	[sflag:s18] =	ssyncset.done $0x0  }
0x2b: {  	s17 =	rddreg [dreg:$0x9];
	[sflag:s18] =	ssyncadd.s32 $0xFFFFC400  }
0x2c: {  	[spmem:s17] =	stream.linear.scatter [tilespmem:s19], [sflag:$0x7], $0x3C00, $0x38;
	[tilespmem:$0x1E200] =	vst v63  }
0x2d: {  	_ =	swait.ge [sflag:s18], $0x3C00  }
0x2e: {  	[sflag:s18] =	ssyncset.done $0x0  }
0x2f: {  	s8 =	rddreg [dreg:$0xa];
	[sflag:s18] =	ssyncadd.s32 $0xFFFFC400  }
0x30: {  	[spmem:s8] =	stream.linear.scatter [tilespmem:s19], [sflag:$0x7], $0x3C00, $0x38;
	[tilespmem:$0x1E200] =	vst v63  }
0x31: {  	_ =	swait.ge [sflag:s18], $0x3C00  }
0x32: {  	[sflag:s18] =	ssyncset.done $0x0  }
0x33: {  	s9 =	rddreg [dreg:$0xb];
	[sflag:s18] =	ssyncadd.s32 $0xFFFFC400  }
0x34: {  	[spmem:s9] =	stream.linear.scatter [tilespmem:s19], [sflag:$0x7], $0x1000, $0x38;
	[tilespmem:$0x1E200] =	vst v63  }
0x35: {  	_ =	swait.ge [sflag:s18], $0x1000  }
0x36: {  	[sflag:s18] =	ssyncset.done $0x0  }
0x37: {  	s11 =	sand.u32 $0x3C00, s5;
	[sflag:s18] =	ssyncadd.s32 $0xFFFFF000  }
0x38: {  	s12 =	sand.u32 $0x200, s5;
	s7 =	sadd.s32 s3, s11;
	[bflag:$0x0] =	sbarrier.arrive $0xFFFF  }
0x39: {  	[tilespmem:s19], [sflag:$0x5] =	stream.indirect.gather [hbm4b:s1+s20], $0x80, s13, s20, $0xb8;
	[tilespmem:$0x1E200] =	vst v63  }
0x3a: {  	s10 =	simm.s32 $0x13C80;
	s8 =	sor.u32 s12, s7  }
0x3b: {  	[tilespmem:s22], [sflag:$0x6] =	stream.indirect.gather [hbm4b:s1+s20], $0x80, s10, s20, $0xb8;
	[tilespmem:$0x1E200] =	vst v63  }
0x3c: {  	s8 =	sshrl.u32 s8, $0x3;
	s10 =	simm.s32 $0x100  }
0x3d: {  	s11 =	simm.s32 $0x180;
	s8 =	sadd.s32 s6, s8;
	s10 =	sand.u32 $0x300, s10  }
0x3e: {  	[tilespmem:s23], [sflag:$0x1] =	stream.linear.gather [hbm4b:s8+s5], $0x80, $0x38;
	[tilespmem:$0x1E200] =	vst v63  }
0x3f: {  	s11 =	sand.u32 $0x380, s11;
	s10 =	sor.u32 s7, s10  }
0x40: {  	s8 =	sadd.s32 $0x10, s8;
	s7 =	sor.u32 s7, s11;
	s13 =	sshrl.u32 s10, $0x3  }
0x41: {  	[tilespmem:s24], [sflag:$0x2] =	stream.linear.gather [hbm4b:s8+s5], $0x80, $0x38;
	[tilespmem:$0x1E200] =	vst v63  }
0x42: {  	s7 =	sshrl.u32 s7, $0x3;
	s8 =	sadd.s32 s6, s13  }
0x43: {  	[tilespmem:s25], [sflag:$0x3] =	stream.linear.gather [hbm4b:s8+s5], $0x80, $0x38;
	[tilespmem:$0x1E200] =	vst v63  }
0x44: {  	s7 =	sadd.s32 s6, s7  }
0x45: {  	[tilespmem:s26], [sflag:$0x4] =	stream.linear.gather [hbm4b:s7+s5], $0x80, $0x38;
	[tilespmem:$0x1E200] =	vst v63  }
0x46: {  	_ =	swait.ge [sflag:s28], $0x3C00  }
0x47: {  	[sflag:s28] =	ssyncset.done $0x0  }
0x48: {  	[sflag:s28] =	ssyncadd.s32 $0xFFFFC400  }
0x49: {  	_ =	swait.ge [sflag:s29], $0x80  }
0x4a: {  	[sflag:s29] =	ssyncset.done $0x0  }
0x4b: {  	[sflag:s29] =	ssyncadd.s32 $0xFFFFFF80  }
0x4c: {  	[spmem:s4] =	stream.indirect.scatter.add.f32 [tilespmem:s19], [sflag:$0x7], $0x80, s23, s20, $0xb8;
	[tilespmem:$0x1E200] =	vst v63  }
0x4d: {  	_ =	swait.ge [sflag:s18], $0x3C00  }
0x4e: {  	[sflag:s18] =	ssyncset.done $0x0  }
0x4f: {  	s14 =	simm.s32 $0x13D00;
	[sflag:s18] =	ssyncadd.s32 $0xFFFFC400  }
0x50: {  	[tilespmem:s19], [sflag:$0x5] =	stream.indirect.gather [hbm4b:s1+s20], $0x80, s14, s20, $0xb8;
	[tilespmem:$0x1E200] =	vst v63  }
0x51: {  	s17 =	simm.s32 $0x8;
	_ =	swait.ge [sflag:s30], $0x3C00  }
0x52: {  	s11 =	simm.s32 $0x0;
	s10 =	simm.s32 $0x200;
	[sflag:s30] =	ssyncset.done $0x0  }
0x53: {  	s15 =	sand.u32 $0x3C00, s10;
	s16 =	sand.u32 $0x200, s10;
	[sflag:s30] =	ssyncadd.s32 $0xFFFFC400  }
0x54: {  	s13 =	simm.s32 $0x13D80;
	s12 =	sadd.s32 s3, s15;
	_ =	swait.ge [sflag:s31], $0x80  }
0x55: {  	s8 =	simm.s32 $0x13D80;
	s15 =	sor.u32 s16, s12;
	[sflag:s31] =	ssyncset.done $0x0  }
0x56: {  	s7 =	simm.s32 $0x4;
	s14 =	simm.s32 $0x380;
	[sflag:s31] =	ssyncadd.s32 $0xFFFFFF80  }
0x57: {  	[spmem:s4] =	stream.indirect.scatter.add.f32 [tilespmem:s22], [sflag:$0x7], $0x80, s24, s20, $0xb8;
	[tilespmem:$0x1E200] =	vst v63  }
.LBB2_2:
0x58: {  	s16 =	sadd.s32 $0x100, s10  }
0x59: {  	_ =	swait.ge [sflag:s18], $0x3C00;
	s8 =	sadd.s32 $0x200, s8;
	s9 =	smov.u32 s17  }
0x5a: {  	p0 =	sne.s32 s17, $0x50;
	s16 =	sand.u32 $0x300, s16;
	[sflag:s18] =	ssyncset.done $0x0  }
0x5b: {  	s17 =	sadd.s32 $0x4, s17;
	s16 =	sor.u32 s12, s16;
	[sflag:s18] =	ssyncadd.s32 $0xFFFFC400  }
0x5c: {  	[tilespmem:s22], [sflag:$0x6] =	stream.indirect.gather [hbm4b:s1+s20], $0x80, s13, s20, $0xb8;
	[tilespmem:$0x1E200] =	vst v63  }
0x5d: {  	s16 =	sshrl.u32 s16, $0x3;
	s13 =	smov.u32 s8;
	_ =	swait.ge [sflag:s28], $0x3C00  }
0x5e: {  	[sflag:s28] =	ssyncset.done $0x0  }
0x5f: {  	[sflag:s28] =	ssyncadd.s32 $0xFFFFC400  }
0x60: {  	_ =	swait.ge [sflag:s2], $0x80  }
0x61: {  	[sflag:s2] =	ssyncset.done $0x0  }
0x62: {  	[sflag:s2] =	ssyncadd.s32 $0xFFFFFF80  }
0x63: {  	[spmem:s4] =	stream.indirect.scatter.add.f32 [tilespmem:s19], [sflag:$0x7], $0x80, s25, s20, $0xb8;
	[tilespmem:$0x1E200] =	vst v63  }
0x64: {  	s0 =	smin.u32 s11, $0x4E;
	s11 =	smov.u32 s7;
	_ =	swait.ge [sflag:s18], $0x3C00  }
0x65: {  	s0 =	sshll.u32 s0, $0x7;
	s7 =	smov.u32 s9;
	[sflag:s18] =	ssyncset.done $0x0  }
0x66: {  	s9 =	sadd.s32 $0x13E00, s0;
	[sflag:s18] =	ssyncadd.s32 $0xFFFFC400  }
0x67: {  	[tilespmem:s19], [sflag:$0x5] =	stream.indirect.gather [hbm4b:s1+s20], $0x80, s9, s20, $0xb8;
	[tilespmem:$0x1E200] =	vst v63  }
0x68: {  	_ =	swait.ge [sflag:s30], $0x3C00  }
0x69: {  	[sflag:s30] =	ssyncset.done $0x0  }
0x6a: {  	[sflag:s30] =	ssyncadd.s32 $0xFFFFC400  }
0x6b: {  	_ =	swait.ge [sflag:s21], $0x80  }
0x6c: {  	[sflag:s21] =	ssyncset.done $0x0  }
0x6d: {  	[sflag:s21] =	ssyncadd.s32 $0xFFFFFF80  }
0x6e: {  	[spmem:s4] =	stream.indirect.scatter.add.f32 [tilespmem:s22], [sflag:$0x7], $0x80, s26, s20, $0xb8;
	[tilespmem:$0x1E200] =	vst v63  }
0x6f: {  	_ =	swait.ge [sflag:s18], $0x3C00  }
0x70: {  	s9 =	sshrl.u32 s15, $0x3;
	[sflag:s18] =	ssyncset.done $0x0  }
0x71: {  	s0 =	sadd.s32 $0x13E80, s0;
	s9 =	sadd.s32 s6, s9;
	[sflag:s18] =	ssyncadd.s32 $0xFFFFC400  }
0x72: {  	[tilespmem:s22], [sflag:$0x6] =	stream.indirect.gather [hbm4b:s1+s20], $0x80, s0, s20, $0xb8;
	[tilespmem:$0x1E200] =	vst v63  }
0x73: {  	_ = 	snop  }
0x74: {  	[tilespmem:s23], [sflag:$0x1] =	stream.linear.gather [hbm4b:s9+s5], $0x80, $0x38;
	[tilespmem:$0x1E200] =	vst v63  }
0x75: {  	s0 =	sadd.s32 $0x10, s9;
	s9 =	sand.u32 $0x380, s14  }
0x76: {  	[tilespmem:s24], [sflag:$0x2] =	stream.linear.gather [hbm4b:s0+s5], $0x80, $0x38;
	[tilespmem:$0x1E200] =	vst v63  }
0x77: {  	s0 =	sor.u32 s12, s9  }
0x78: {  	s9 =	sadd.s32 s6, s16;
	s0 =	sshrl.u32 s0, $0x3  }
0x79: {  	[tilespmem:s25], [sflag:$0x3] =	stream.linear.gather [hbm4b:s9+s5], $0x80, $0x38;
	[tilespmem:$0x1E200] =	vst v63  }
0x7a: {  	s0 =	sadd.s32 s6, s0  }
0x7b: {  	[tilespmem:s26], [sflag:$0x4] =	stream.linear.gather [hbm4b:s0+s5], $0x80, $0x38;
	[tilespmem:$0x1E200] =	vst v63  }
0x7c: {  	_ =	swait.ge [sflag:s28], $0x3C00  }
0x7d: {  	[sflag:s28] =	ssyncset.done $0x0  }
0x7e: {  	[sflag:s28] =	ssyncadd.s32 $0xFFFFC400  }
0x7f: {  	_ =	swait.ge [sflag:s29], $0x80  }
0x80: {  	[sflag:s29] =	ssyncset.done $0x0  }
0x81: {  	[sflag:s29] =	ssyncadd.s32 $0xFFFFFF80  }
0x82: {  	[spmem:s4] =	stream.indirect.scatter.add.f32 [tilespmem:s19], [sflag:$0x7], $0x80, s23, s20, $0xb8;
	[tilespmem:$0x1E200] =	vst v63  }
0x83: {  	_ =	swait.ge [sflag:s18], $0x3C00  }
0x84: {  	[sflag:s18] =	ssyncset.done $0x0  }
0x85: {  	s0 =	sadd.s32 $0xFFFFFF80, s8;
	[sflag:s18] =	ssyncadd.s32 $0xFFFFC400  }
0x86: {  	[tilespmem:s19], [sflag:$0x5] =	stream.indirect.gather [hbm4b:s1+s20], $0x80, s0, s20, $0xb8;
	[tilespmem:$0x1E200] =	vst v63  }
0x87: {  	s10 =	sadd.s32 $0x200, s10;
	_ =	swait.ge [sflag:s30], $0x3C00  }
0x88: {  	s14 =	sadd.s32 $0x180, s10;
	[sflag:s30] =	ssyncset.done $0x0  }
.Ltmp0:
0x89: {  	s0 =	sand.u32 $0x3C00, s10;
	[sflag:s30] =	ssyncadd.s32 $0xFFFFC400;
	(pc) =	sbr.rel @p0 .LBB2_2-.Ltmp0, $4  }
0x8a: {  	s12 =	sadd.s32 s3, s0;
	s0 =	sand.u32 $0x200, s10;
	_ =	swait.ge [sflag:s31], $0x80  }
0x8b: {  	[sflag:s31] =	ssyncset.done $0x0  }
0x8c: {  	s15 =	sor.u32 s0, s12;
	[sflag:s31] =	ssyncadd.s32 $0xFFFFFF80  }
0x8d: {  	[spmem:s4] =	stream.indirect.scatter.add.f32 [tilespmem:s22], [sflag:$0x7], $0x80, s24, s20, $0xb8;
	[tilespmem:$0x1E200] =	vst v63  }
0x8e: {  	_ =	swait.ge [sflag:s18], $0x3C00  }
0x8f: {  	[sflag:s18] =	ssyncset.done $0x0  }
0x90: {  	[sflag:s18] =	ssyncadd.s32 $0xFFFFC400  }
0x91: {  	[tilespmem:s22], [sflag:$0x6] =	stream.indirect.gather [hbm4b:s1+s20], $0x80, s13, s20, $0xb8;
	[tilespmem:$0x1E200] =	vst v63  }
0x92: {  	_ =	swait.ge [sflag:s28], $0x3C00  }
0x93: {  	[sflag:s28] =	ssyncset.done $0x0  }
0x94: {  	[sflag:s28] =	ssyncadd.s32 $0xFFFFC400  }
0x95: {  	_ =	swait.ge [sflag:s2], $0x80  }
0x96: {  	[sflag:s2] =	ssyncset.done $0x0  }
0x97: {  	[sflag:s2] =	ssyncadd.s32 $0xFFFFFF80  }
0x98: {  	[spmem:s4] =	stream.indirect.scatter.add.f32 [tilespmem:s19], [sflag:$0x7], $0x80, s25, s20, $0xb8;
	[tilespmem:$0x1E200] =	vst v63  }
0x99: {  	s0 =	smin.u32 s11, $0x4E;
	_ =	swait.ge [sflag:s18], $0x3C00  }
0x9a: {  	s0 =	sshll.u32 s0, $0x7;
	[sflag:s18] =	ssyncset.done $0x0  }
0x9b: {  	s9 =	sadd.s32 $0x13E00, s0;
	[sflag:s18] =	ssyncadd.s32 $0xFFFFC400  }
0x9c: {  	[tilespmem:s19], [sflag:$0x5] =	stream.indirect.gather [hbm4b:s1+s20], $0x80, s9, s20, $0xb8;
	[tilespmem:$0x1E200] =	vst v63  }
0x9d: {  	_ =	swait.ge [sflag:s30], $0x3C00  }
0x9e: {  	[sflag:s30] =	ssyncset.done $0x0  }
0x9f: {  	[sflag:s30] =	ssyncadd.s32 $0xFFFFC400  }
0xa0: {  	_ =	swait.ge [sflag:s21], $0x80  }
0xa1: {  	[sflag:s21] =	ssyncset.done $0x0  }
0xa2: {  	[sflag:s21] =	ssyncadd.s32 $0xFFFFFF80  }
0xa3: {  	[spmem:s4] =	stream.indirect.scatter.add.f32 [tilespmem:s22], [sflag:$0x7], $0x80, s26, s20, $0xb8;
	[tilespmem:$0x1E200] =	vst v63  }
0xa4: {  	_ =	swait.ge [sflag:s18], $0x3C00  }
0xa5: {  	[sflag:s18] =	ssyncset.done $0x0  }
0xa6: {  	s15 =	sshrl.u32 s15, $0x3;
	s0 =	sadd.s32 $0x13E80, s0;
	[sflag:s18] =	ssyncadd.s32 $0xFFFFC400  }
0xa7: {  	[tilespmem:s22], [sflag:$0x6] =	stream.indirect.gather [hbm4b:s1+s20], $0x80, s0, s20, $0xb8;
	[tilespmem:$0x1E200] =	vst v63  }
0xa8: {  	s0 =	sadd.s32 s6, s15  }
0xa9: {  	[tilespmem:s23], [sflag:$0x1] =	stream.linear.gather [hbm4b:s0+s5], $0x80, $0x38;
	[tilespmem:$0x1E200] =	vst v63  }
0xaa: {  	s16 =	sadd.s32 $0x100, s10;
	s0 =	sadd.s32 $0x10, s0  }
0xab: {  	[tilespmem:s24], [sflag:$0x2] =	stream.linear.gather [hbm4b:s0+s5], $0x80, $0x38;
	[tilespmem:$0x1E200] =	vst v63  }
0xac: {  	s0 =	sand.u32 $0x300, s16  }
0xad: {  	s17 =	sand.u32 $0x380, s14;
	s0 =	sor.u32 s12, s0  }
0xae: {  	s9 =	sor.u32 s12, s17;
	s0 =	sshrl.u32 s0, $0x3  }
0xaf: {  	s9 =	sshrl.u32 s9, $0x3;
	s0 =	sadd.s32 s6, s0  }
0xb0: {  	[tilespmem:s25], [sflag:$0x3] =	stream.linear.gather [hbm4b:s0+s5], $0x80, $0x38;
	[tilespmem:$0x1E200] =	vst v63  }
0xb1: {  	s0 =	sadd.s32 s6, s9  }
0xb2: {  	[tilespmem:s26], [sflag:$0x4] =	stream.linear.gather [hbm4b:s0+s5], $0x80, $0x38;
	[tilespmem:$0x1E200] =	vst v63  }
0xb3: {  	_ =	swait.ge [sflag:s28], $0x3C00  }
0xb4: {  	[sflag:s28] =	ssyncset.done $0x0  }
0xb5: {  	[sflag:s28] =	ssyncadd.s32 $0xFFFFC400  }
0xb6: {  	_ =	swait.ge [sflag:s29], $0x80  }
0xb7: {  	[sflag:s29] =	ssyncset.done $0x0  }
0xb8: {  	[sflag:s29] =	ssyncadd.s32 $0xFFFFFF80  }
0xb9: {  	[spmem:s4] =	stream.indirect.scatter.add.f32 [tilespmem:s19], [sflag:$0x7], $0x80, s23, s20, $0xb8;
	[tilespmem:$0x1E200] =	vst v63  }
0xba: {  	_ =	swait.ge [sflag:s18], $0x3C00  }
0xbb: {  	s10 =	sadd.s32 $0x200, s8;
	[sflag:s18] =	ssyncset.done $0x0  }
0xbc: {  	s8 =	sadd.s32 $0xFFFFFF80, s10;
	[sflag:s18] =	ssyncadd.s32 $0xFFFFC400  }
0xbd: {  	[tilespmem:s19], [sflag:$0x5] =	stream.indirect.gather [hbm4b:s1+s20], $0x80, s8, s20, $0xb8;
	[tilespmem:$0x1E200] =	vst v63  }
0xbe: {  	_ =	swait.ge [sflag:s30], $0x3C00  }
0xbf: {  	[sflag:s30] =	ssyncset.done $0x0  }
0xc0: {  	[sflag:s30] =	ssyncadd.s32 $0xFFFFC400  }
0xc1: {  	_ =	swait.ge [sflag:s31], $0x80  }
0xc2: {  	[sflag:s31] =	ssyncset.done $0x0  }
0xc3: {  	[sflag:s31] =	ssyncadd.s32 $0xFFFFFF80  }
0xc4: {  	[spmem:s4] =	stream.indirect.scatter.add.f32 [tilespmem:s22], [sflag:$0x7], $0x80, s24, s20, $0xb8;
	[tilespmem:$0x1E200] =	vst v63  }
0xc5: {  	_ =	swait.ge [sflag:s18], $0x3C00  }
0xc6: {  	[sflag:s18] =	ssyncset.done $0x0  }
0xc7: {  	[sflag:s18] =	ssyncadd.s32 $0xFFFFC400  }
0xc8: {  	[tilespmem:s22], [sflag:$0x6] =	stream.indirect.gather [hbm4b:s1+s20], $0x80, s10, s20, $0xb8;
	[tilespmem:$0x1E200] =	vst v63  }
0xc9: {  	_ =	swait.ge [sflag:s28], $0x3C00  }
0xca: {  	[sflag:s28] =	ssyncset.done $0x0  }
0xcb: {  	[sflag:s28] =	ssyncadd.s32 $0xFFFFC400  }
0xcc: {  	_ =	swait.ge [sflag:s2], $0x80  }
0xcd: {  	[sflag:s2] =	ssyncset.done $0x0  }
0xce: {  	[sflag:s2] =	ssyncadd.s32 $0xFFFFFF80  }
0xcf: {  	[spmem:s4] =	stream.indirect.scatter.add.f32 [tilespmem:s19], [sflag:$0x7], $0x80, s25, s20, $0xb8;
	[tilespmem:$0x1E200] =	vst v63  }
0xd0: {  	s11 =	smin.u32 s7, $0x4E;
	_ =	swait.ge [sflag:s18], $0x3C00  }
0xd1: {  	s0 =	sshll.u32 s11, $0x7;
	[sflag:s18] =	ssyncset.done $0x0  }
0xd2: {  	s12 =	sadd.s32 $0x13E00, s0;
	[sflag:s18] =	ssyncadd.s32 $0xFFFFC400  }
0xd3: {  	[tilespmem:s19], [sflag:$0x5] =	stream.indirect.gather [hbm4b:s1+s20], $0x80, s12, s20, $0xb8;
	[tilespmem:$0x1E200] =	vst v63  }
0xd4: {  	_ =	swait.ge [sflag:s30], $0x3C00  }
0xd5: {  	[sflag:s30] =	ssyncset.done $0x0  }
0xd6: {  	[sflag:s30] =	ssyncadd.s32 $0xFFFFC400  }
0xd7: {  	_ =	swait.ge [sflag:s21], $0x80  }
0xd8: {  	[sflag:s21] =	ssyncset.done $0x0  }
0xd9: {  	[sflag:s21] =	ssyncadd.s32 $0xFFFFFF80  }
0xda: {  	[spmem:s4] =	stream.indirect.scatter.add.f32 [tilespmem:s22], [sflag:$0x7], $0x80, s26, s20, $0xb8;
	[tilespmem:$0x1E200] =	vst v63  }
0xdb: {  	_ =	swait.ge [sflag:s18], $0x3C00  }
0xdc: {  	[sflag:s18] =	ssyncset.done $0x0  }
0xdd: {  	s0 =	sadd.s32 $0x13E80, s0;
	[sflag:s18] =	ssyncadd.s32 $0xFFFFC400  }
0xde: {  	[tilespmem:s22], [sflag:$0x6] =	stream.indirect.gather [hbm4b:s1+s20], $0x80, s0, s20, $0xb8;
	[tilespmem:$0x1E200] =	vst v63  }
0xdf: {  	_ =	swait.ge [sflag:s28], $0x3C00  }
0xe0: {  	[sflag:s28] =	ssyncset.done $0x0  }
0xe1: {  	[sflag:s28] =	ssyncadd.s32 $0xFFFFC400  }
0xe2: {  	_ =	swait.ge [sflag:s30], $0x3C00  }
0xe3: {  	[sflag:s30] =	ssyncset.done $0x0  }
0xe4: {  	[sflag:s30] =	ssyncadd.s32 $0xFFFFC400  }
0xe5: {  	s13 =	stileid.u32;
	[bflag:$0x0] =	sbarrier.arrive $0xFFFF  }
0xe6: {  	s0 =	sshll.u32 s13, $0x6;
	s8 =	rddreg [dreg:$0x6]  }
0xe7: {  	s0 =	sor.u32 $0x1C07, s0;
	s15 =	rddreg [dreg:$0xc];
	s14 =	sshrl.u32 s8, $0x3  }
0xe8: {  	[hbm:s15], [sflag:s0] =	dma.local [spmem:s14], $0x2780  }
0xe9: {  	_ =	swait.ge [sflag:s18], $0x2780  }
0xea: {  	s16 =	rddreg [dreg:$0xe]  }
0xeb: {  	s17 =	rddreg [dreg:$0xd];
	s7 =	sadd.s32 $0x1, s16  }
0xec: {  	p0 =	sne.s32 s7, s17  }
.Ltmp1:
0xed: {  	_ = 	snop;
	(pc) =	sbr.rel @p0 .LBB2_1-.Ltmp1, $3  }
0xee: {  	_ =	sdelay $0x1  }
0xef: {  	[sflag:s18] =	ssyncset.done $0x0  }
0xf0: {  	[sflag:s18] =	ssyncadd.s32 $0xFFFFD880  }
0xf1: {  	_ =	sfence.sel $0x180000  }
0xf2: {  	[bflag:$0x0] =	sbarrier.arrive $0xFFFF  }
0xf3: {  	_ =	strace $0x90000047  }
0xf4: {  	s0 =	stileid.u32;
	[bflag:$0x2] =	sbarrier.arrive $0xFFFF  }
0xf5: {  	p0 =	sne.s32 s0, $0x0;
	s0 =	rddreg [dreg:$0x3]  }
0xf6: {  	s0 =	sadd.s32 @!p0 $0x100000, s0  }
0xf7: {  	[sflag:s0] =	ssyncadd.tile.s32 @!p0 $0x1;
	_ =	shalt  }
.Lfunc_end2:
_tile_overlayer_lowered:
.L_overlay_start_2:
0xf8: {  	(tag) =	ssettag $0x2  }
0xf9: {  	s0 =	rddreg [dreg:$0x0];
	s2 =	stileid.u32  }
0xfa: {  	s1 =	rddreg [dreg:$0x1];
	p0 =	sne.s32 s2, $0x0  }
0xfb: {  	s3 =	rddreg [dreg:$0x2];
	[bflag:$0x3] =	sbarrier.arrive $0xFFFF;
	s2 =	simm.s32 @!p0 $0x1C07  }
0xfc: {  	[timem:s3], [sflag:s2] =	dma.local @!p0 [hbm:s0], s1  }
0xfd: {  	s0 =	simm.s32 @!p0 $0x7  }
0xfe: {  	_ =	swait.ge @!p0 [sflag:s0], s1  }
0xff: {  	s1 =	ssub.s32 @!p0 $0x0, s1;
	[sflag:s0] =	ssyncset.done @!p0 $0x0  }
0x100: {  	[sflag:s0] =	ssyncadd.s32 @!p0 s1  }
0x101: {  	[bflag:$0x3] =	sbarrier.arrive $0xFFFF  }
0x102: {  	_ =	shalt  }

// kernel: kernel.15.cloned.1.call-start
scs
__scs_entry_jumppad:
0x0: {  	(pc) =	sbr.rel $0x88, $3  }
0x1: {  	(tag) =	ssettag $0x0;
	lr =	simm.s32 $0x1  }
0x2: {  	[smem:$0x3F92] =	sst lr;
	_ =	strace $0xD0000000  }
0x3: {  	_ = 	snop  }
0x4: {  	_ = 	snop  }
0x5: {  	_ = 	snop  }
0x6: {  	_ = 	snop  }
0x7: {  	_ = 	snop  }
__scs_overlays_trampoline_lowered:
0x8: {  	[smem:$0x3FA1] =	sst s0  }
0x9: {  	[smem:$0x3FA2] =	sst s1  }
0xa: {  	[smem:$0x3FA3] =	sst s2  }
0xb: {  	[smem:$0x3FA4] =	sst s3  }
0xc: {  	[smem:$0x3FA5] =	sst s4  }
0xd: {  	[smem:$0x3FA6] =	sst s5  }
0xe: {  	[smem:$0x3FA7] =	sst s6  }
0xf: {  	[smem:$0x3FA8] =	sst s7  }
0x10: {  	[smem:$0x3FA9] =	sst s8  }
0x11: {  	[smem:$0x3FAA] =	sst s9;
	s0 =	simm.s32 @!p0 $0x0  }
0x12: {  	s1 =	sld [smem:$0x3F90];
	s0 =	simm.s32 @p0 $0x1  }
0x13: {  	[smem:$0x3FAB] =	sst s0;
	s0 =	simm.s32 @!p1 $0x0  }
0x14: {  	s2 =	sld [smem:$0x3F8F];
	s0 =	simm.s32 @p1 $0x1  }
0x15: {  	[smem:$0x3FAC] =	sst s0;
	s0 =	simm.s32 @!p2 $0x0  }
0x16: {  	s3 =	sld [smem:$0x3FDB];
	s0 =	simm.s32 @p2 $0x1  }
0x17: {  	s4 =	simm.s32 $0x1BF5;
	[smem:$0x3FAE] =	sst s0  }
0x18: {  	s0 =	sld [smem:$0x3F91];
	_ =	swait.ge [sflag:s4], $0x0  }
0x19: {  	s7 =	sld [smem:$0x3F92]  }
0x1a: {  	s8 =	sadd.s32 $0xFFFFE003, lr  }
0x1b: {  	s9 =	sadd.s32 $0xFFFFFEF7, lr;
	s5 =	simm.s32 $0xFFFFFFFF;
	p2 =	slt.u32 s8, $0xFFFFF086  }
0x1c: {  	p1 =	slt.u32 s9, $0xF7A;
	s5 =	simm.s32 @!p2 $0x0  }
0x1d: {  	s5 =	simm.s32 @p1 $0x1;
	p0 =	seq.s32 s7, s2  }
0x1e: {  	s7 =	smul.u32 @!p0 $0xF7A, s2;
	p2 =	seq.s32 @!p0 s5, $0x0  }
0x1f: {  	s9 =	smul.u32 $0xF7A, s1;
	s8 =	simm.s32 @!p0 $0x1BF5;
	p2 =	por !p2, p0  }
0x20: {  	[sflag:s8] =	ssyncset.s32 @!p0 $0xFFFFF086;
	s6 =	sadd.s32 @!p0 s3, s7;
	s7 =	simm.s32 @!p0 $0x108  }
0x21: {  	s3 =	sadd.s32 s3, s9;
	s6 =	sadd.s32 @!p0 $0x88, s6;
	s7 =	simm.s32 @p2 $0x1082  }
0x22: {  	[simem:s7], [sflag:s8] =	dma.local @!p0 [hbm:s6], $0xF7A  }
0x23: {  	s9 =	sor.u32 $0xD0000000, s2;
	s6 =	simm.s32 $0x108;
	_ =	swait.ge @!p0 [sflag:s8], $0x0  }
0x24: {  	s3 =	sadd.s32 $0x88, s3;
	s6 =	simm.s32 @!p1 $0x1082;
	[sflag:s4] =	ssyncset.s32 $0xFFFFF086  }
0x25: {  	[simem:s6], [sflag:s4] =	dma.local [hbm:s3], $0xF7A  }
0x26: {  	[smem:$0x3F92] =	sst s1;
	(tag) =	ssettag s2;
	_ =	strace s9  }
0x27: {  	s1 =	sld [smem:$0x3FA2]  }
0x28: {  	s2 =	sld [smem:$0x3FA3]  }
0x29: {  	s4 =	sld [smem:$0x3FA5]  }
0x2a: {  	p0 =	seq.s32 s5, $0x0;
	s5 =	sld [smem:$0x3FA6]  }
0x2b: {  	s6 =	sld [smem:$0x3FA7]  }
0x2c: {  	s7 =	sld [smem:$0x3FA8]  }
0x2d: {  	s3 =	simm.s32 $0x108;
	s8 =	sld [smem:$0x3FA9]  }
0x2e: {  	s3 =	simm.s32 @!p0 $0x1082;
	s9 =	sld [smem:$0x3FAA]  }
0x2f: {  	lr =	sadd.s32 s0, s3;
	s0 =	sld [smem:$0x3FA1]  }
0x30: {  	s3 =	sld [smem:$0x3FA4]  }
0x31: {  	[smem:$0x3FAD] =	sst s10  }
0x32: {  	s10 =	sld [smem:$0x3FAB];
	_ =	sdelay $0x3  }
0x33: {  	p0 =	seq.s32 s10, $0x1;
	s10 =	sld [smem:$0x3FAD];
	_ =	sdelay $0x3  }
0x34: {  	[smem:$0x3FAD] =	sst s10  }
0x35: {  	s10 =	sld [smem:$0x3FAC];
	_ =	sdelay $0x3  }
0x36: {  	p1 =	seq.s32 s10, $0x1;
	s10 =	sld [smem:$0x3FAD];
	_ =	sdelay $0x3  }
0x37: {  	[smem:$0x3FAD] =	sst s10  }
0x38: {  	s10 =	sld [smem:$0x3FAE]  }
0x39: {  	_ = 	snop;
	(pc) =	sbr.ind lr, $3  }
0x3a: {  	_ = 	snop  }
0x3b: {  	_ = 	snop  }
0x3c: {  	p2 =	seq.s32 s10, $0x1;
	s10 =	sld [smem:$0x3FAD]  }
0x3d: {  	_ =	shalt  }
0x3e: {  	_ =	shalt  }
0x3f: {  	_ =	shalt  }
0x40: {  	_ =	shalt  }
0x41: {  	_ =	shalt  }
0x42: {  	_ =	shalt  }
0x43: {  	_ =	shalt  }
0x44: {  	_ =	shalt  }
0x45: {  	_ =	shalt  }
0x46: {  	_ =	shalt  }
0x47: {  	_ =	shalt  }
0x48: {  	_ =	shalt  }
0x49: {  	_ =	shalt  }
0x4a: {  	_ =	shalt  }
0x4b: {  	_ =	shalt  }
0x4c: {  	_ =	shalt  }
0x4d: {  	_ =	shalt  }
0x4e: {  	_ =	shalt  }
0x4f: {  	_ =	shalt  }
0x50: {  	_ =	shalt  }
0x51: {  	_ =	shalt  }
0x52: {  	_ =	shalt  }
0x53: {  	_ =	shalt  }
0x54: {  	_ =	shalt  }
0x55: {  	_ =	shalt  }
0x56: {  	_ =	shalt  }
0x57: {  	_ =	shalt  }
0x58: {  	_ =	shalt  }
0x59: {  	_ =	shalt  }
0x5a: {  	_ =	shalt  }
0x5b: {  	_ =	shalt  }
0x5c: {  	_ =	shalt  }
0x5d: {  	_ =	shalt  }
0x5e: {  	_ =	shalt  }
0x5f: {  	_ =	shalt  }
0x60: {  	_ =	shalt  }
0x61: {  	_ =	shalt  }
0x62: {  	_ =	shalt  }
0x63: {  	_ =	shalt  }
0x64: {  	_ =	shalt  }
0x65: {  	_ =	shalt  }
0x66: {  	_ =	shalt  }
0x67: {  	_ =	shalt  }
0x68: {  	_ =	shalt  }
0x69: {  	_ =	shalt  }
0x6a: {  	_ =	shalt  }
0x6b: {  	_ =	shalt  }
0x6c: {  	_ =	shalt  }
0x6d: {  	_ =	shalt  }
0x6e: {  	_ =	shalt  }
0x6f: {  	_ =	shalt  }
0x70: {  	_ =	shalt  }
0x71: {  	_ =	shalt  }
0x72: {  	_ =	shalt  }
0x73: {  	_ =	shalt  }
0x74: {  	_ =	shalt  }
0x75: {  	_ =	shalt  }
0x76: {  	_ =	shalt  }
0x77: {  	_ =	shalt  }
0x78: {  	_ =	shalt  }
0x79: {  	_ =	shalt  }
0x7a: {  	_ =	shalt  }
0x7b: {  	_ =	shalt  }
0x7c: {  	_ =	shalt  }
0x7d: {  	_ =	shalt  }
0x7e: {  	_ =	shalt  }
0x7f: {  	_ =	shalt  }
0x80: {  	_ =	shalt  }
0x81: {  	_ =	shalt  }
0x82: {  	_ =	shalt  }
0x83: {  	_ =	shalt  }
0x84: {  	_ =	shalt  }
0x85: {  	_ =	shalt  }
0x86: {  	_ =	shalt  }
0x87: {  	_ =	shalt  }
.Lfunc_end0:
.L_simem_size_0:
called_computation.2_lowered:
.L_overlay_start_0:
0x88: {  	s2 =	sld [smem:$0x3FD9]  }
0x89: {  	s3 =	sld [smem:$0x3FFE];
	_ =	sdelay $0x1  }
0x8a: {  	s1 =	srdreg.scid  }
0x8b: {  	s0 =	sand.u32 $0x1, s1  }
0x8c: {  	s16 =	sshll.u32 s0, $0xA;
	s2 =	sadd.s32 s3, s2  }
0x8d: {  	s2 =	sadd.s32 s2, s16  }
0x8e: {  	[smem:$0x3FB9] =	sst s2  }
0x8f: {  	_ = 	snop  }
0x90: {  	(tm) =	ssettm $0x1  }
0x91: {  	s17 =	sld [smem:$0x3FFB];
	_ =	sdelay $0x3  }
0x92: {  	_ =	strace s17  }
0x93: {  	s2 =	sld [smem:$0x3FFC];
	_ =	sdelay $0x3  }
0x94: {  	_ =	strace s2  }
0x95: {  	s2 =	sld [smem:$0x3FFD];
	_ =	sdelay $0x3  }
0x96: {  	_ =	strace s2  }
0x97: {  	_ =	strace $0x8FFFFFFF  }
0x98: {  	s18 =	sld [smem:$0x3FDB];
	_ =	sdelay $0x1  }
0x99: {  	s19 =	simm.s32 $_scs_section_size  }
0x9a: {  	s4 =	simm.s32 $_size__tile_overlayer_lowered;
	s5 =	simm.s32 $_tile_overlayer_lowered  }
0x9b: {  	s22 =	simm.s32 $0x1BFF;
	s21 =	sshll.u32 s5, $0x1;
	s2 =	sadd.s32 s19, s18  }
0x9c: {  	s6 =	simm.s32 $0x0;
	s20 =	sshll.u32 s4, $0x1;
	s4 =	sadd.s32 s21, s2  }
0x9d: {  	[timem:s6], [sflag:s22] =	dma.local [hbm:s4], s20  }
0x9e: {  	_ =	swait.ge [sflag:s22], s20  }
0x9f: {  	s3 =	ssub.s32 $0x0, s20;
	[sflag:s22] =	ssyncset.done $0x0  }
0xa0: {  	[sflag:s22] =	ssyncadd.s32 s3;
	_ =	sdelay $0x1  }
0xa1: {  	s23 =	simm.s32 $0x1B8B  }
0xa2: {  	_ =	swait.ge [sflag:s23], $0x1  }
0xa3: {  	[sflag:s23] =	ssyncset.done $0x0  }
0xa4: {  	s25 =	simm.s32 $0x1B8E;
	s24 =	sld [smem:$0x3FFE];
	[sflag:s23] =	ssyncadd.s32 $0xFFFFFFFF  }
0xa5: {  	s26 =	simm.s32 $execute0_lowered;
	[smem:$0x3FD2] =	sst s25  }
0xa6: {  	s4 =	sshll.u32 s26, $0x1;
	_ =	strace $0x8000004C;
	[dreg:$0x1] =	wrdreg $0xFFFFFFFF  }
0xa7: {  	s28 =	simm.s32 $_size_execute0_lowered;
	s2 =	sadd.s32 s2, s4;
	[dreg:$0x0] =	wrdreg $0x0  }
0xa8: {  	s4 =	sshll.u32 s28, $0x1;
	[dreg:$0x2] =	wrdreg s2  }
0xa9: {  	[dreg:$0x3] =	wrdreg s4  }
0xaa: {  	[dreg:$0x4] =	wrdreg $0xC0  }
0xab: {  	_ =	task [dreg:s6], $0x5FFFF  }
0xac: {  	[dreg:$0x1] =	wrdreg $0xFFFFFFFF  }
0xad: {  	[dreg:$0x0] =	wrdreg $0x60  }
0xae: {  	[dreg:$0x2] =	wrdreg s24  }
0xaf: {  	[dreg:$0x3] =	wrdreg $0x0  }
0xb0: {  	[dreg:$0x4] =	wrdreg $0x9  }
0xb1: {  	_ =	task.clear_ibuf [dreg:s6], $0x5FFFF;
	_ =	strace $0x9000004C  }
0xb2: {  	s29 =	simm.s32 $0x9;
	_ =	strace $0x8000004E  }
0xb3: {  	_ =	swait.ge [sflag:s29], $0x1  }
0xb4: {  	[sflag:s29] =	ssyncadd.s32 $0xFFFFFFFF  }
0xb5: {  	_ =	strace $0x9000004E  }
0xb6: {  	_ =	sfence  }
0xb7: {  	s30 =	sld [smem:$0x0];
	_ =	sdelay $0x2  }
0xb8: {  	s31 =	sshll.u32 s1, $0xD;
	s1 =	sshrl.u32 s1, $0x2  }
0xb9: {  	s3 =	sand.u32 $0x4000, s31;
	s1 =	sadd.s32 s1, s30  }
0xba: {  	s0 =	sor.u32 s3, s0;
	s1 =	sshll.u32 s1, $0x11  }
0xbb: {  	s0 =	sor.u32 s1, s0  }
0xbc: {  	s0 =	sadd.s32 $0x8F2B, s0  }
0xbd: {  	[sflag:s0] =	ssyncadd.remote.s32 $0x1  }
0xbe: {  	_ =	sfence.sel $0xFFFF  }
0xbf: {  	[dreg:$0x0] =	wrdreg $0xFFFFFFFF;
	(pc) =	sbr.abs _section_cstart, $3  }
0xc0: {  	[dreg:$0x1] =	wrdreg $0xFFFFFFFF  }
0xc1: {  	_ =	task.clear_ibuf [dreg:s6], $0x2FFFF;
	_ =	strace $0x9FFFFFFF  }
0xc2: {  	(tm) =	ssettm $0x7FFFFFFF  }
0xc3: {  	_ =	shalt  }
tec
execute0_lowered:
.L_overlay_start_1:
0x0: {  	(tag) =	ssettag $0x1  }
0x1: {  	s0 =	srdreg.scid  }
0x2: {  	s10 =	stileid.u32;
	s1 =	rddreg [dreg:$0x0]  }
0x3: {  	s3 =	rddreg [dreg:$0x1];
	s4 =	simm.s32 $0x0;
	s2 =	smul.u32 $0x2C00, s10  }
0x4: {  	s28 =	simm.s32 $0x5;
	s29 =	simm.s32 $0x1;
	s8 =	smul.u32 $0x13C00, s10  }
0x5: {  	s30 =	simm.s32 $0x6;
	s0 =	sand.u32 $0x1, s0;
	s18 =	smul.u32 $0x4F000, s10  }
0x6: {  	s31 =	simm.s32 $0x2;
	[smem:$0x7FF] =	sst s4;
	s5 =	smul.u32 $0x2C000, s0  }
0x7: {  	s19 =	sadd.s32 $0x13600, s1;
	s7 =	smul.u32 $0x13C000, s0;
	_ =	strace $0x8000004D  }
0x8: {  	[dreg:$0x3] =	wrdreg s19;
	s0 =	ssub.s32 $0x2, s0;
	s19 =	simm.s32 $0x16A00  }
0x9: {  	s20 =	sshrl.u32 s0, $0x1;
	s5 =	sadd.s32 s2, s5;
	s7 =	sadd.s32 s8, s7  }
0xa: {  	s8 =	sshrl.u32 s18, $0x2;
	s0 =	ssub.s32 s0, s20;
	s18 =	simm.s32 $0x7  }
0xb: {  	s20 =	simm.s32 $0x78;
	s6 =	sshrl.u32 s5, $0x3;
	s0 =	smax.u32 s0, $0x1  }
0xc: {  	s5 =	sadd.s32 $0x13E00, s1;
	s8 =	sadd.s32 s8, s3;
	[dreg:$0xc] =	wrdreg s0  }
0xd: {  	s7 =	sshrl.u32 s7, $0x3;
	s22 =	sadd.s32 $0x3C00, s8;
	[dreg:$0x5] =	wrdreg s8  }
0xe: {  	s9 =	sadd.s32 s6, s1;
	s23 =	sadd.s32 $0x7800, s8;
	[dreg:$0x6] =	wrdreg s22  }
0xf: {  	s6 =	sadd.s32 $0x2E00, s1;
	s24 =	sadd.s32 $0xB400, s8;
	[dreg:$0x7] =	wrdreg s23  }
0x10: {  	s1 =	sadd.s32 s7, s1;
	s25 =	sadd.s32 $0xF000, s8;
	[dreg:$0x8] =	wrdreg s24  }
0x11: {  	s26 =	sadd.s32 $0x12C00, s8;
	s7 =	simm.s32 $0x0;
	[dreg:$0x9] =	wrdreg s25  }
0x12: {  	s21 =	sadd.s32 $0x8600, s9;
	[dreg:$0xa] =	wrdreg s26;
	s1 =	sadd.s32 $0x62000, s1  }
0x13: {  	s22 =	simm.s32 $0x1A600;
	s23 =	simm.s32 $0x16800;
	s24 =	simm.s32 $0x16880  }
0x14: {  	s25 =	simm.s32 $0x16900;
	s26 =	simm.s32 $0x16980;
	[dreg:$0x4] =	wrdreg s21  }
0x15: {  	[dreg:$0xb] =	wrdreg s1;
	s1 =	simm.s32 $0x3;
	s21 =	simm.s32 $0x4  }
.LBB2_1:
0x16: {  	[dreg:$0xd] =	wrdreg s7  }
0x17: {  	s0 =	rddreg [dreg:$0x4];
	s13 =	simm.s32 $0x13C00  }
0x18: {  	[tilespmem:s13], [sflag:$0x7] =	stream.linear.gather [hbm4b:s0+s4], $0x2A00, $0x38;
	[tilespmem:$0x1E200] =	vst v63  }
0x19: {  	_ =	swait.ge [sflag:s18], $0x2A00  }
0x1a: {  	[sflag:s18] =	ssyncset.done $0x0  }
0x1b: {  	s14 =	rddreg [dreg:$0x3];
	[sflag:s18] =	ssyncadd.s32 $0xFFFFD600  }
0x1c: {  	[tilespmem:s19], [sflag:$0x7] =	stream.linear.gather [hbm4b:s14+s4], $0x3C00, $0x38;
	[tilespmem:$0x1E200] =	vst v63  }
0x1d: {  	_ =	swait.ge [sflag:s18], $0x3C00  }
0x1e: {  	[sflag:s18] =	ssyncset.done $0x0  }
0x1f: {  	[sflag:s18] =	ssyncadd.s32 $0xFFFFC400  }
0x20: {  	[spmem:s8] =	stream.linear.scatter [tilespmem:s19], [sflag:$0x7], $0x3C00, $0x38;
	[tilespmem:$0x1E200] =	vst v63  }
0x21: {  	_ =	swait.ge [sflag:s18], $0x3C00  }
0x22: {  	[sflag:s18] =	ssyncset.done $0x0  }
0x23: {  	s15 =	rddreg [dreg:$0x6];
	[sflag:s18] =	ssyncadd.s32 $0xFFFFC400  }
0x24: {  	[spmem:s15] =	stream.linear.scatter [tilespmem:s19], [sflag:$0x7], $0x3C00, $0x38;
	[tilespmem:$0x1E200] =	vst v63  }
0x25: {  	_ =	swait.ge [sflag:s18], $0x3C00  }
0x26: {  	[sflag:s18] =	ssyncset.done $0x0  }
0x27: {  	s16 =	rddreg [dreg:$0x7];
	[sflag:s18] =	ssyncadd.s32 $0xFFFFC400  }
0x28: {  	[spmem:s16] =	stream.linear.scatter [tilespmem:s19], [sflag:$0x7], $0x3C00, $0x38;
	[tilespmem:$0x1E200] =	vst v63  }
0x29: {  	_ =	swait.ge [sflag:s18], $0x3C00  }
0x2a: {  	[sflag:s18] =	ssyncset.done $0x0  }
0x2b: {  	s17 =	rddreg [dreg:$0x8];
	[sflag:s18] =	ssyncadd.s32 $0xFFFFC400  }
0x2c: {  	[spmem:s17] =	stream.linear.scatter [tilespmem:s19], [sflag:$0x7], $0x3C00, $0x38;
	[tilespmem:$0x1E200] =	vst v63  }
0x2d: {  	_ =	swait.ge [sflag:s18], $0x3C00  }
0x2e: {  	[sflag:s18] =	ssyncset.done $0x0  }
0x2f: {  	s8 =	rddreg [dreg:$0x9];
	[sflag:s18] =	ssyncadd.s32 $0xFFFFC400  }
0x30: {  	[spmem:s8] =	stream.linear.scatter [tilespmem:s19], [sflag:$0x7], $0x3C00, $0x38;
	[tilespmem:$0x1E200] =	vst v63  }
0x31: {  	_ =	swait.ge [sflag:s18], $0x3C00  }
0x32: {  	[sflag:s18] =	ssyncset.done $0x0  }
0x33: {  	s9 =	rddreg [dreg:$0xa];
	[sflag:s18] =	ssyncadd.s32 $0xFFFFC400  }
0x34: {  	[spmem:s9] =	stream.linear.scatter [tilespmem:s19], [sflag:$0x7], $0x1000, $0x38;
	[tilespmem:$0x1E200] =	vst v63  }
0x35: {  	_ =	swait.ge [sflag:s18], $0x1000  }
0x36: {  	[sflag:s18] =	ssyncset.done $0x0  }
0x37: {  	s11 =	sand.u32 $0x3C00, s4;
	[sflag:s18] =	ssyncadd.s32 $0xFFFFF000  }
0x38: {  	s12 =	sand.u32 $0x200, s4;
	s7 =	sadd.s32 s2, s11;
	[bflag:$0x0] =	sbarrier.arrive $0xFFFF  }
0x39: {  	[tilespmem:s19], [sflag:$0x5] =	stream.indirect.gather [hbm4b:s5+s20], $0x80, s13, s20, $0xb8;
	[tilespmem:$0x1E200] =	vst v63  }
0x3a: {  	s10 =	simm.s32 $0x13C80;
	s8 =	sor.u32 s12, s7  }
0x3b: {  	[tilespmem:s22], [sflag:$0x6] =	stream.indirect.gather [hbm4b:s5+s20], $0x80, s10, s20, $0xb8;
	[tilespmem:$0x1E200] =	vst v63  }
0x3c: {  	s8 =	sshrl.u32 s8, $0x3;
	s10 =	simm.s32 $0x100  }
0x3d: {  	s11 =	simm.s32 $0x180;
	s8 =	sadd.s32 s6, s8;
	s10 =	sand.u32 $0x300, s10  }
0x3e: {  	[tilespmem:s23], [sflag:$0x1] =	stream.linear.gather [hbm4b:s8+s4], $0x80, $0x38;
	[tilespmem:$0x1E200] =	vst v63  }
0x3f: {  	s11 =	sand.u32 $0x380, s11;
	s10 =	sor.u32 s7, s10  }
0x40: {  	s8 =	sadd.s32 $0x10, s8;
	s7 =	sor.u32 s7, s11;
	s13 =	sshrl.u32 s10, $0x3  }
0x41: {  	[tilespmem:s24], [sflag:$0x2] =	stream.linear.gather [hbm4b:s8+s4], $0x80, $0x38;
	[tilespmem:$0x1E200] =	vst v63  }
0x42: {  	s7 =	sshrl.u32 s7, $0x3;
	s8 =	sadd.s32 s6, s13  }
0x43: {  	[tilespmem:s25], [sflag:$0x3] =	stream.linear.gather [hbm4b:s8+s4], $0x80, $0x38;
	[tilespmem:$0x1E200] =	vst v63  }
0x44: {  	s7 =	sadd.s32 s6, s7  }
0x45: {  	[tilespmem:s26], [sflag:$0x4] =	stream.linear.gather [hbm4b:s7+s4], $0x80, $0x38;
	[tilespmem:$0x1E200] =	vst v63  }
0x46: {  	_ =	swait.ge [sflag:s28], $0x3C00  }
0x47: {  	[sflag:s28] =	ssyncset.done $0x0  }
0x48: {  	[sflag:s28] =	ssyncadd.s32 $0xFFFFC400  }
0x49: {  	_ =	swait.ge [sflag:s29], $0x80  }
0x4a: {  	[sflag:s29] =	ssyncset.done $0x0  }
0x4b: {  	[sflag:s29] =	ssyncadd.s32 $0xFFFFFF80  }
0x4c: {  	[spmem:s3] =	stream.indirect.scatter.add.f32 [tilespmem:s19], [sflag:$0x7], $0x80, s23, s20, $0xb8;
	[tilespmem:$0x1E200] =	vst v63  }
0x4d: {  	_ =	swait.ge [sflag:s18], $0x3C00  }
0x4e: {  	[sflag:s18] =	ssyncset.done $0x0  }
0x4f: {  	s14 =	simm.s32 $0x13D00;
	[sflag:s18] =	ssyncadd.s32 $0xFFFFC400  }
0x50: {  	[tilespmem:s19], [sflag:$0x5] =	stream.indirect.gather [hbm4b:s5+s20], $0x80, s14, s20, $0xb8;
	[tilespmem:$0x1E200] =	vst v63  }
0x51: {  	s17 =	simm.s32 $0x8;
	_ =	swait.ge [sflag:s30], $0x3C00  }
0x52: {  	s11 =	simm.s32 $0x0;
	s10 =	simm.s32 $0x200;
	[sflag:s30] =	ssyncset.done $0x0  }
0x53: {  	s15 =	sand.u32 $0x3C00, s10;
	s16 =	sand.u32 $0x200, s10;
	[sflag:s30] =	ssyncadd.s32 $0xFFFFC400  }
0x54: {  	s13 =	simm.s32 $0x13D80;
	s12 =	sadd.s32 s2, s15;
	_ =	swait.ge [sflag:s31], $0x80  }
0x55: {  	s8 =	simm.s32 $0x13D80;
	s15 =	sor.u32 s16, s12;
	[sflag:s31] =	ssyncset.done $0x0  }
0x56: {  	s7 =	simm.s32 $0x4;
	s14 =	simm.s32 $0x380;
	[sflag:s31] =	ssyncadd.s32 $0xFFFFFF80  }
0x57: {  	[spmem:s3] =	stream.indirect.scatter.add.f32 [tilespmem:s22], [sflag:$0x7], $0x80, s24, s20, $0xb8;
	[tilespmem:$0x1E200] =	vst v63  }
.LBB2_2:
0x58: {  	s16 =	sadd.s32 $0x100, s10  }
0x59: {  	_ =	swait.ge [sflag:s18], $0x3C00;
	s8 =	sadd.s32 $0x200, s8;
	s9 =	smov.u32 s17  }
0x5a: {  	p0 =	sne.s32 s17, $0x50;
	s16 =	sand.u32 $0x300, s16;
	[sflag:s18] =	ssyncset.done $0x0  }
0x5b: {  	s17 =	sadd.s32 $0x4, s17;
	s16 =	sor.u32 s12, s16;
	[sflag:s18] =	ssyncadd.s32 $0xFFFFC400  }
0x5c: {  	[tilespmem:s22], [sflag:$0x6] =	stream.indirect.gather [hbm4b:s5+s20], $0x80, s13, s20, $0xb8;
	[tilespmem:$0x1E200] =	vst v63  }
0x5d: {  	s16 =	sshrl.u32 s16, $0x3;
	s13 =	smov.u32 s8;
	_ =	swait.ge [sflag:s28], $0x3C00  }
0x5e: {  	[sflag:s28] =	ssyncset.done $0x0  }
0x5f: {  	[sflag:s28] =	ssyncadd.s32 $0xFFFFC400  }
0x60: {  	_ =	swait.ge [sflag:s1], $0x80  }
0x61: {  	[sflag:s1] =	ssyncset.done $0x0  }
0x62: {  	[sflag:s1] =	ssyncadd.s32 $0xFFFFFF80  }
0x63: {  	[spmem:s3] =	stream.indirect.scatter.add.f32 [tilespmem:s19], [sflag:$0x7], $0x80, s25, s20, $0xb8;
	[tilespmem:$0x1E200] =	vst v63  }
0x64: {  	s0 =	smin.u32 s11, $0x4E;
	s11 =	smov.u32 s7;
	_ =	swait.ge [sflag:s18], $0x3C00  }
0x65: {  	s0 =	sshll.u32 s0, $0x7;
	s7 =	smov.u32 s9;
	[sflag:s18] =	ssyncset.done $0x0  }
0x66: {  	s9 =	sadd.s32 $0x13E00, s0;
	[sflag:s18] =	ssyncadd.s32 $0xFFFFC400  }
0x67: {  	[tilespmem:s19], [sflag:$0x5] =	stream.indirect.gather [hbm4b:s5+s20], $0x80, s9, s20, $0xb8;
	[tilespmem:$0x1E200] =	vst v63  }
0x68: {  	_ =	swait.ge [sflag:s30], $0x3C00  }
0x69: {  	[sflag:s30] =	ssyncset.done $0x0  }
0x6a: {  	[sflag:s30] =	ssyncadd.s32 $0xFFFFC400  }
0x6b: {  	_ =	swait.ge [sflag:s21], $0x80  }
0x6c: {  	[sflag:s21] =	ssyncset.done $0x0  }
0x6d: {  	[sflag:s21] =	ssyncadd.s32 $0xFFFFFF80  }
0x6e: {  	[spmem:s3] =	stream.indirect.scatter.add.f32 [tilespmem:s22], [sflag:$0x7], $0x80, s26, s20, $0xb8;
	[tilespmem:$0x1E200] =	vst v63  }
0x6f: {  	_ =	swait.ge [sflag:s18], $0x3C00  }
0x70: {  	s9 =	sshrl.u32 s15, $0x3;
	[sflag:s18] =	ssyncset.done $0x0  }
0x71: {  	s0 =	sadd.s32 $0x13E80, s0;
	s9 =	sadd.s32 s6, s9;
	[sflag:s18] =	ssyncadd.s32 $0xFFFFC400  }
0x72: {  	[tilespmem:s22], [sflag:$0x6] =	stream.indirect.gather [hbm4b:s5+s20], $0x80, s0, s20, $0xb8;
	[tilespmem:$0x1E200] =	vst v63  }
0x73: {  	_ = 	snop  }
0x74: {  	[tilespmem:s23], [sflag:$0x1] =	stream.linear.gather [hbm4b:s9+s4], $0x80, $0x38;
	[tilespmem:$0x1E200] =	vst v63  }
0x75: {  	s0 =	sadd.s32 $0x10, s9;
	s9 =	sand.u32 $0x380, s14  }
0x76: {  	[tilespmem:s24], [sflag:$0x2] =	stream.linear.gather [hbm4b:s0+s4], $0x80, $0x38;
	[tilespmem:$0x1E200] =	vst v63  }
0x77: {  	s0 =	sor.u32 s12, s9  }
0x78: {  	s9 =	sadd.s32 s6, s16;
	s0 =	sshrl.u32 s0, $0x3  }
0x79: {  	[tilespmem:s25], [sflag:$0x3] =	stream.linear.gather [hbm4b:s9+s4], $0x80, $0x38;
	[tilespmem:$0x1E200] =	vst v63  }
0x7a: {  	s0 =	sadd.s32 s6, s0  }
0x7b: {  	[tilespmem:s26], [sflag:$0x4] =	stream.linear.gather [hbm4b:s0+s4], $0x80, $0x38;
	[tilespmem:$0x1E200] =	vst v63  }
0x7c: {  	_ =	swait.ge [sflag:s28], $0x3C00  }
0x7d: {  	[sflag:s28] =	ssyncset.done $0x0  }
0x7e: {  	[sflag:s28] =	ssyncadd.s32 $0xFFFFC400  }
0x7f: {  	_ =	swait.ge [sflag:s29], $0x80  }
0x80: {  	[sflag:s29] =	ssyncset.done $0x0  }
0x81: {  	[sflag:s29] =	ssyncadd.s32 $0xFFFFFF80  }
0x82: {  	[spmem:s3] =	stream.indirect.scatter.add.f32 [tilespmem:s19], [sflag:$0x7], $0x80, s23, s20, $0xb8;
	[tilespmem:$0x1E200] =	vst v63  }
0x83: {  	_ =	swait.ge [sflag:s18], $0x3C00  }
0x84: {  	[sflag:s18] =	ssyncset.done $0x0  }
0x85: {  	s0 =	sadd.s32 $0xFFFFFF80, s8;
	[sflag:s18] =	ssyncadd.s32 $0xFFFFC400  }
0x86: {  	[tilespmem:s19], [sflag:$0x5] =	stream.indirect.gather [hbm4b:s5+s20], $0x80, s0, s20, $0xb8;
	[tilespmem:$0x1E200] =	vst v63  }
0x87: {  	s10 =	sadd.s32 $0x200, s10;
	_ =	swait.ge [sflag:s30], $0x3C00  }
0x88: {  	s14 =	sadd.s32 $0x180, s10;
	[sflag:s30] =	ssyncset.done $0x0  }
.Ltmp0:
0x89: {  	s0 =	sand.u32 $0x3C00, s10;
	[sflag:s30] =	ssyncadd.s32 $0xFFFFC400;
	(pc) =	sbr.rel @p0 .LBB2_2-.Ltmp0, $4  }
0x8a: {  	s12 =	sadd.s32 s2, s0;
	s0 =	sand.u32 $0x200, s10;
	_ =	swait.ge [sflag:s31], $0x80  }
0x8b: {  	[sflag:s31] =	ssyncset.done $0x0  }
0x8c: {  	s15 =	sor.u32 s0, s12;
	[sflag:s31] =	ssyncadd.s32 $0xFFFFFF80  }
0x8d: {  	[spmem:s3] =	stream.indirect.scatter.add.f32 [tilespmem:s22], [sflag:$0x7], $0x80, s24, s20, $0xb8;
	[tilespmem:$0x1E200] =	vst v63  }
0x8e: {  	_ =	swait.ge [sflag:s18], $0x3C00  }
0x8f: {  	[sflag:s18] =	ssyncset.done $0x0  }
0x90: {  	[sflag:s18] =	ssyncadd.s32 $0xFFFFC400  }
0x91: {  	[tilespmem:s22], [sflag:$0x6] =	stream.indirect.gather [hbm4b:s5+s20], $0x80, s13, s20, $0xb8;
	[tilespmem:$0x1E200] =	vst v63  }
0x92: {  	_ =	swait.ge [sflag:s28], $0x3C00  }
0x93: {  	[sflag:s28] =	ssyncset.done $0x0  }
0x94: {  	[sflag:s28] =	ssyncadd.s32 $0xFFFFC400  }
0x95: {  	_ =	swait.ge [sflag:s1], $0x80  }
0x96: {  	[sflag:s1] =	ssyncset.done $0x0  }
0x97: {  	[sflag:s1] =	ssyncadd.s32 $0xFFFFFF80  }
0x98: {  	[spmem:s3] =	stream.indirect.scatter.add.f32 [tilespmem:s19], [sflag:$0x7], $0x80, s25, s20, $0xb8;
	[tilespmem:$0x1E200] =	vst v63  }
0x99: {  	s0 =	smin.u32 s11, $0x4E;
	_ =	swait.ge [sflag:s18], $0x3C00  }
0x9a: {  	s0 =	sshll.u32 s0, $0x7;
	[sflag:s18] =	ssyncset.done $0x0  }
0x9b: {  	s9 =	sadd.s32 $0x13E00, s0;
	[sflag:s18] =	ssyncadd.s32 $0xFFFFC400  }
0x9c: {  	[tilespmem:s19], [sflag:$0x5] =	stream.indirect.gather [hbm4b:s5+s20], $0x80, s9, s20, $0xb8;
	[tilespmem:$0x1E200] =	vst v63  }
0x9d: {  	_ =	swait.ge [sflag:s30], $0x3C00  }
0x9e: {  	[sflag:s30] =	ssyncset.done $0x0  }
0x9f: {  	[sflag:s30] =	ssyncadd.s32 $0xFFFFC400  }
0xa0: {  	_ =	swait.ge [sflag:s21], $0x80  }
0xa1: {  	[sflag:s21] =	ssyncset.done $0x0  }
0xa2: {  	[sflag:s21] =	ssyncadd.s32 $0xFFFFFF80  }
0xa3: {  	[spmem:s3] =	stream.indirect.scatter.add.f32 [tilespmem:s22], [sflag:$0x7], $0x80, s26, s20, $0xb8;
	[tilespmem:$0x1E200] =	vst v63  }
0xa4: {  	_ =	swait.ge [sflag:s18], $0x3C00  }
0xa5: {  	[sflag:s18] =	ssyncset.done $0x0  }
0xa6: {  	s15 =	sshrl.u32 s15, $0x3;
	s0 =	sadd.s32 $0x13E80, s0;
	[sflag:s18] =	ssyncadd.s32 $0xFFFFC400  }
0xa7: {  	[tilespmem:s22], [sflag:$0x6] =	stream.indirect.gather [hbm4b:s5+s20], $0x80, s0, s20, $0xb8;
	[tilespmem:$0x1E200] =	vst v63  }
0xa8: {  	s0 =	sadd.s32 s6, s15  }
0xa9: {  	[tilespmem:s23], [sflag:$0x1] =	stream.linear.gather [hbm4b:s0+s4], $0x80, $0x38;
	[tilespmem:$0x1E200] =	vst v63  }
0xaa: {  	s16 =	sadd.s32 $0x100, s10;
	s0 =	sadd.s32 $0x10, s0  }
0xab: {  	[tilespmem:s24], [sflag:$0x2] =	stream.linear.gather [hbm4b:s0+s4], $0x80, $0x38;
	[tilespmem:$0x1E200] =	vst v63  }
0xac: {  	s0 =	sand.u32 $0x300, s16  }
0xad: {  	s17 =	sand.u32 $0x380, s14;
	s0 =	sor.u32 s12, s0  }
0xae: {  	s9 =	sor.u32 s12, s17;
	s0 =	sshrl.u32 s0, $0x3  }
0xaf: {  	s9 =	sshrl.u32 s9, $0x3;
	s0 =	sadd.s32 s6, s0  }
0xb0: {  	[tilespmem:s25], [sflag:$0x3] =	stream.linear.gather [hbm4b:s0+s4], $0x80, $0x38;
	[tilespmem:$0x1E200] =	vst v63  }
0xb1: {  	s0 =	sadd.s32 s6, s9  }
0xb2: {  	[tilespmem:s26], [sflag:$0x4] =	stream.linear.gather [hbm4b:s0+s4], $0x80, $0x38;
	[tilespmem:$0x1E200] =	vst v63  }
0xb3: {  	_ =	swait.ge [sflag:s28], $0x3C00  }
0xb4: {  	[sflag:s28] =	ssyncset.done $0x0  }
0xb5: {  	[sflag:s28] =	ssyncadd.s32 $0xFFFFC400  }
0xb6: {  	_ =	swait.ge [sflag:s29], $0x80  }
0xb7: {  	[sflag:s29] =	ssyncset.done $0x0  }
0xb8: {  	[sflag:s29] =	ssyncadd.s32 $0xFFFFFF80  }
0xb9: {  	[spmem:s3] =	stream.indirect.scatter.add.f32 [tilespmem:s19], [sflag:$0x7], $0x80, s23, s20, $0xb8;
	[tilespmem:$0x1E200] =	vst v63  }
0xba: {  	_ =	swait.ge [sflag:s18], $0x3C00  }
0xbb: {  	s10 =	sadd.s32 $0x200, s8;
	[sflag:s18] =	ssyncset.done $0x0  }
0xbc: {  	s8 =	sadd.s32 $0xFFFFFF80, s10;
	[sflag:s18] =	ssyncadd.s32 $0xFFFFC400  }
0xbd: {  	[tilespmem:s19], [sflag:$0x5] =	stream.indirect.gather [hbm4b:s5+s20], $0x80, s8, s20, $0xb8;
	[tilespmem:$0x1E200] =	vst v63  }
0xbe: {  	_ =	swait.ge [sflag:s30], $0x3C00  }
0xbf: {  	[sflag:s30] =	ssyncset.done $0x0  }
0xc0: {  	[sflag:s30] =	ssyncadd.s32 $0xFFFFC400  }
0xc1: {  	_ =	swait.ge [sflag:s31], $0x80  }
0xc2: {  	[sflag:s31] =	ssyncset.done $0x0  }
0xc3: {  	[sflag:s31] =	ssyncadd.s32 $0xFFFFFF80  }
0xc4: {  	[spmem:s3] =	stream.indirect.scatter.add.f32 [tilespmem:s22], [sflag:$0x7], $0x80, s24, s20, $0xb8;
	[tilespmem:$0x1E200] =	vst v63  }
0xc5: {  	_ =	swait.ge [sflag:s18], $0x3C00  }
0xc6: {  	[sflag:s18] =	ssyncset.done $0x0  }
0xc7: {  	[sflag:s18] =	ssyncadd.s32 $0xFFFFC400  }
0xc8: {  	[tilespmem:s22], [sflag:$0x6] =	stream.indirect.gather [hbm4b:s5+s20], $0x80, s10, s20, $0xb8;
	[tilespmem:$0x1E200] =	vst v63  }
0xc9: {  	_ =	swait.ge [sflag:s28], $0x3C00  }
0xca: {  	[sflag:s28] =	ssyncset.done $0x0  }
0xcb: {  	[sflag:s28] =	ssyncadd.s32 $0xFFFFC400  }
0xcc: {  	_ =	swait.ge [sflag:s1], $0x80  }
0xcd: {  	[sflag:s1] =	ssyncset.done $0x0  }
0xce: {  	[sflag:s1] =	ssyncadd.s32 $0xFFFFFF80  }
0xcf: {  	[spmem:s3] =	stream.indirect.scatter.add.f32 [tilespmem:s19], [sflag:$0x7], $0x80, s25, s20, $0xb8;
	[tilespmem:$0x1E200] =	vst v63  }
0xd0: {  	s11 =	smin.u32 s7, $0x4E;
	_ =	swait.ge [sflag:s18], $0x3C00  }
0xd1: {  	s0 =	sshll.u32 s11, $0x7;
	[sflag:s18] =	ssyncset.done $0x0  }
0xd2: {  	s12 =	sadd.s32 $0x13E00, s0;
	[sflag:s18] =	ssyncadd.s32 $0xFFFFC400  }
0xd3: {  	[tilespmem:s19], [sflag:$0x5] =	stream.indirect.gather [hbm4b:s5+s20], $0x80, s12, s20, $0xb8;
	[tilespmem:$0x1E200] =	vst v63  }
0xd4: {  	_ =	swait.ge [sflag:s30], $0x3C00  }
0xd5: {  	[sflag:s30] =	ssyncset.done $0x0  }
0xd6: {  	[sflag:s30] =	ssyncadd.s32 $0xFFFFC400  }
0xd7: {  	_ =	swait.ge [sflag:s21], $0x80  }
0xd8: {  	[sflag:s21] =	ssyncset.done $0x0  }
0xd9: {  	[sflag:s21] =	ssyncadd.s32 $0xFFFFFF80  }
0xda: {  	[spmem:s3] =	stream.indirect.scatter.add.f32 [tilespmem:s22], [sflag:$0x7], $0x80, s26, s20, $0xb8;
	[tilespmem:$0x1E200] =	vst v63  }
0xdb: {  	_ =	swait.ge [sflag:s18], $0x3C00  }
0xdc: {  	[sflag:s18] =	ssyncset.done $0x0  }
0xdd: {  	s0 =	sadd.s32 $0x13E80, s0;
	[sflag:s18] =	ssyncadd.s32 $0xFFFFC400  }
0xde: {  	[tilespmem:s22], [sflag:$0x6] =	stream.indirect.gather [hbm4b:s5+s20], $0x80, s0, s20, $0xb8;
	[tilespmem:$0x1E200] =	vst v63  }
0xdf: {  	_ =	swait.ge [sflag:s28], $0x3C00  }
0xe0: {  	[sflag:s28] =	ssyncset.done $0x0  }
0xe1: {  	[sflag:s28] =	ssyncadd.s32 $0xFFFFC400  }
0xe2: {  	_ =	swait.ge [sflag:s30], $0x3C00  }
0xe3: {  	[sflag:s30] =	ssyncset.done $0x0  }
0xe4: {  	[sflag:s30] =	ssyncadd.s32 $0xFFFFC400  }
0xe5: {  	s13 =	stileid.u32;
	[bflag:$0x0] =	sbarrier.arrive $0xFFFF  }
0xe6: {  	s0 =	sshll.u32 s13, $0x6;
	s8 =	rddreg [dreg:$0x5]  }
0xe7: {  	s0 =	sor.u32 $0x1C07, s0;
	s15 =	rddreg [dreg:$0xb];
	s14 =	sshrl.u32 s8, $0x3  }
0xe8: {  	[hbm:s15], [sflag:s0] =	dma.local [spmem:s14], $0x2780  }
0xe9: {  	_ =	swait.ge [sflag:s18], $0x2780  }
0xea: {  	s16 =	rddreg [dreg:$0xd]  }
0xeb: {  	s17 =	rddreg [dreg:$0xc];
	s7 =	sadd.s32 $0x1, s16  }
0xec: {  	p0 =	sne.s32 s7, s17  }
.Ltmp1:
0xed: {  	_ = 	snop;
	(pc) =	sbr.rel @p0 .LBB2_1-.Ltmp1, $3  }
0xee: {  	_ =	sdelay $0x1  }
0xef: {  	[sflag:s18] =	ssyncset.done $0x0  }
0xf0: {  	[sflag:s18] =	ssyncadd.s32 $0xFFFFD880  }
0xf1: {  	_ =	sfence.sel $0x180000  }
0xf2: {  	[bflag:$0x0] =	sbarrier.arrive $0xFFFF  }
0xf3: {  	_ =	strace $0x9000004D  }
0xf4: {  	s0 =	stileid.u32;
	[bflag:$0x2] =	sbarrier.arrive $0xFFFF  }
0xf5: {  	p0 =	sne.s32 s0, $0x0;
	s0 =	rddreg [dreg:$0x2]  }
0xf6: {  	s0 =	sadd.s32 @!p0 $0x100000, s0  }
0xf7: {  	[sflag:s0] =	ssyncadd.tile.s32 @!p0 $0x1;
	_ =	shalt  }
.Lfunc_end2:
_tile_overlayer_lowered:
.L_overlay_start_2:
0xf8: {  	(tag) =	ssettag $0x2  }
0xf9: {  	s0 =	rddreg [dreg:$0x0];
	s2 =	stileid.u32  }
0xfa: {  	s1 =	rddreg [dreg:$0x1];
	p0 =	sne.s32 s2, $0x0  }
0xfb: {  	s3 =	rddreg [dreg:$0x2];
	[bflag:$0x3] =	sbarrier.arrive $0xFFFF;
	s2 =	simm.s32 @!p0 $0x1C07  }
0xfc: {  	[timem:s3], [sflag:s2] =	dma.local @!p0 [hbm:s0], s1  }
0xfd: {  	s0 =	simm.s32 @!p0 $0x7  }
0xfe: {  	_ =	swait.ge @!p0 [sflag:s0], s1  }
0xff: {  	s1 =	ssub.s32 @!p0 $0x0, s1;
	[sflag:s0] =	ssyncset.done @!p0 $0x0  }
0x100: {  	[sflag:s0] =	ssyncadd.s32 @!p0 s1  }
0x101: {  	[bflag:$0x3] =	sbarrier.arrive $0xFFFF  }
0x102: {  	_ =	shalt  }

// kernel: kernel.18.cloned.1.call-start
scs
__scs_entry_jumppad:
0x0: {  	(pc) =	sbr.rel $0x88, $3  }
0x1: {  	(tag) =	ssettag $0x0;
	lr =	simm.s32 $0x1  }
0x2: {  	[smem:$0x3F92] =	sst lr;
	_ =	strace $0xD0000000  }
0x3: {  	_ = 	snop  }
0x4: {  	_ = 	snop  }
0x5: {  	_ = 	snop  }
0x6: {  	_ = 	snop  }
0x7: {  	_ = 	snop  }
__scs_overlays_trampoline_lowered:
0x8: {  	[smem:$0x3FA1] =	sst s0  }
0x9: {  	[smem:$0x3FA2] =	sst s1  }
0xa: {  	[smem:$0x3FA3] =	sst s2  }
0xb: {  	[smem:$0x3FA4] =	sst s3  }
0xc: {  	[smem:$0x3FA5] =	sst s4  }
0xd: {  	[smem:$0x3FA6] =	sst s5  }
0xe: {  	[smem:$0x3FA7] =	sst s6  }
0xf: {  	[smem:$0x3FA8] =	sst s7  }
0x10: {  	[smem:$0x3FA9] =	sst s8  }
0x11: {  	[smem:$0x3FAA] =	sst s9;
	s0 =	simm.s32 @!p0 $0x0  }
0x12: {  	s1 =	sld [smem:$0x3F90];
	s0 =	simm.s32 @p0 $0x1  }
0x13: {  	[smem:$0x3FAB] =	sst s0;
	s0 =	simm.s32 @!p1 $0x0  }
0x14: {  	s2 =	sld [smem:$0x3F8F];
	s0 =	simm.s32 @p1 $0x1  }
0x15: {  	[smem:$0x3FAC] =	sst s0;
	s0 =	simm.s32 @!p2 $0x0  }
0x16: {  	s3 =	sld [smem:$0x3FDB];
	s0 =	simm.s32 @p2 $0x1  }
0x17: {  	s4 =	simm.s32 $0x1BF5;
	[smem:$0x3FAE] =	sst s0  }
0x18: {  	s0 =	sld [smem:$0x3F91];
	_ =	swait.ge [sflag:s4], $0x0  }
0x19: {  	s7 =	sld [smem:$0x3F92]  }
0x1a: {  	s8 =	sadd.s32 $0xFFFFE003, lr  }
0x1b: {  	s9 =	sadd.s32 $0xFFFFFEF7, lr;
	s5 =	simm.s32 $0xFFFFFFFF;
	p2 =	slt.u32 s8, $0xFFFFF086  }
0x1c: {  	p1 =	slt.u32 s9, $0xF7A;
	s5 =	simm.s32 @!p2 $0x0  }
0x1d: {  	s5 =	simm.s32 @p1 $0x1;
	p0 =	seq.s32 s7, s2  }
0x1e: {  	s7 =	smul.u32 @!p0 $0xF7A, s2;
	p2 =	seq.s32 @!p0 s5, $0x0  }
0x1f: {  	s9 =	smul.u32 $0xF7A, s1;
	s8 =	simm.s32 @!p0 $0x1BF5;
	p2 =	por !p2, p0  }
0x20: {  	[sflag:s8] =	ssyncset.s32 @!p0 $0xFFFFF086;
	s6 =	sadd.s32 @!p0 s3, s7;
	s7 =	simm.s32 @!p0 $0x108  }
0x21: {  	s3 =	sadd.s32 s3, s9;
	s6 =	sadd.s32 @!p0 $0x88, s6;
	s7 =	simm.s32 @p2 $0x1082  }
0x22: {  	[simem:s7], [sflag:s8] =	dma.local @!p0 [hbm:s6], $0xF7A  }
0x23: {  	s9 =	sor.u32 $0xD0000000, s2;
	s6 =	simm.s32 $0x108;
	_ =	swait.ge @!p0 [sflag:s8], $0x0  }
0x24: {  	s3 =	sadd.s32 $0x88, s3;
	s6 =	simm.s32 @!p1 $0x1082;
	[sflag:s4] =	ssyncset.s32 $0xFFFFF086  }
0x25: {  	[simem:s6], [sflag:s4] =	dma.local [hbm:s3], $0xF7A  }
0x26: {  	[smem:$0x3F92] =	sst s1;
	(tag) =	ssettag s2;
	_ =	strace s9  }
0x27: {  	s1 =	sld [smem:$0x3FA2]  }
0x28: {  	s2 =	sld [smem:$0x3FA3]  }
0x29: {  	s4 =	sld [smem:$0x3FA5]  }
0x2a: {  	p0 =	seq.s32 s5, $0x0;
	s5 =	sld [smem:$0x3FA6]  }
0x2b: {  	s6 =	sld [smem:$0x3FA7]  }
0x2c: {  	s7 =	sld [smem:$0x3FA8]  }
0x2d: {  	s3 =	simm.s32 $0x108;
	s8 =	sld [smem:$0x3FA9]  }
0x2e: {  	s3 =	simm.s32 @!p0 $0x1082;
	s9 =	sld [smem:$0x3FAA]  }
0x2f: {  	lr =	sadd.s32 s0, s3;
	s0 =	sld [smem:$0x3FA1]  }
0x30: {  	s3 =	sld [smem:$0x3FA4]  }
0x31: {  	[smem:$0x3FAD] =	sst s10  }
0x32: {  	s10 =	sld [smem:$0x3FAB];
	_ =	sdelay $0x3  }
0x33: {  	p0 =	seq.s32 s10, $0x1;
	s10 =	sld [smem:$0x3FAD];
	_ =	sdelay $0x3  }
0x34: {  	[smem:$0x3FAD] =	sst s10  }
0x35: {  	s10 =	sld [smem:$0x3FAC];
	_ =	sdelay $0x3  }
0x36: {  	p1 =	seq.s32 s10, $0x1;
	s10 =	sld [smem:$0x3FAD];
	_ =	sdelay $0x3  }
0x37: {  	[smem:$0x3FAD] =	sst s10  }
0x38: {  	s10 =	sld [smem:$0x3FAE]  }
0x39: {  	_ = 	snop;
	(pc) =	sbr.ind lr, $3  }
0x3a: {  	_ = 	snop  }
0x3b: {  	_ = 	snop  }
0x3c: {  	p2 =	seq.s32 s10, $0x1;
	s10 =	sld [smem:$0x3FAD]  }
0x3d: {  	_ =	shalt  }
0x3e: {  	_ =	shalt  }
0x3f: {  	_ =	shalt  }
0x40: {  	_ =	shalt  }
0x41: {  	_ =	shalt  }
0x42: {  	_ =	shalt  }
0x43: {  	_ =	shalt  }
0x44: {  	_ =	shalt  }
0x45: {  	_ =	shalt  }
0x46: {  	_ =	shalt  }
0x47: {  	_ =	shalt  }
0x48: {  	_ =	shalt  }
0x49: {  	_ =	shalt  }
0x4a: {  	_ =	shalt  }
0x4b: {  	_ =	shalt  }
0x4c: {  	_ =	shalt  }
0x4d: {  	_ =	shalt  }
0x4e: {  	_ =	shalt  }
0x4f: {  	_ =	shalt  }
0x50: {  	_ =	shalt  }
0x51: {  	_ =	shalt  }
0x52: {  	_ =	shalt  }
0x53: {  	_ =	shalt  }
0x54: {  	_ =	shalt  }
0x55: {  	_ =	shalt  }
0x56: {  	_ =	shalt  }
0x57: {  	_ =	shalt  }
0x58: {  	_ =	shalt  }
0x59: {  	_ =	shalt  }
0x5a: {  	_ =	shalt  }
0x5b: {  	_ =	shalt  }
0x5c: {  	_ =	shalt  }
0x5d: {  	_ =	shalt  }
0x5e: {  	_ =	shalt  }
0x5f: {  	_ =	shalt  }
0x60: {  	_ =	shalt  }
0x61: {  	_ =	shalt  }
0x62: {  	_ =	shalt  }
0x63: {  	_ =	shalt  }
0x64: {  	_ =	shalt  }
0x65: {  	_ =	shalt  }
0x66: {  	_ =	shalt  }
0x67: {  	_ =	shalt  }
0x68: {  	_ =	shalt  }
0x69: {  	_ =	shalt  }
0x6a: {  	_ =	shalt  }
0x6b: {  	_ =	shalt  }
0x6c: {  	_ =	shalt  }
0x6d: {  	_ =	shalt  }
0x6e: {  	_ =	shalt  }
0x6f: {  	_ =	shalt  }
0x70: {  	_ =	shalt  }
0x71: {  	_ =	shalt  }
0x72: {  	_ =	shalt  }
0x73: {  	_ =	shalt  }
0x74: {  	_ =	shalt  }
0x75: {  	_ =	shalt  }
0x76: {  	_ =	shalt  }
0x77: {  	_ =	shalt  }
0x78: {  	_ =	shalt  }
0x79: {  	_ =	shalt  }
0x7a: {  	_ =	shalt  }
0x7b: {  	_ =	shalt  }
0x7c: {  	_ =	shalt  }
0x7d: {  	_ =	shalt  }
0x7e: {  	_ =	shalt  }
0x7f: {  	_ =	shalt  }
0x80: {  	_ =	shalt  }
0x81: {  	_ =	shalt  }
0x82: {  	_ =	shalt  }
0x83: {  	_ =	shalt  }
0x84: {  	_ =	shalt  }
0x85: {  	_ =	shalt  }
0x86: {  	_ =	shalt  }
0x87: {  	_ =	shalt  }
.Lfunc_end0:
.L_simem_size_0:
called_computation.3_lowered:
.L_overlay_start_0:
0x88: {  	s2 =	sld [smem:$0x3FD9]  }
0x89: {  	s3 =	sld [smem:$0x3FFE];
	_ =	sdelay $0x1  }
0x8a: {  	s1 =	srdreg.scid  }
0x8b: {  	s0 =	sand.u32 $0x1, s1  }
0x8c: {  	s17 =	sshll.u32 s0, $0xA;
	s2 =	sadd.s32 s3, s2  }
0x8d: {  	s2 =	sadd.s32 s2, s17  }
0x8e: {  	[smem:$0x3FB9] =	sst s2  }
0x8f: {  	_ = 	snop  }
0x90: {  	s2 =	sld [smem:$0x3FD0];
	(tm) =	ssettm $0x1  }
0x91: {  	s18 =	sld [smem:$0x3FFB];
	_ =	sdelay $0x3  }
0x92: {  	_ =	strace s18  }
0x93: {  	s3 =	sld [smem:$0x3FFC];
	_ =	sdelay $0x3  }
0x94: {  	_ =	strace s3  }
0x95: {  	s3 =	sld [smem:$0x3FFD];
	_ =	sdelay $0x3  }
0x96: {  	_ =	strace s3  }
0x97: {  	_ =	strace $0x8FFFFFFF  }
0x98: {  	s19 =	sld [smem:$0x3FDB];
	_ =	sdelay $0x1  }
0x99: {  	s4 =	simm.s32 $_scs_section_size  }
0x9a: {  	s5 =	simm.s32 $_size__tile_overlayer_lowered;
	s6 =	simm.s32 $_tile_overlayer_lowered  }
0x9b: {  	s22 =	simm.s32 $0x1BFF;
	s21 =	sshll.u32 s6, $0x1;
	s3 =	sadd.s32 s4, s19  }
0x9c: {  	s7 =	simm.s32 $0x0;
	s20 =	sshll.u32 s5, $0x1;
	s5 =	sadd.s32 s21, s3  }
0x9d: {  	[timem:s7], [sflag:s22] =	dma.local [hbm:s5], s20  }
0x9e: {  	_ =	swait.ge [sflag:s22], s20  }
0x9f: {  	s4 =	ssub.s32 $0x0, s20;
	[sflag:s22] =	ssyncset.done $0x0  }
0xa0: {  	[sflag:s22] =	ssyncadd.s32 s4;
	_ =	sdelay $0x1  }
0xa1: {  	s23 =	simm.s32 $0x1B8B  }
0xa2: {  	_ =	swait.ge [sflag:s23], $0x1  }
0xa3: {  	[sflag:s23] =	ssyncset.done $0x0  }
0xa4: {  	s25 =	simm.s32 $0x1B8E;
	s24 =	sld [smem:$0x3FFE];
	[sflag:s23] =	ssyncadd.s32 $0xFFFFFFFF  }
0xa5: {  	s26 =	simm.s32 $execute0_lowered;
	[smem:$0x3FD2] =	sst s25  }
0xa6: {  	s5 =	sshll.u32 s26, $0x1;
	_ =	strace $0x8000004F;
	[dreg:$0x1] =	wrdreg $0xFFFFFFFF  }
0xa7: {  	s28 =	simm.s32 $_size_execute0_lowered;
	s3 =	sadd.s32 s3, s5;
	[dreg:$0x0] =	wrdreg $0x0  }
0xa8: {  	s5 =	sshll.u32 s28, $0x1;
	[dreg:$0x2] =	wrdreg s3  }
0xa9: {  	[dreg:$0x3] =	wrdreg s5  }
0xaa: {  	[dreg:$0x4] =	wrdreg $0xC0  }
0xab: {  	_ =	task [dreg:s7], $0x5FFFF  }
0xac: {  	[dreg:$0x1] =	wrdreg $0xFFFFFFFF  }
0xad: {  	[dreg:$0x0] =	wrdreg $0x60  }
0xae: {  	[dreg:$0x2] =	wrdreg s2  }
0xaf: {  	[dreg:$0x3] =	wrdreg s24  }
0xb0: {  	[dreg:$0x4] =	wrdreg $0x0  }
0xb1: {  	[dreg:$0x5] =	wrdreg $0x9  }
0xb2: {  	_ =	task.clear_ibuf [dreg:s7], $0x6FFFF;
	_ =	strace $0x9000004F  }
0xb3: {  	s29 =	simm.s32 $0x9;
	_ =	strace $0x80000051  }
0xb4: {  	_ =	swait.ge [sflag:s29], $0x1  }
0xb5: {  	[sflag:s29] =	ssyncadd.s32 $0xFFFFFFFF  }
0xb6: {  	_ =	strace $0x90000051  }
0xb7: {  	_ =	sfence  }
0xb8: {  	s30 =	sld [smem:$0x0];
	_ =	sdelay $0x2  }
0xb9: {  	s31 =	sshll.u32 s1, $0xD;
	s1 =	sshrl.u32 s1, $0x2  }
0xba: {  	s3 =	sand.u32 $0x4000, s31;
	s1 =	sadd.s32 s1, s30  }
0xbb: {  	s0 =	sor.u32 s3, s0;
	s1 =	sshll.u32 s1, $0x11  }
0xbc: {  	s0 =	sor.u32 s1, s0  }
0xbd: {  	s0 =	sadd.s32 $0x8F2B, s0  }
0xbe: {  	[sflag:s0] =	ssyncadd.remote.s32 $0x1  }
0xbf: {  	_ =	sfence.sel $0xFFFF  }
0xc0: {  	[dreg:$0x0] =	wrdreg $0xFFFFFFFF;
	(pc) =	sbr.abs _section_cstart, $3  }
0xc1: {  	[dreg:$0x1] =	wrdreg $0xFFFFFFFF  }
0xc2: {  	_ =	task.clear_ibuf [dreg:s7], $0x2FFFF;
	_ =	strace $0x9FFFFFFF  }
0xc3: {  	(tm) =	ssettm $0x7FFFFFFF  }
tec
execute0_lowered:
.L_overlay_start_1:
0x0: {  	(tag) =	ssettag $0x1  }
0x1: {  	s1 =	rddreg [dreg:$0x0];
	s0 =	srdreg.scid  }
0x2: {  	s10 =	stileid.u32;
	s2 =	rddreg [dreg:$0x1]  }
0x3: {  	s4 =	rddreg [dreg:$0x2];
	s3 =	smul.u32 $0x2C00, s10  }
0x4: {  	s5 =	simm.s32 $0x0;
	s28 =	simm.s32 $0x5;
	s8 =	smul.u32 $0x13C00, s10  }
0x5: {  	s29 =	simm.s32 $0x1;
	s0 =	sand.u32 $0x1, s0;
	s18 =	smul.u32 $0x4F000, s10  }
0x6: {  	s30 =	simm.s32 $0x6;
	s31 =	simm.s32 $0x2;
	s6 =	smul.u32 $0x2C000, s0  }
0x7: {  	[smem:$0x7FF] =	sst s5;
	s19 =	sadd.s32 $0x13600, s2;
	s7 =	smul.u32 $0x13C000, s0  }
0x8: {  	_ =	strace $0x80000050;
	[dreg:$0x4] =	wrdreg s19;
	s0 =	ssub.s32 $0x2, s0  }
0x9: {  	s19 =	simm.s32 $0x16A00;
	s20 =	sshrl.u32 s0, $0x1;
	s6 =	sadd.s32 s3, s6  }
0xa: {  	s7 =	sadd.s32 s8, s7;
	s8 =	sshrl.u32 s18, $0x2;
	s0 =	ssub.s32 s0, s20  }
0xb: {  	s18 =	simm.s32 $0x7;
	s20 =	simm.s32 $0x78;
	s0 =	smax.u32 s0, $0x1  }
0xc: {  	s6 =	sshrl.u32 s6, $0x3;
	s8 =	sadd.s32 s8, s4;
	[dreg:$0xd] =	wrdreg s0  }
0xd: {  	s7 =	sshrl.u32 s7, $0x3;
	s22 =	sadd.s32 $0x3C00, s8;
	[dreg:$0x6] =	wrdreg s8  }
0xe: {  	s9 =	sadd.s32 s6, s2;
	s23 =	sadd.s32 $0x7800, s8;
	[dreg:$0x7] =	wrdreg s22  }
0xf: {  	s6 =	sadd.s32 $0x2E00, s2;
	s24 =	sadd.s32 $0xB400, s8;
	[dreg:$0x8] =	wrdreg s23  }
0x10: {  	s2 =	sadd.s32 s7, s2;
	s25 =	sadd.s32 $0xF000, s8;
	[dreg:$0x9] =	wrdreg s24  }
0x11: {  	s26 =	sadd.s32 $0x12C00, s8;
	s7 =	simm.s32 $0x0;
	[dreg:$0xa] =	wrdreg s25  }
0x12: {  	s21 =	sadd.s32 $0x8600, s9;
	[dreg:$0xb] =	wrdreg s26;
	s2 =	sadd.s32 $0x62000, s2  }
0x13: {  	s22 =	simm.s32 $0x1A600;
	s23 =	simm.s32 $0x16800;
	s24 =	simm.s32 $0x16880  }
0x14: {  	s25 =	simm.s32 $0x16900;
	s26 =	simm.s32 $0x16980;
	[dreg:$0x5] =	wrdreg s21  }
0x15: {  	[dreg:$0xc] =	wrdreg s2;
	s2 =	simm.s32 $0x3;
	s21 =	simm.s32 $0x4  }
.LBB2_1:
0x16: {  	[dreg:$0xe] =	wrdreg s7  }
0x17: {  	s0 =	rddreg [dreg:$0x5];
	s13 =	simm.s32 $0x13C00  }
0x18: {  	[tilespmem:s13], [sflag:$0x7] =	stream.linear.gather [hbm4b:s0+s5], $0x2A00, $0x38;
	[tilespmem:$0x1E200] =	vst v63  }
0x19: {  	_ =	swait.ge [sflag:s18], $0x2A00  }
0x1a: {  	[sflag:s18] =	ssyncset.done $0x0  }
0x1b: {  	s14 =	rddreg [dreg:$0x4];
	[sflag:s18] =	ssyncadd.s32 $0xFFFFD600  }
0x1c: {  	[tilespmem:s19], [sflag:$0x7] =	stream.linear.gather [hbm4b:s14+s5], $0x3C00, $0x38;
	[tilespmem:$0x1E200] =	vst v63  }
0x1d: {  	_ =	swait.ge [sflag:s18], $0x3C00  }
0x1e: {  	[sflag:s18] =	ssyncset.done $0x0  }
0x1f: {  	[sflag:s18] =	ssyncadd.s32 $0xFFFFC400  }
0x20: {  	[spmem:s8] =	stream.linear.scatter [tilespmem:s19], [sflag:$0x7], $0x3C00, $0x38;
	[tilespmem:$0x1E200] =	vst v63  }
0x21: {  	_ =	swait.ge [sflag:s18], $0x3C00  }
0x22: {  	[sflag:s18] =	ssyncset.done $0x0  }
0x23: {  	s15 =	rddreg [dreg:$0x7];
	[sflag:s18] =	ssyncadd.s32 $0xFFFFC400  }
0x24: {  	[spmem:s15] =	stream.linear.scatter [tilespmem:s19], [sflag:$0x7], $0x3C00, $0x38;
	[tilespmem:$0x1E200] =	vst v63  }
0x25: {  	_ =	swait.ge [sflag:s18], $0x3C00  }
0x26: {  	[sflag:s18] =	ssyncset.done $0x0  }
0x27: {  	s16 =	rddreg [dreg:$0x8];
	[sflag:s18] =	ssyncadd.s32 $0xFFFFC400  }
0x28: {  	[spmem:s16] =	stream.linear.scatter [tilespmem:s19], [sflag:$0x7], $0x3C00, $0x38;
	[tilespmem:$0x1E200] =	vst v63  }
0x29: {  	_ =	swait.ge [sflag:s18], $0x3C00  }
0x2a: {  	[sflag:s18] =	ssyncset.done $0x0  }
0x2b: {  	s17 =	rddreg [dreg:$0x9];
	[sflag:s18] =	ssyncadd.s32 $0xFFFFC400  }
0x2c: {  	[spmem:s17] =	stream.linear.scatter [tilespmem:s19], [sflag:$0x7], $0x3C00, $0x38;
	[tilespmem:$0x1E200] =	vst v63  }
0x2d: {  	_ =	swait.ge [sflag:s18], $0x3C00  }
0x2e: {  	[sflag:s18] =	ssyncset.done $0x0  }
0x2f: {  	s8 =	rddreg [dreg:$0xa];
	[sflag:s18] =	ssyncadd.s32 $0xFFFFC400  }
0x30: {  	[spmem:s8] =	stream.linear.scatter [tilespmem:s19], [sflag:$0x7], $0x3C00, $0x38;
	[tilespmem:$0x1E200] =	vst v63  }
0x31: {  	_ =	swait.ge [sflag:s18], $0x3C00  }
0x32: {  	[sflag:s18] =	ssyncset.done $0x0  }
0x33: {  	s9 =	rddreg [dreg:$0xb];
	[sflag:s18] =	ssyncadd.s32 $0xFFFFC400  }
0x34: {  	[spmem:s9] =	stream.linear.scatter [tilespmem:s19], [sflag:$0x7], $0x1000, $0x38;
	[tilespmem:$0x1E200] =	vst v63  }
0x35: {  	_ =	swait.ge [sflag:s18], $0x1000  }
0x36: {  	[sflag:s18] =	ssyncset.done $0x0  }
0x37: {  	s11 =	sand.u32 $0x3C00, s5;
	[sflag:s18] =	ssyncadd.s32 $0xFFFFF000  }
0x38: {  	s12 =	sand.u32 $0x200, s5;
	s7 =	sadd.s32 s3, s11;
	[bflag:$0x0] =	sbarrier.arrive $0xFFFF  }
0x39: {  	[tilespmem:s19], [sflag:$0x5] =	stream.indirect.gather [hbm4b:s1+s20], $0x80, s13, s20, $0xb8;
	[tilespmem:$0x1E200] =	vst v63  }
0x3a: {  	s10 =	simm.s32 $0x13C80;
	s8 =	sor.u32 s12, s7  }
0x3b: {  	[tilespmem:s22], [sflag:$0x6] =	stream.indirect.gather [hbm4b:s1+s20], $0x80, s10, s20, $0xb8;
	[tilespmem:$0x1E200] =	vst v63  }
0x3c: {  	s8 =	sshrl.u32 s8, $0x3;
	s10 =	simm.s32 $0x100  }
0x3d: {  	s11 =	simm.s32 $0x180;
	s8 =	sadd.s32 s6, s8;
	s10 =	sand.u32 $0x300, s10  }
0x3e: {  	[tilespmem:s23], [sflag:$0x1] =	stream.linear.gather [hbm4b:s8+s5], $0x80, $0x38;
	[tilespmem:$0x1E200] =	vst v63  }
0x3f: {  	s11 =	sand.u32 $0x380, s11;
	s10 =	sor.u32 s7, s10  }
0x40: {  	s8 =	sadd.s32 $0x10, s8;
	s7 =	sor.u32 s7, s11;
	s13 =	sshrl.u32 s10, $0x3  }
0x41: {  	[tilespmem:s24], [sflag:$0x2] =	stream.linear.gather [hbm4b:s8+s5], $0x80, $0x38;
	[tilespmem:$0x1E200] =	vst v63  }
0x42: {  	s7 =	sshrl.u32 s7, $0x3;
	s8 =	sadd.s32 s6, s13  }
0x43: {  	[tilespmem:s25], [sflag:$0x3] =	stream.linear.gather [hbm4b:s8+s5], $0x80, $0x38;
	[tilespmem:$0x1E200] =	vst v63  }
0x44: {  	s7 =	sadd.s32 s6, s7  }
0x45: {  	[tilespmem:s26], [sflag:$0x4] =	stream.linear.gather [hbm4b:s7+s5], $0x80, $0x38;
	[tilespmem:$0x1E200] =	vst v63  }
0x46: {  	_ =	swait.ge [sflag:s28], $0x3C00  }
0x47: {  	[sflag:s28] =	ssyncset.done $0x0  }
0x48: {  	[sflag:s28] =	ssyncadd.s32 $0xFFFFC400  }
0x49: {  	_ =	swait.ge [sflag:s29], $0x80  }
0x4a: {  	[sflag:s29] =	ssyncset.done $0x0  }
0x4b: {  	[sflag:s29] =	ssyncadd.s32 $0xFFFFFF80  }
0x4c: {  	[spmem:s4] =	stream.indirect.scatter.add.f32 [tilespmem:s19], [sflag:$0x7], $0x80, s23, s20, $0xb8;
	[tilespmem:$0x1E200] =	vst v63  }
0x4d: {  	_ =	swait.ge [sflag:s18], $0x3C00  }
0x4e: {  	[sflag:s18] =	ssyncset.done $0x0  }
0x4f: {  	s14 =	simm.s32 $0x13D00;
	[sflag:s18] =	ssyncadd.s32 $0xFFFFC400  }
0x50: {  	[tilespmem:s19], [sflag:$0x5] =	stream.indirect.gather [hbm4b:s1+s20], $0x80, s14, s20, $0xb8;
	[tilespmem:$0x1E200] =	vst v63  }
0x51: {  	s17 =	simm.s32 $0x8;
	_ =	swait.ge [sflag:s30], $0x3C00  }
0x52: {  	s11 =	simm.s32 $0x0;
	s10 =	simm.s32 $0x200;
	[sflag:s30] =	ssyncset.done $0x0  }
0x53: {  	s15 =	sand.u32 $0x3C00, s10;
	s16 =	sand.u32 $0x200, s10;
	[sflag:s30] =	ssyncadd.s32 $0xFFFFC400  }
0x54: {  	s13 =	simm.s32 $0x13D80;
	s12 =	sadd.s32 s3, s15;
	_ =	swait.ge [sflag:s31], $0x80  }
0x55: {  	s8 =	simm.s32 $0x13D80;
	s15 =	sor.u32 s16, s12;
	[sflag:s31] =	ssyncset.done $0x0  }
0x56: {  	s7 =	simm.s32 $0x4;
	s14 =	simm.s32 $0x380;
	[sflag:s31] =	ssyncadd.s32 $0xFFFFFF80  }
0x57: {  	[spmem:s4] =	stream.indirect.scatter.add.f32 [tilespmem:s22], [sflag:$0x7], $0x80, s24, s20, $0xb8;
	[tilespmem:$0x1E200] =	vst v63  }
.LBB2_2:
0x58: {  	s16 =	sadd.s32 $0x100, s10  }
0x59: {  	_ =	swait.ge [sflag:s18], $0x3C00;
	s8 =	sadd.s32 $0x200, s8;
	s9 =	smov.u32 s17  }
0x5a: {  	p0 =	sne.s32 s17, $0x50;
	s16 =	sand.u32 $0x300, s16;
	[sflag:s18] =	ssyncset.done $0x0  }
0x5b: {  	s17 =	sadd.s32 $0x4, s17;
	s16 =	sor.u32 s12, s16;
	[sflag:s18] =	ssyncadd.s32 $0xFFFFC400  }
0x5c: {  	[tilespmem:s22], [sflag:$0x6] =	stream.indirect.gather [hbm4b:s1+s20], $0x80, s13, s20, $0xb8;
	[tilespmem:$0x1E200] =	vst v63  }
0x5d: {  	s16 =	sshrl.u32 s16, $0x3;
	s13 =	smov.u32 s8;
	_ =	swait.ge [sflag:s28], $0x3C00  }
0x5e: {  	[sflag:s28] =	ssyncset.done $0x0  }
0x5f: {  	[sflag:s28] =	ssyncadd.s32 $0xFFFFC400  }
0x60: {  	_ =	swait.ge [sflag:s2], $0x80  }
0x61: {  	[sflag:s2] =	ssyncset.done $0x0  }
0x62: {  	[sflag:s2] =	ssyncadd.s32 $0xFFFFFF80  }
0x63: {  	[spmem:s4] =	stream.indirect.scatter.add.f32 [tilespmem:s19], [sflag:$0x7], $0x80, s25, s20, $0xb8;
	[tilespmem:$0x1E200] =	vst v63  }
0x64: {  	s0 =	smin.u32 s11, $0x4E;
	s11 =	smov.u32 s7;
	_ =	swait.ge [sflag:s18], $0x3C00  }
0x65: {  	s0 =	sshll.u32 s0, $0x7;
	s7 =	smov.u32 s9;
	[sflag:s18] =	ssyncset.done $0x0  }
0x66: {  	s9 =	sadd.s32 $0x13E00, s0;
	[sflag:s18] =	ssyncadd.s32 $0xFFFFC400  }
0x67: {  	[tilespmem:s19], [sflag:$0x5] =	stream.indirect.gather [hbm4b:s1+s20], $0x80, s9, s20, $0xb8;
	[tilespmem:$0x1E200] =	vst v63  }
0x68: {  	_ =	swait.ge [sflag:s30], $0x3C00  }
0x69: {  	[sflag:s30] =	ssyncset.done $0x0  }
0x6a: {  	[sflag:s30] =	ssyncadd.s32 $0xFFFFC400  }
0x6b: {  	_ =	swait.ge [sflag:s21], $0x80  }
0x6c: {  	[sflag:s21] =	ssyncset.done $0x0  }
0x6d: {  	[sflag:s21] =	ssyncadd.s32 $0xFFFFFF80  }
0x6e: {  	[spmem:s4] =	stream.indirect.scatter.add.f32 [tilespmem:s22], [sflag:$0x7], $0x80, s26, s20, $0xb8;
	[tilespmem:$0x1E200] =	vst v63  }
0x6f: {  	_ =	swait.ge [sflag:s18], $0x3C00  }
0x70: {  	s9 =	sshrl.u32 s15, $0x3;
	[sflag:s18] =	ssyncset.done $0x0  }
0x71: {  	s0 =	sadd.s32 $0x13E80, s0;
	s9 =	sadd.s32 s6, s9;
	[sflag:s18] =	ssyncadd.s32 $0xFFFFC400  }
0x72: {  	[tilespmem:s22], [sflag:$0x6] =	stream.indirect.gather [hbm4b:s1+s20], $0x80, s0, s20, $0xb8;
	[tilespmem:$0x1E200] =	vst v63  }
0x73: {  	_ = 	snop  }
0x74: {  	[tilespmem:s23], [sflag:$0x1] =	stream.linear.gather [hbm4b:s9+s5], $0x80, $0x38;
	[tilespmem:$0x1E200] =	vst v63  }
0x75: {  	s0 =	sadd.s32 $0x10, s9;
	s9 =	sand.u32 $0x380, s14  }
0x76: {  	[tilespmem:s24], [sflag:$0x2] =	stream.linear.gather [hbm4b:s0+s5], $0x80, $0x38;
	[tilespmem:$0x1E200] =	vst v63  }
0x77: {  	s0 =	sor.u32 s12, s9  }
0x78: {  	s9 =	sadd.s32 s6, s16;
	s0 =	sshrl.u32 s0, $0x3  }
0x79: {  	[tilespmem:s25], [sflag:$0x3] =	stream.linear.gather [hbm4b:s9+s5], $0x80, $0x38;
	[tilespmem:$0x1E200] =	vst v63  }
0x7a: {  	s0 =	sadd.s32 s6, s0  }
0x7b: {  	[tilespmem:s26], [sflag:$0x4] =	stream.linear.gather [hbm4b:s0+s5], $0x80, $0x38;
	[tilespmem:$0x1E200] =	vst v63  }
0x7c: {  	_ =	swait.ge [sflag:s28], $0x3C00  }
0x7d: {  	[sflag:s28] =	ssyncset.done $0x0  }
0x7e: {  	[sflag:s28] =	ssyncadd.s32 $0xFFFFC400  }
0x7f: {  	_ =	swait.ge [sflag:s29], $0x80  }
0x80: {  	[sflag:s29] =	ssyncset.done $0x0  }
0x81: {  	[sflag:s29] =	ssyncadd.s32 $0xFFFFFF80  }
0x82: {  	[spmem:s4] =	stream.indirect.scatter.add.f32 [tilespmem:s19], [sflag:$0x7], $0x80, s23, s20, $0xb8;
	[tilespmem:$0x1E200] =	vst v63  }
0x83: {  	_ =	swait.ge [sflag:s18], $0x3C00  }
0x84: {  	[sflag:s18] =	ssyncset.done $0x0  }
0x85: {  	s0 =	sadd.s32 $0xFFFFFF80, s8;
	[sflag:s18] =	ssyncadd.s32 $0xFFFFC400  }
0x86: {  	[tilespmem:s19], [sflag:$0x5] =	stream.indirect.gather [hbm4b:s1+s20], $0x80, s0, s20, $0xb8;
	[tilespmem:$0x1E200] =	vst v63  }
0x87: {  	s10 =	sadd.s32 $0x200, s10;
	_ =	swait.ge [sflag:s30], $0x3C00  }
0x88: {  	s14 =	sadd.s32 $0x180, s10;
	[sflag:s30] =	ssyncset.done $0x0  }
.Ltmp0:
0x89: {  	s0 =	sand.u32 $0x3C00, s10;
	[sflag:s30] =	ssyncadd.s32 $0xFFFFC400;
	(pc) =	sbr.rel @p0 .LBB2_2-.Ltmp0, $4  }
0x8a: {  	s12 =	sadd.s32 s3, s0;
	s0 =	sand.u32 $0x200, s10;
	_ =	swait.ge [sflag:s31], $0x80  }
0x8b: {  	[sflag:s31] =	ssyncset.done $0x0  }
0x8c: {  	s15 =	sor.u32 s0, s12;
	[sflag:s31] =	ssyncadd.s32 $0xFFFFFF80  }
0x8d: {  	[spmem:s4] =	stream.indirect.scatter.add.f32 [tilespmem:s22], [sflag:$0x7], $0x80, s24, s20, $0xb8;
	[tilespmem:$0x1E200] =	vst v63  }
0x8e: {  	_ =	swait.ge [sflag:s18], $0x3C00  }
0x8f: {  	[sflag:s18] =	ssyncset.done $0x0  }
0x90: {  	[sflag:s18] =	ssyncadd.s32 $0xFFFFC400  }
0x91: {  	[tilespmem:s22], [sflag:$0x6] =	stream.indirect.gather [hbm4b:s1+s20], $0x80, s13, s20, $0xb8;
	[tilespmem:$0x1E200] =	vst v63  }
0x92: {  	_ =	swait.ge [sflag:s28], $0x3C00  }
0x93: {  	[sflag:s28] =	ssyncset.done $0x0  }
0x94: {  	[sflag:s28] =	ssyncadd.s32 $0xFFFFC400  }
0x95: {  	_ =	swait.ge [sflag:s2], $0x80  }
0x96: {  	[sflag:s2] =	ssyncset.done $0x0  }
0x97: {  	[sflag:s2] =	ssyncadd.s32 $0xFFFFFF80  }
0x98: {  	[spmem:s4] =	stream.indirect.scatter.add.f32 [tilespmem:s19], [sflag:$0x7], $0x80, s25, s20, $0xb8;
	[tilespmem:$0x1E200] =	vst v63  }
0x99: {  	s0 =	smin.u32 s11, $0x4E;
	_ =	swait.ge [sflag:s18], $0x3C00  }
0x9a: {  	s0 =	sshll.u32 s0, $0x7;
	[sflag:s18] =	ssyncset.done $0x0  }
0x9b: {  	s9 =	sadd.s32 $0x13E00, s0;
	[sflag:s18] =	ssyncadd.s32 $0xFFFFC400  }
0x9c: {  	[tilespmem:s19], [sflag:$0x5] =	stream.indirect.gather [hbm4b:s1+s20], $0x80, s9, s20, $0xb8;
	[tilespmem:$0x1E200] =	vst v63  }
0x9d: {  	_ =	swait.ge [sflag:s30], $0x3C00  }
0x9e: {  	[sflag:s30] =	ssyncset.done $0x0  }
0x9f: {  	[sflag:s30] =	ssyncadd.s32 $0xFFFFC400  }
0xa0: {  	_ =	swait.ge [sflag:s21], $0x80  }
0xa1: {  	[sflag:s21] =	ssyncset.done $0x0  }
0xa2: {  	[sflag:s21] =	ssyncadd.s32 $0xFFFFFF80  }
0xa3: {  	[spmem:s4] =	stream.indirect.scatter.add.f32 [tilespmem:s22], [sflag:$0x7], $0x80, s26, s20, $0xb8;
	[tilespmem:$0x1E200] =	vst v63  }
0xa4: {  	_ =	swait.ge [sflag:s18], $0x3C00  }
0xa5: {  	[sflag:s18] =	ssyncset.done $0x0  }
0xa6: {  	s15 =	sshrl.u32 s15, $0x3;
	s0 =	sadd.s32 $0x13E80, s0;
	[sflag:s18] =	ssyncadd.s32 $0xFFFFC400  }
0xa7: {  	[tilespmem:s22], [sflag:$0x6] =	stream.indirect.gather [hbm4b:s1+s20], $0x80, s0, s20, $0xb8;
	[tilespmem:$0x1E200] =	vst v63  }
0xa8: {  	s0 =	sadd.s32 s6, s15  }
0xa9: {  	[tilespmem:s23], [sflag:$0x1] =	stream.linear.gather [hbm4b:s0+s5], $0x80, $0x38;
	[tilespmem:$0x1E200] =	vst v63  }
0xaa: {  	s16 =	sadd.s32 $0x100, s10;
	s0 =	sadd.s32 $0x10, s0  }
0xab: {  	[tilespmem:s24], [sflag:$0x2] =	stream.linear.gather [hbm4b:s0+s5], $0x80, $0x38;
	[tilespmem:$0x1E200] =	vst v63  }
0xac: {  	s0 =	sand.u32 $0x300, s16  }
0xad: {  	s17 =	sand.u32 $0x380, s14;
	s0 =	sor.u32 s12, s0  }
0xae: {  	s9 =	sor.u32 s12, s17;
	s0 =	sshrl.u32 s0, $0x3  }
0xaf: {  	s9 =	sshrl.u32 s9, $0x3;
	s0 =	sadd.s32 s6, s0  }
0xb0: {  	[tilespmem:s25], [sflag:$0x3] =	stream.linear.gather [hbm4b:s0+s5], $0x80, $0x38;
	[tilespmem:$0x1E200] =	vst v63  }
0xb1: {  	s0 =	sadd.s32 s6, s9  }
0xb2: {  	[tilespmem:s26], [sflag:$0x4] =	stream.linear.gather [hbm4b:s0+s5], $0x80, $0x38;
	[tilespmem:$0x1E200] =	vst v63  }
0xb3: {  	_ =	swait.ge [sflag:s28], $0x3C00  }
0xb4: {  	[sflag:s28] =	ssyncset.done $0x0  }
0xb5: {  	[sflag:s28] =	ssyncadd.s32 $0xFFFFC400  }
0xb6: {  	_ =	swait.ge [sflag:s29], $0x80  }
0xb7: {  	[sflag:s29] =	ssyncset.done $0x0  }
0xb8: {  	[sflag:s29] =	ssyncadd.s32 $0xFFFFFF80  }
0xb9: {  	[spmem:s4] =	stream.indirect.scatter.add.f32 [tilespmem:s19], [sflag:$0x7], $0x80, s23, s20, $0xb8;
	[tilespmem:$0x1E200] =	vst v63  }
0xba: {  	_ =	swait.ge [sflag:s18], $0x3C00  }
0xbb: {  	s10 =	sadd.s32 $0x200, s8;
	[sflag:s18] =	ssyncset.done $0x0  }
0xbc: {  	s8 =	sadd.s32 $0xFFFFFF80, s10;
	[sflag:s18] =	ssyncadd.s32 $0xFFFFC400  }
0xbd: {  	[tilespmem:s19], [sflag:$0x5] =	stream.indirect.gather [hbm4b:s1+s20], $0x80, s8, s20, $0xb8;
	[tilespmem:$0x1E200] =	vst v63  }
0xbe: {  	_ =	swait.ge [sflag:s30], $0x3C00  }
0xbf: {  	[sflag:s30] =	ssyncset.done $0x0  }
0xc0: {  	[sflag:s30] =	ssyncadd.s32 $0xFFFFC400  }
0xc1: {  	_ =	swait.ge [sflag:s31], $0x80  }
0xc2: {  	[sflag:s31] =	ssyncset.done $0x0  }
0xc3: {  	[sflag:s31] =	ssyncadd.s32 $0xFFFFFF80  }
0xc4: {  	[spmem:s4] =	stream.indirect.scatter.add.f32 [tilespmem:s22], [sflag:$0x7], $0x80, s24, s20, $0xb8;
	[tilespmem:$0x1E200] =	vst v63  }
0xc5: {  	_ =	swait.ge [sflag:s18], $0x3C00  }
0xc6: {  	[sflag:s18] =	ssyncset.done $0x0  }
0xc7: {  	[sflag:s18] =	ssyncadd.s32 $0xFFFFC400  }
0xc8: {  	[tilespmem:s22], [sflag:$0x6] =	stream.indirect.gather [hbm4b:s1+s20], $0x80, s10, s20, $0xb8;
	[tilespmem:$0x1E200] =	vst v63  }
0xc9: {  	_ =	swait.ge [sflag:s28], $0x3C00  }
0xca: {  	[sflag:s28] =	ssyncset.done $0x0  }
0xcb: {  	[sflag:s28] =	ssyncadd.s32 $0xFFFFC400  }
0xcc: {  	_ =	swait.ge [sflag:s2], $0x80  }
0xcd: {  	[sflag:s2] =	ssyncset.done $0x0  }
0xce: {  	[sflag:s2] =	ssyncadd.s32 $0xFFFFFF80  }
0xcf: {  	[spmem:s4] =	stream.indirect.scatter.add.f32 [tilespmem:s19], [sflag:$0x7], $0x80, s25, s20, $0xb8;
	[tilespmem:$0x1E200] =	vst v63  }
0xd0: {  	s11 =	smin.u32 s7, $0x4E;
	_ =	swait.ge [sflag:s18], $0x3C00  }
0xd1: {  	s0 =	sshll.u32 s11, $0x7;
	[sflag:s18] =	ssyncset.done $0x0  }
0xd2: {  	s12 =	sadd.s32 $0x13E00, s0;
	[sflag:s18] =	ssyncadd.s32 $0xFFFFC400  }
0xd3: {  	[tilespmem:s19], [sflag:$0x5] =	stream.indirect.gather [hbm4b:s1+s20], $0x80, s12, s20, $0xb8;
	[tilespmem:$0x1E200] =	vst v63  }
0xd4: {  	_ =	swait.ge [sflag:s30], $0x3C00  }
0xd5: {  	[sflag:s30] =	ssyncset.done $0x0  }
0xd6: {  	[sflag:s30] =	ssyncadd.s32 $0xFFFFC400  }
0xd7: {  	_ =	swait.ge [sflag:s21], $0x80  }
0xd8: {  	[sflag:s21] =	ssyncset.done $0x0  }
0xd9: {  	[sflag:s21] =	ssyncadd.s32 $0xFFFFFF80  }
0xda: {  	[spmem:s4] =	stream.indirect.scatter.add.f32 [tilespmem:s22], [sflag:$0x7], $0x80, s26, s20, $0xb8;
	[tilespmem:$0x1E200] =	vst v63  }
0xdb: {  	_ =	swait.ge [sflag:s18], $0x3C00  }
0xdc: {  	[sflag:s18] =	ssyncset.done $0x0  }
0xdd: {  	s0 =	sadd.s32 $0x13E80, s0;
	[sflag:s18] =	ssyncadd.s32 $0xFFFFC400  }
0xde: {  	[tilespmem:s22], [sflag:$0x6] =	stream.indirect.gather [hbm4b:s1+s20], $0x80, s0, s20, $0xb8;
	[tilespmem:$0x1E200] =	vst v63  }
0xdf: {  	_ =	swait.ge [sflag:s28], $0x3C00  }
0xe0: {  	[sflag:s28] =	ssyncset.done $0x0  }
0xe1: {  	[sflag:s28] =	ssyncadd.s32 $0xFFFFC400  }
0xe2: {  	_ =	swait.ge [sflag:s30], $0x3C00  }
0xe3: {  	[sflag:s30] =	ssyncset.done $0x0  }
0xe4: {  	[sflag:s30] =	ssyncadd.s32 $0xFFFFC400  }
0xe5: {  	s13 =	stileid.u32;
	[bflag:$0x0] =	sbarrier.arrive $0xFFFF  }
0xe6: {  	s0 =	sshll.u32 s13, $0x6;
	s8 =	rddreg [dreg:$0x6]  }
0xe7: {  	s0 =	sor.u32 $0x1C07, s0;
	s15 =	rddreg [dreg:$0xc];
	s14 =	sshrl.u32 s8, $0x3  }
0xe8: {  	[hbm:s15], [sflag:s0] =	dma.local [spmem:s14], $0x2780  }
0xe9: {  	_ =	swait.ge [sflag:s18], $0x2780  }
0xea: {  	s16 =	rddreg [dreg:$0xe]  }
0xeb: {  	s17 =	rddreg [dreg:$0xd];
	s7 =	sadd.s32 $0x1, s16  }
0xec: {  	p0 =	sne.s32 s7, s17  }
.Ltmp1:
0xed: {  	_ = 	snop;
	(pc) =	sbr.rel @p0 .LBB2_1-.Ltmp1, $3  }
0xee: {  	_ =	sdelay $0x1  }
0xef: {  	[sflag:s18] =	ssyncset.done $0x0  }
0xf0: {  	[sflag:s18] =	ssyncadd.s32 $0xFFFFD880  }
0xf1: {  	_ =	sfence.sel $0x180000  }
0xf2: {  	[bflag:$0x0] =	sbarrier.arrive $0xFFFF  }
0xf3: {  	_ =	strace $0x90000050  }
0xf4: {  	s0 =	stileid.u32;
	[bflag:$0x2] =	sbarrier.arrive $0xFFFF  }
0xf5: {  	p0 =	sne.s32 s0, $0x0;
	s0 =	rddreg [dreg:$0x3]  }
0xf6: {  	s0 =	sadd.s32 @!p0 $0x100000, s0  }
0xf7: {  	[sflag:s0] =	ssyncadd.tile.s32 @!p0 $0x1;
	_ =	shalt  }
.Lfunc_end2:
_tile_overlayer_lowered:
.L_overlay_start_2:
0xf8: {  	(tag) =	ssettag $0x2  }
0xf9: {  	s0 =	rddreg [dreg:$0x0];
	s2 =	stileid.u32  }
0xfa: {  	s1 =	rddreg [dreg:$0x1];
	p0 =	sne.s32 s2, $0x0  }
0xfb: {  	s3 =	rddreg [dreg:$0x2];
	[bflag:$0x3] =	sbarrier.arrive $0xFFFF;
	s2 =	simm.s32 @!p0 $0x1C07  }
0xfc: {  	[timem:s3], [sflag:s2] =	dma.local @!p0 [hbm:s0], s1  }
0xfd: {  	s0 =	simm.s32 @!p0 $0x7  }
0xfe: {  	_ =	swait.ge @!p0 [sflag:s0], s1  }
0xff: {  	s1 =	ssub.s32 @!p0 $0x0, s1;
	[sflag:s0] =	ssyncset.done @!p0 $0x0  }
0x100: {  	[sflag:s0] =	ssyncadd.s32 @!p0 s1  }
0x101: {  	[bflag:$0x3] =	sbarrier.arrive $0xFFFF  }
0x102: {  	_ =	shalt  }

// kernel: kernel.9.cloned.1.call-start
scs
__scs_entry_jumppad:
0x0: {  	(pc) =	sbr.rel $0x88, $3  }
0x1: {  	(tag) =	ssettag $0x0;
	lr =	simm.s32 $0x1  }
0x2: {  	[smem:$0x3F92] =	sst lr;
	_ =	strace $0xD0000000  }
0x3: {  	_ = 	snop  }
0x4: {  	_ = 	snop  }
0x5: {  	_ = 	snop  }
0x6: {  	_ = 	snop  }
0x7: {  	_ = 	snop  }
__scs_overlays_trampoline_lowered:
0x8: {  	[smem:$0x3FA1] =	sst s0  }
0x9: {  	[smem:$0x3FA2] =	sst s1  }
0xa: {  	[smem:$0x3FA3] =	sst s2  }
0xb: {  	[smem:$0x3FA4] =	sst s3  }
0xc: {  	[smem:$0x3FA5] =	sst s4  }
0xd: {  	[smem:$0x3FA6] =	sst s5  }
0xe: {  	[smem:$0x3FA7] =	sst s6  }
0xf: {  	[smem:$0x3FA8] =	sst s7  }
0x10: {  	[smem:$0x3FA9] =	sst s8  }
0x11: {  	[smem:$0x3FAA] =	sst s9;
	s0 =	simm.s32 @!p0 $0x0  }
0x12: {  	s1 =	sld [smem:$0x3F90];
	s0 =	simm.s32 @p0 $0x1  }
0x13: {  	[smem:$0x3FAB] =	sst s0;
	s0 =	simm.s32 @!p1 $0x0  }
0x14: {  	s2 =	sld [smem:$0x3F8F];
	s0 =	simm.s32 @p1 $0x1  }
0x15: {  	[smem:$0x3FAC] =	sst s0;
	s0 =	simm.s32 @!p2 $0x0  }
0x16: {  	s3 =	sld [smem:$0x3FDB];
	s0 =	simm.s32 @p2 $0x1  }
0x17: {  	s4 =	simm.s32 $0x1BF5;
	[smem:$0x3FAE] =	sst s0  }
0x18: {  	s0 =	sld [smem:$0x3F91];
	_ =	swait.ge [sflag:s4], $0x0  }
0x19: {  	s7 =	sld [smem:$0x3F92]  }
0x1a: {  	s8 =	sadd.s32 $0xFFFFE003, lr  }
0x1b: {  	s9 =	sadd.s32 $0xFFFFFEF7, lr;
	s5 =	simm.s32 $0xFFFFFFFF;
	p2 =	slt.u32 s8, $0xFFFFF086  }
0x1c: {  	p1 =	slt.u32 s9, $0xF7A;
	s5 =	simm.s32 @!p2 $0x0  }
0x1d: {  	s5 =	simm.s32 @p1 $0x1;
	p0 =	seq.s32 s7, s2  }
0x1e: {  	s7 =	smul.u32 @!p0 $0xF7A, s2;
	p2 =	seq.s32 @!p0 s5, $0x0  }
0x1f: {  	s9 =	smul.u32 $0xF7A, s1;
	s8 =	simm.s32 @!p0 $0x1BF5;
	p2 =	por !p2, p0  }
0x20: {  	[sflag:s8] =	ssyncset.s32 @!p0 $0xFFFFF086;
	s6 =	sadd.s32 @!p0 s3, s7;
	s7 =	simm.s32 @!p0 $0x108  }
0x21: {  	s3 =	sadd.s32 s3, s9;
	s6 =	sadd.s32 @!p0 $0x88, s6;
	s7 =	simm.s32 @p2 $0x1082  }
0x22: {  	[simem:s7], [sflag:s8] =	dma.local @!p0 [hbm:s6], $0xF7A  }
0x23: {  	s9 =	sor.u32 $0xD0000000, s2;
	s6 =	simm.s32 $0x108;
	_ =	swait.ge @!p0 [sflag:s8], $0x0  }
0x24: {  	s3 =	sadd.s32 $0x88, s3;
	s6 =	simm.s32 @!p1 $0x1082;
	[sflag:s4] =	ssyncset.s32 $0xFFFFF086  }
0x25: {  	[simem:s6], [sflag:s4] =	dma.local [hbm:s3], $0xF7A  }
0x26: {  	[smem:$0x3F92] =	sst s1;
	(tag) =	ssettag s2;
	_ =	strace s9  }
0x27: {  	s1 =	sld [smem:$0x3FA2]  }
0x28: {  	s2 =	sld [smem:$0x3FA3]  }
0x29: {  	s4 =	sld [smem:$0x3FA5]  }
0x2a: {  	p0 =	seq.s32 s5, $0x0;
	s5 =	sld [smem:$0x3FA6]  }
0x2b: {  	s6 =	sld [smem:$0x3FA7]  }
0x2c: {  	s7 =	sld [smem:$0x3FA8]  }
0x2d: {  	s3 =	simm.s32 $0x108;
	s8 =	sld [smem:$0x3FA9]  }
0x2e: {  	s3 =	simm.s32 @!p0 $0x1082;
	s9 =	sld [smem:$0x3FAA]  }
0x2f: {  	lr =	sadd.s32 s0, s3;
	s0 =	sld [smem:$0x3FA1]  }
0x30: {  	s3 =	sld [smem:$0x3FA4]  }
0x31: {  	[smem:$0x3FAD] =	sst s10  }
0x32: {  	s10 =	sld [smem:$0x3FAB];
	_ =	sdelay $0x3  }
0x33: {  	p0 =	seq.s32 s10, $0x1;
	s10 =	sld [smem:$0x3FAD];
	_ =	sdelay $0x3  }
0x34: {  	[smem:$0x3FAD] =	sst s10  }
0x35: {  	s10 =	sld [smem:$0x3FAC];
	_ =	sdelay $0x3  }
0x36: {  	p1 =	seq.s32 s10, $0x1;
	s10 =	sld [smem:$0x3FAD];
	_ =	sdelay $0x3  }
0x37: {  	[smem:$0x3FAD] =	sst s10  }
0x38: {  	s10 =	sld [smem:$0x3FAE]  }
0x39: {  	_ = 	snop;
	(pc) =	sbr.ind lr, $3  }
0x3a: {  	_ = 	snop  }
0x3b: {  	_ = 	snop  }
0x3c: {  	p2 =	seq.s32 s10, $0x1;
	s10 =	sld [smem:$0x3FAD]  }
0x3d: {  	_ =	shalt  }
0x3e: {  	_ =	shalt  }
0x3f: {  	_ =	shalt  }
0x40: {  	_ =	shalt  }
0x41: {  	_ =	shalt  }
0x42: {  	_ =	shalt  }
0x43: {  	_ =	shalt  }
0x44: {  	_ =	shalt  }
0x45: {  	_ =	shalt  }
0x46: {  	_ =	shalt  }
0x47: {  	_ =	shalt  }
0x48: {  	_ =	shalt  }
0x49: {  	_ =	shalt  }
0x4a: {  	_ =	shalt  }
0x4b: {  	_ =	shalt  }
0x4c: {  	_ =	shalt  }
0x4d: {  	_ =	shalt  }
0x4e: {  	_ =	shalt  }
0x4f: {  	_ =	shalt  }
0x50: {  	_ =	shalt  }
0x51: {  	_ =	shalt  }
0x52: {  	_ =	shalt  }
0x53: {  	_ =	shalt  }
0x54: {  	_ =	shalt  }
0x55: {  	_ =	shalt  }
0x56: {  	_ =	shalt  }
0x57: {  	_ =	shalt  }
0x58: {  	_ =	shalt  }
0x59: {  	_ =	shalt  }
0x5a: {  	_ =	shalt  }
0x5b: {  	_ =	shalt  }
0x5c: {  	_ =	shalt  }
0x5d: {  	_ =	shalt  }
0x5e: {  	_ =	shalt  }
0x5f: {  	_ =	shalt  }
0x60: {  	_ =	shalt  }
0x61: {  	_ =	shalt  }
0x62: {  	_ =	shalt  }
0x63: {  	_ =	shalt  }
0x64: {  	_ =	shalt  }
0x65: {  	_ =	shalt  }
0x66: {  	_ =	shalt  }
0x67: {  	_ =	shalt  }
0x68: {  	_ =	shalt  }
0x69: {  	_ =	shalt  }
0x6a: {  	_ =	shalt  }
0x6b: {  	_ =	shalt  }
0x6c: {  	_ =	shalt  }
0x6d: {  	_ =	shalt  }
0x6e: {  	_ =	shalt  }
0x6f: {  	_ =	shalt  }
0x70: {  	_ =	shalt  }
0x71: {  	_ =	shalt  }
0x72: {  	_ =	shalt  }
0x73: {  	_ =	shalt  }
0x74: {  	_ =	shalt  }
0x75: {  	_ =	shalt  }
0x76: {  	_ =	shalt  }
0x77: {  	_ =	shalt  }
0x78: {  	_ =	shalt  }
0x79: {  	_ =	shalt  }
0x7a: {  	_ =	shalt  }
0x7b: {  	_ =	shalt  }
0x7c: {  	_ =	shalt  }
0x7d: {  	_ =	shalt  }
0x7e: {  	_ =	shalt  }
0x7f: {  	_ =	shalt  }
0x80: {  	_ =	shalt  }
0x81: {  	_ =	shalt  }
0x82: {  	_ =	shalt  }
0x83: {  	_ =	shalt  }
0x84: {  	_ =	shalt  }
0x85: {  	_ =	shalt  }
0x86: {  	_ =	shalt  }
0x87: {  	_ =	shalt  }
.Lfunc_end0:
.L_simem_size_0:
called_computation_lowered:
.L_overlay_start_0:
0x88: {  	s2 =	sld [smem:$0x3FD9]  }
0x89: {  	s3 =	sld [smem:$0x3FFE];
	_ =	sdelay $0x1  }
0x8a: {  	s1 =	srdreg.scid  }
0x8b: {  	s0 =	sand.u32 $0x1, s1  }
0x8c: {  	s17 =	sshll.u32 s0, $0xA;
	s2 =	sadd.s32 s3, s2  }
0x8d: {  	s2 =	sadd.s32 s2, s17  }
0x8e: {  	[smem:$0x3FB9] =	sst s2  }
0x8f: {  	_ = 	snop  }
0x90: {  	(tm) =	ssettm $0x1  }
0x91: {  	s18 =	sld [smem:$0x3FFB];
	_ =	sdelay $0x3  }
0x92: {  	_ =	strace s18  }
0x93: {  	s2 =	sld [smem:$0x3FFC];
	_ =	sdelay $0x3  }
0x94: {  	_ =	strace s2  }
0x95: {  	s2 =	sld [smem:$0x3FFD];
	_ =	sdelay $0x3  }
0x96: {  	_ =	strace s2  }
0x97: {  	_ =	strace $0x8FFFFFFF  }
0x98: {  	s19 =	sld [smem:$0x3FDB];
	_ =	sdelay $0x1  }
0x99: {  	s20 =	simm.s32 $_scs_section_size  }
0x9a: {  	s4 =	simm.s32 $_size__tile_overlayer_lowered;
	s5 =	simm.s32 $_tile_overlayer_lowered  }
0x9b: {  	s6 =	simm.s32 $0x1BFF;
	s21 =	sshll.u32 s5, $0x1;
	s3 =	sadd.s32 s20, s19  }
0x9c: {  	s22 =	simm.s32 $0x0;
	s4 =	sshll.u32 s4, $0x1;
	s5 =	sadd.s32 s21, s3  }
0x9d: {  	[timem:s22], [sflag:s6] =	dma.local [hbm:s5], s4  }
0x9e: {  	_ =	swait.ge [sflag:s6], s4  }
0x9f: {  	s4 =	ssub.s32 $0x0, s4;
	[sflag:s6] =	ssyncset.done $0x0  }
0xa0: {  	[sflag:s6] =	ssyncadd.s32 s4;
	_ =	sdelay $0x1  }
0xa1: {  	s23 =	simm.s32 $0x1B8B  }
0xa2: {  	_ =	swait.ge [sflag:s23], $0x1  }
0xa3: {  	[sflag:s23] =	ssyncset.done $0x0  }
0xa4: {  	[sflag:s23] =	ssyncadd.s32 $0xFFFFFFFF  }
0xa5: {  	s4 =	sld [smem:$0x0]  }
0xa6: {  	s5 =	sand.u32 $0xFFFFFFFE, s1  }
0xa7: {  	p0 =	sne.s32 s1, s5  }
0xa8: {  	s5 =	sshll.u32 @p0 s5, $0xE  }
0xa9: {  	s5 =	sadd.s32 @p0 $0x11B8D, s5;
	s6 =	sshll.u32 @p0 s4, $0x11  }
0xaa: {  	s5 =	sor.u32 @p0 s6, s5  }
0xab: {  	[sflag:s5] =	ssyncadd.remote.s32 @p0 $0x1;
	_ =	sdelay $0x1  }
0xac: {  	s5 =	simm.s32 @p0 $0x1B8D  }
0xad: {  	_ =	swait.eq @p0 [sflag:s5], $0x1  }
0xae: {  	[sflag:s5] =	ssyncadd.s32 @p0 $0xFFFFFFFF  }
0xaf: {  	s6 =	sshll.u32 @!p0 s1, $0xE  }
0xb0: {  	s6 =	sor.u32 @!p0 $0x4000, s6;
	s5 =	simm.s32 @!p0 $0x1B8D  }
0xb1: {  	s4 =	sshll.u32 @!p0 s4, $0x11;
	s6 =	sadd.s32 @!p0 $0x11B8D, s6;
	_ =	swait.eq @!p0 [sflag:s5], $0x1  }
0xb2: {  	s4 =	sor.u32 @!p0 s4, s6;
	[sflag:s5] =	ssyncadd.s32 @!p0 $0xFFFFFFFF  }
0xb3: {  	s25 =	simm.s32 $0x1B8E;
	s24 =	sld [smem:$0x3FFE];
	[sflag:s4] =	ssyncadd.remote.s32 @!p0 $0x1  }
0xb4: {  	s26 =	simm.s32 $execute0_lowered;
	[smem:$0x3FD2] =	sst s25  }
0xb5: {  	s5 =	sshll.u32 s26, $0x1;
	_ =	strace $0x80000049;
	[dreg:$0x1] =	wrdreg $0xFFFFFFFF  }
0xb6: {  	s28 =	simm.s32 $_size_execute0_lowered;
	s3 =	sadd.s32 s3, s5;
	[dreg:$0x0] =	wrdreg $0x0  }
0xb7: {  	s5 =	sshll.u32 s28, $0x1;
	[dreg:$0x2] =	wrdreg s3  }
0xb8: {  	[dreg:$0x3] =	wrdreg s5  }
0xb9: {  	[dreg:$0x4] =	wrdreg $0xC0  }
0xba: {  	_ =	task [dreg:s22], $0x5FFFF  }
0xbb: {  	[dreg:$0x1] =	wrdreg $0xFFFFFFFF  }
0xbc: {  	[dreg:$0x0] =	wrdreg $0x60  }
0xbd: {  	[dreg:$0x2] =	wrdreg s24  }
0xbe: {  	[dreg:$0x3] =	wrdreg $0x0  }
0xbf: {  	[dreg:$0x4] =	wrdreg $0x9  }
0xc0: {  	_ =	task.clear_ibuf [dreg:s22], $0x5FFFF;
	_ =	strace $0x90000049  }
0xc1: {  	s29 =	simm.s32 $0x9;
	_ =	strace $0x8000004B  }
0xc2: {  	_ =	swait.ge [sflag:s29], $0x1  }
0xc3: {  	[sflag:s29] =	ssyncadd.s32 $0xFFFFFFFF  }
0xc4: {  	_ =	strace $0x9000004B  }
0xc5: {  	_ =	sfence  }
0xc6: {  	s30 =	sld [smem:$0x0];
	_ =	sdelay $0x2  }
0xc7: {  	s31 =	sshll.u32 s1, $0xD;
	s1 =	sshrl.u32 s1, $0x2  }
0xc8: {  	s4 =	sand.u32 $0x4000, s31;
	s1 =	sadd.s32 s1, s30  }
0xc9: {  	s0 =	sor.u32 s4, s0;
	s1 =	sshll.u32 s1, $0x11  }
0xca: {  	s0 =	sor.u32 s1, s0  }
0xcb: {  	s0 =	sadd.s32 $0x8F2B, s0  }
0xcc: {  	[sflag:s0] =	ssyncadd.remote.s32 $0x1  }
0xcd: {  	_ =	sfence.sel $0xFFFF  }
0xce: {  	[dreg:$0x0] =	wrdreg $0xFFFFFFFF;
	(pc) =	sbr.abs _section_cstart, $3  }
0xcf: {  	[dreg:$0x1] =	wrdreg $0xFFFFFFFF  }
0xd0: {  	_ =	task.clear_ibuf [dreg:s22], $0x2FFFF;
	_ =	strace $0x9FFFFFFF  }
0xd1: {  	(tm) =	ssettm $0x7FFFFFFF  }
tec
execute0_lowered:
.L_overlay_start_1:
0x0: {  	(tag) =	ssettag $0x1  }
0x1: {  	s8 =	rddreg [dreg:$0x0];
	s0 =	srdreg.scid  }
0x2: {  	s2 =	rddreg [dreg:$0x1];
	s1 =	stileid.u32;
	s3 =	simm.s32 $0x0  }
0x3: {  	s15 =	simm.s32 $0x13C80;
	s16 =	simm.s32 $0x13D00;
	s17 =	simm.s32 $0x3  }
0x4: {  	s20 =	simm.s32 $0x1;
	s21 =	simm.s32 $0x78;
	s10 =	smul.u32 $0x13C00, s1  }
0x5: {  	s22 =	simm.s32 $0x2;
	s23 =	simm.s32 $0x0;
	s5 =	smul.u32 $0x2C00, s1  }
0x6: {  	s9 =	sand.u32 $0x1, s0;
	s0 =	rddreg [dreg:$0x2];
	s30 =	smul.u32 $0x4F000, s1  }
0x7: {  	[smem:$0x7FF] =	sst s3;
	s4 =	sadd.s32 $0x2E00, s8;
	s7 =	smul.u32 $0x13C000, s9  }
0x8: {  	s6 =	sadd.s32 $0x63600, s8;
	s18 =	sshll.u32 s1, $0x6;
	s11 =	smul.u32 $0x1500, s9  }
0x9: {  	_ =	strace $0x8000004A;
	s12 =	sshll.u32 s9, $0x8;
	s28 =	ssub.s32 $0x2, s9  }
0xa: {  	s18 =	sor.u32 $0x1C03, s18;
	s14 =	sshrl.u32 s28, $0x1;
	s31 =	sshrl.u32 s30, $0x2  }
0xb: {  	s7 =	sadd.s32 s10, s7;
	s24 =	sand.u32 $0x1C00, s11;
	s14 =	ssub.s32 s28, s14  }
0xc: {  	s19 =	sadd.s32 s31, s2;
	s25 =	sshrl.u32 s7, $0x3;
	s10 =	sadd.s32 s5, s24  }
0xd: {  	s7 =	sadd.s32 $0x62E00, s8;
	s19 =	sshrl.u32 s19, $0x3;
	s26 =	sor.u32 s12, s10  }
0xe: {  	s13 =	sadd.s32 s25, s8;
	s8 =	smul.u32 $0x2A, s9;
	s29 =	sshrl.u32 s26, $0x3  }
0xf: {  	s12 =	sadd.s32 $0x65E00, s13;
	s13 =	smax.u32 s14, $0x1;
	s9 =	sadd.s32 s4, s29  }
0x10: {  	s14 =	simm.s32 $0x13C00;
	s11 =	sadd.s32 $0x28, s8;
	s10 =	sadd.s32 $0x10, s9  }
.LBB2_1:
0x11: {  	[tilespmem:s14], [sflag:$0x1] =	stream.linear.gather [hbm4b:s9+s3], $0x80, $0x38;
	[tilespmem:$0x17900] =	vst v63  }
0x12: {  	_ = 	snop  }
0x13: {  	[tilespmem:s15], [sflag:$0x2] =	stream.linear.gather [hbm4b:s10+s3], $0x80, $0x38;
	[tilespmem:$0x17900] =	vst v63  }
0x14: {  	_ = 	snop  }
0x15: {  	[tilespmem:s16], [sflag:$0x3] =	stream.linear.gather [hbm4b:s7+s3], $0x3C00, $0x38;
	[tilespmem:$0x17900] =	vst v63  }
0x16: {  	_ =	swait.ge [sflag:s17], $0x3C00  }
0x17: {  	[sflag:s17] =	ssyncset.done $0x0  }
0x18: {  	[sflag:s17] =	ssyncadd.s32 $0xFFFFC400  }
0x19: {  	[spmem:s19], [sflag:s18] =	dma.local [hbm:s6], $0x2780  }
0x1a: {  	_ =	swait.ge [sflag:s17], $0x2780  }
0x1b: {  	s24 =	sadd.s32 $0x2, s8;
	[sflag:s17] =	ssyncset.done $0x0  }
0x1c: {  	s25 =	smov.u32 s11;
	p0 =	slt.s32 s24, s11;
	[sflag:s17] =	ssyncadd.s32 $0xFFFFD880  }
0x1d: {  	s25 =	smov.u32 @p0 s24;
	[bflag:$0x0] =	sbarrier.arrive $0xFFFF  }
0x1e: {  	s24 =	sshll.u32 s25, $0x7;
	_ =	swait.ge [sflag:s20], $0x80  }
0x1f: {  	s25 =	sand.u32 $0x3C00, s24;
	[sflag:s20] =	ssyncset.done $0x0  }
0x20: {  	s24 =	sand.u32 $0x300, s24;
	s25 =	sadd.s32 s5, s25;
	[sflag:s20] =	ssyncadd.s32 $0xFFFFFF80  }
0x21: {  	[spmem:s2] =	stream.indirect.scatter.add.f32 [tilespmem:s16], [sflag:$0x3], $0x80, s14, s21, $0xb8;
	[tilespmem:$0x17900] =	vst v63  }
0x22: {  	s24 =	sor.u32 s24, s25;
	_ =	swait.ge [sflag:s17], $0x3C00  }
0x23: {  	s24 =	sshrl.u32 s24, $0x3;
	[sflag:s17] =	ssyncset.done $0x0  }
0x24: {  	s26 =	sadd.s32 s4, s24;
	[sflag:s17] =	ssyncadd.s32 $0xFFFFC400  }
0x25: {  	[tilespmem:s14], [sflag:$0x1] =	stream.linear.gather [hbm4b:s26+s3], $0x80, $0x38;
	[tilespmem:$0x17900] =	vst v63  }
0x26: {  	_ =	swait.ge [sflag:s22], $0x80  }
0x27: {  	[sflag:s22] =	ssyncset.done $0x0  }
0x28: {  	s25 =	simm.s32 $0x6;
	s24 =	simm.s32 $0x4;
	[sflag:s22] =	ssyncadd.s32 $0xFFFFFF80  }
0x29: {  	[spmem:s2] =	stream.indirect.scatter.add.f32 [tilespmem:s16], [sflag:$0x3], $0x80, s15, s21, $0xb8;
	[tilespmem:$0x17900] =	vst v63  }
.LBB2_2:
0x2a: {  	p0 =	sne.s32 s25, $0x2A  }
0x2b: {  	s28 =	sadd.s32 s24, s8;
	s24 =	smov.u32 s25;
	s25 =	sadd.s32 $0x2, s25  }
0x2c: {  	s29 =	smov.u32 s11;
	p1 =	slt.s32 s28, s11;
	_ =	swait.ge [sflag:s17], $0x3C00  }
0x2d: {  	s29 =	smov.u32 @p1 s28;
	[sflag:s17] =	ssyncset.done $0x0  }
0x2e: {  	s26 =	sadd.s32 $0x10, s26;
	s28 =	sshll.u32 s29, $0x7;
	[sflag:s17] =	ssyncadd.s32 $0xFFFFC400  }
0x2f: {  	[tilespmem:s15], [sflag:$0x2] =	stream.linear.gather [hbm4b:s26+s3], $0x80, $0x38;
	[tilespmem:$0x17900] =	vst v63  }
0x30: {  	s26 =	sand.u32 $0x3C00, s28;
	_ =	swait.ge [sflag:s20], $0x80  }
0x31: {  	s28 =	sand.u32 $0x300, s28;
	s26 =	sadd.s32 s5, s26;
	[sflag:s20] =	ssyncset.done $0x0  }
0x32: {  	s26 =	sor.u32 s28, s26;
	[sflag:s20] =	ssyncadd.s32 $0xFFFFFF80  }
0x33: {  	[spmem:s2] =	stream.indirect.scatter.add.f32 [tilespmem:s16], [sflag:$0x3], $0x80, s14, s21, $0xb8;
	[tilespmem:$0x17900] =	vst v63  }
0x34: {  	s26 =	sshrl.u32 s26, $0x3;
	_ =	swait.ge [sflag:s17], $0x3C00  }
0x35: {  	[sflag:s17] =	ssyncset.done $0x0  }
0x36: {  	s26 =	sadd.s32 s4, s26;
	[sflag:s17] =	ssyncadd.s32 $0xFFFFC400  }
0x37: {  	[tilespmem:s14], [sflag:$0x1] =	stream.linear.gather [hbm4b:s26+s3], $0x80, $0x38;
	[tilespmem:$0x17900] =	vst v63  }
.Ltmp0:
0x38: {  	_ = 	snop;
	(pc) =	sbr.rel @p0 .LBB2_2-.Ltmp0, $4  }
0x39: {  	_ =	swait.ge [sflag:s22], $0x80  }
0x3a: {  	[sflag:s22] =	ssyncset.done $0x0  }
0x3b: {  	[sflag:s22] =	ssyncadd.s32 $0xFFFFFF80  }
0x3c: {  	[spmem:s2] =	stream.indirect.scatter.add.f32 [tilespmem:s16], [sflag:$0x3], $0x80, s15, s21, $0xb8;
	[tilespmem:$0x17900] =	vst v63  }
0x3d: {  	s24 =	sadd.s32 s24, s8;
	_ =	swait.ge [sflag:s17], $0x3C00  }
0x3e: {  	s25 =	smov.u32 s11;
	p0 =	slt.s32 s24, s11;
	[sflag:s17] =	ssyncset.done $0x0  }
0x3f: {  	s30 =	sadd.s32 $0x10, s26;
	s25 =	smov.u32 @p0 s24;
	[sflag:s17] =	ssyncadd.s32 $0xFFFFC400  }
0x40: {  	[tilespmem:s15], [sflag:$0x2] =	stream.linear.gather [hbm4b:s30+s3], $0x80, $0x38;
	[tilespmem:$0x17900] =	vst v63  }
0x41: {  	s31 =	sshll.u32 s25, $0x7;
	_ =	swait.ge [sflag:s20], $0x80  }
0x42: {  	s25 =	sand.u32 $0x3C00, s31;
	[sflag:s20] =	ssyncset.done $0x0  }
0x43: {  	s24 =	sand.u32 $0x300, s31;
	s25 =	sadd.s32 s5, s25;
	[sflag:s20] =	ssyncadd.s32 $0xFFFFFF80  }
0x44: {  	[spmem:s2] =	stream.indirect.scatter.add.f32 [tilespmem:s16], [sflag:$0x3], $0x80, s14, s21, $0xb8;
	[tilespmem:$0x17900] =	vst v63  }
0x45: {  	s24 =	sor.u32 s24, s25;
	_ =	swait.ge [sflag:s17], $0x3C00  }
0x46: {  	s24 =	sshrl.u32 s24, $0x3;
	[sflag:s17] =	ssyncset.done $0x0  }
0x47: {  	s24 =	sadd.s32 s4, s24;
	[sflag:s17] =	ssyncadd.s32 $0xFFFFC400  }
0x48: {  	[tilespmem:s14], [sflag:$0x1] =	stream.linear.gather [hbm4b:s24+s3], $0x80, $0x38;
	[tilespmem:$0x17900] =	vst v63  }
0x49: {  	_ =	swait.ge [sflag:s22], $0x80  }
0x4a: {  	[sflag:s22] =	ssyncset.done $0x0  }
0x4b: {  	[sflag:s22] =	ssyncadd.s32 $0xFFFFFF80  }
0x4c: {  	[spmem:s2] =	stream.indirect.scatter.add.f32 [tilespmem:s16], [sflag:$0x3], $0x80, s15, s21, $0xb8;
	[tilespmem:$0x17900] =	vst v63  }
0x4d: {  	_ =	swait.ge [sflag:s17], $0x3C00  }
0x4e: {  	[sflag:s17] =	ssyncset.done $0x0  }
0x4f: {  	s24 =	sadd.s32 $0x10, s24;
	[sflag:s17] =	ssyncadd.s32 $0xFFFFC400  }
0x50: {  	[tilespmem:s15], [sflag:$0x2] =	stream.linear.gather [hbm4b:s24+s3], $0x80, $0x38;
	[tilespmem:$0x17900] =	vst v63  }
0x51: {  	_ =	swait.ge [sflag:s20], $0x80  }
0x52: {  	[sflag:s20] =	ssyncset.done $0x0  }
0x53: {  	[sflag:s20] =	ssyncadd.s32 $0xFFFFFF80  }
0x54: {  	_ =	swait.ge [sflag:s22], $0x80  }
0x55: {  	s23 =	sadd.s32 $0x1, s23;
	[sflag:s22] =	ssyncset.done $0x0  }
0x56: {  	p0 =	sne.s32 s23, s13;
	[sflag:s22] =	ssyncadd.s32 $0xFFFFFF80  }
.Ltmp1:
0x57: {  	[bflag:$0x0] =	sbarrier.arrive $0xFFFF;
	(pc) =	sbr.rel @p0 .LBB2_1-.Ltmp1, $4  }
0x58: {  	[hbm:s12], [sflag:s18] =	dma.local [spmem:s19], $0x2780  }
0x59: {  	_ =	swait.ge [sflag:s17], $0x2780  }
0x5a: {  	[sflag:s17] =	ssyncset.done $0x0  }
0x5b: {  	[sflag:s17] =	ssyncadd.s32 $0xFFFFD880  }
0x5c: {  	_ =	sfence.sel $0x180000  }
0x5d: {  	[bflag:$0x0] =	sbarrier.arrive $0xFFFF  }
0x5e: {  	p0 =	sne.s32 s1, $0x0;
	_ =	strace $0x9000004A  }
0x5f: {  	s0 =	sadd.s32 @!p0 $0x100000, s0;
	[bflag:$0x2] =	sbarrier.arrive $0xFFFF  }
0x60: {  	[sflag:s0] =	ssyncadd.tile.s32 @!p0 $0x1;
	_ =	shalt  }
.Lfunc_end2:
_tile_overlayer_lowered:
.L_overlay_start_2:
0x61: {  	(tag) =	ssettag $0x2  }
0x62: {  	s0 =	rddreg [dreg:$0x0];
	s2 =	stileid.u32  }
0x63: {  	s1 =	rddreg [dreg:$0x1];
	p0 =	sne.s32 s2, $0x0  }
0x64: {  	s3 =	rddreg [dreg:$0x2];
	[bflag:$0x3] =	sbarrier.arrive $0xFFFF;
	s2 =	simm.s32 @!p0 $0x1C03  }
0x65: {  	[timem:s3], [sflag:s2] =	dma.local @!p0 [hbm:s0], s1  }
0x66: {  	s0 =	simm.s32 @!p0 $0x3  }
0x67: {  	_ =	swait.ge @!p0 [sflag:s0], s1  }
0x68: {  	s1 =	ssub.s32 @!p0 $0x0, s1;
	[sflag:s0] =	ssyncset.done @!p0 $0x0  }
0x69: {  	[sflag:s0] =	ssyncadd.s32 @!p0 s1  }
0x6a: {  	[bflag:$0x3] =	sbarrier.arrive $0xFFFF  }
0x6b: {  	_ =	shalt  }

</sc_bundles>
